<compile_context>
chip_gen: v7x
topology: tpu7x:2x2x1
jax: 0.10.2.dev20260603
libtpu: 0.0.44.dev20260713+nightly
codegen_flags: <defaults>
</compile_context>

<pallas_src>
import functools

import jax
import jax.numpy as jnp
from jax import lax
from jax.experimental import pallas as pl
from jax.experimental.pallas import tpu as pltpu
from jax.experimental.pallas import tpu_sc as plsc

_NC = 2
_NS = 16
_LANES = 16


def _build_sc_kernel(B, L, Lc, D):
    NW = _NC * _NS
    WPB = NW // B
    TW = L // WPB
    C = 32
    NCH = TW // C
    NV = TW // _LANES
    ND = D // _LANES
    UNR = 8

    mesh = plsc.VectorSubcoreMesh(core_axis_name="c", subcore_axis_name="s")

    @functools.partial(
        pl.kernel,
        out_type=jax.ShapeDtypeStruct((B * L, D), jnp.float32),
        mesh=mesh,
        scratch_types=[
            pltpu.VMEM((L,), jnp.int32),
            pltpu.VMEM((TW,), jnp.int32),
            pltpu.VMEM((TW,), jnp.float32),
            pltpu.VMEM((_LANES,), jnp.int32),
            pltpu.VMEM((C + 8, D), jnp.float32),
            pltpu.VMEM((C + 8, D), jnp.float32),
            pltpu.VMEM((C + 8, D), jnp.float32),
            pltpu.SMEM((TW,), jnp.float32),
            pltpu.SemaphoreType.DMA,
            pltpu.SemaphoreType.DMA,
        ],
        compiler_params=pltpu.CompilerParams(needs_layout_passes=False),
    )
    def dechunk(z_hbm, p_hbm, b_hbm, out_hbm,
                b_v, idx_v, p_v, pidx_v, rows0, rows1, rows2, p_s,
                gsem, osem):
        wid = lax.axis_index("s") * _NC + lax.axis_index("c")
        batch = wid // WPB
        slot = wid % WPB
        t0 = slot * TW
        zbase = batch * Lc
        obase = batch * L + t0

        pltpu.sync_copy(b_hbm.at[pl.ds(batch * L, L)], b_v)
        pltpu.sync_copy(p_hbm.at[pl.ds(obase, TW)], p_v)

        def pref_body(j, acc):
            bv = b_v[pl.ds(j * _LANES, _LANES)]
            return acc + jnp.where(bv == 1, 1, 0).astype(jnp.int32)

        acc0 = lax.fori_loop(
            0, slot * NV, pref_body, jnp.zeros((_LANES,), jnp.int32))
        carry0 = jnp.sum(acc0)

        def scan_body(j, carry):
            bv = b_v[pl.ds(t0 + j * _LANES, _LANES)]
            bb = jnp.where(bv == 1, 1, 0).astype(jnp.int32)
            incl = plsc.cumsum(bb)
            excl = carry + (incl - bb)
            idx_v[pl.ds(j * _LANES, _LANES)] = jnp.minimum(excl, Lc - 1) + zbase
            return carry + incl[_LANES - 1]

        NV2 = (2 * C) // _LANES
        carry_mid = lax.fori_loop(0, NV2, scan_body, carry0)

        bv_last = b_v[pl.ds(jnp.maximum(t0 - _LANES, 0), _LANES)]
        bb_last = jnp.where(bv_last[_LANES - 1] == 1, 1, 0).astype(jnp.int32)
        prev_idx = jnp.where(
            t0 > 0, jnp.minimum(carry0 - bb_last, Lc - 1), 0) + zbase
        pidx_v[pl.ds(0, _LANES)] = jnp.full((_LANES,), prev_idx, jnp.int32)
        prefill = pltpu.async_copy(
            z_hbm.at[pidx_v.at[pl.ds(0, 8)]], rows0.at[pl.ds(0, 8)], gsem)

        pltpu.async_copy(
            z_hbm.at[idx_v.at[pl.ds(0, C)]], rows0.at[pl.ds(8, C)], gsem)
        pltpu.async_copy(
            z_hbm.at[idx_v.at[pl.ds(C, C)]], rows1.at[pl.ds(8, C)], gsem)

        lax.fori_loop(NV2, NV, scan_body, carry_mid)

        def pfill_body(j, _):
            v = p_v[pl.ds(j * _LANES, _LANES)]
            for lane in range(_LANES):
                p_s[j * _LANES + lane] = v[lane]
            return 0

        lax.fori_loop(0, NV, pfill_body, 0)
        prefill.wait()

        def copy_last(src, dst):
            def cp_body(dj, _):
                dst[7, pl.ds(dj * _LANES, _LANES)] = (
                    src[C + 7, pl.ds(dj * _LANES, _LANES)])
                return 0

            lax.fori_loop(0, ND, cp_body, 0)

        def blend(buf, s):
            def d_body(dj, _):
                col = dj * _LANES
                prev0 = buf[7, pl.ds(col, _LANES)]

                def i_body(u, prev):
                    for step in range(UNR):
                        i = u * UNR + step
                        pv = jnp.full((_LANES,), p_s[s + i], jnp.float32)
                        cur = buf[8 + i, pl.ds(col, _LANES)]
                        buf[8 + i, pl.ds(col, _LANES)] = prev + pv * (cur - prev)
                        prev = cur
                    return prev

                lax.fori_loop(0, C // UNR, i_body, prev0)
                return 0

            lax.fori_loop(0, ND, d_body, 0)

        def phase(k, buf_a, buf_n, buf_g):
            k = jnp.int32(k)
            s = k * C
            pltpu.make_async_copy(
                z_hbm.at[pl.ds(0, C)], buf_a.at[pl.ds(8, C)], gsem).wait()
            copy_last(buf_a, buf_n)
            blend(buf_a, s)
            pltpu.async_copy(
                buf_a.at[pl.ds(8, C)], out_hbm.at[pl.ds(obase + s, C)], osem)

            @pl.when(k >= 1)
            def _():
                pltpu.make_async_copy(
                    buf_g.at[pl.ds(8, C)], out_hbm.at[pl.ds(0, C)], osem
                ).wait()

            @pl.when(k + 2 < NCH)
            def _():
                pltpu.async_copy(
                    z_hbm.at[idx_v.at[pl.ds((k + 2) * C, C)]],
                    buf_g.at[pl.ds(8, C)], gsem)


        def triple_body(g, _):
            k = 3 * g
            phase(k, rows0, rows1, rows2)
            phase(k + 1, rows1, rows2, rows0)
            phase(k + 2, rows2, rows0, rows1)
            return 0

        NT = NCH // 3
        lax.fori_loop(0, NT, triple_body, 0)
        for k in range(3 * NT, NCH):
            b = k % 3
            bufs = (rows0, rows1, rows2)
            phase(k, bufs[b], bufs[(b + 1) % 3], bufs[(b + 2) % 3])
        pltpu.make_async_copy(
            rows0.at[pl.ds(8, C)], out_hbm.at[pl.ds(0, C)], osem).wait()

    return dechunk


def kernel(z, p, b, original_len):
    B, Lc, D = z.shape
    L = p.shape[1]
    z2d = z.reshape(B * Lc, D)
    p1 = p.reshape(B * L)
    b1 = b.reshape(B * L).astype(jnp.int32)
    out = _build_sc_kernel(B, L, Lc, D)(z2d, p1, b1)
    return out.reshape(B, L, D)

# --- scband reference (transcript-rebuilt; emitter-appended) ---
"""Pipeline reference for scband-dechunking-layer-32839319945812 (READ-ONLY COPY).

The authoritative reference and input builder live on the scoring server;
editing this copy changes nothing except your own understanding.
"""

import jax, jax.numpy as jnp
import numpy as np


def setup_inputs(seed: int = 0) -> dict:
    key = jax.random.key(seed)
    k1, k2, k3 = jax.random.split(key, 3)
    z = jax.random.normal(k1, (8, 2048, 1024), dtype=jnp.float32)
    p = jax.random.uniform(k2, (8, 4096), dtype=jnp.float32)
    b = jax.random.randint(k3, (8, 4096), 0, 2, dtype=jnp.int32)
    return {"z": z, "p": p, "b": b, "original_len": 4096}


def reference(z, p, b, original_len):
    # Vectorized equivalent of the per-timestep dechunking loop:
    # idx at time t is the number of boundaries (b==1) strictly before t,
    # clamped so that once idx reaches chunk_len we keep using z[:, -1].
    B, L_chunk, D = z.shape
    bb = (b == 1).astype(jnp.int32)                      # [B, original_len]
    inclusive = jnp.cumsum(bb, axis=1)                   # boundaries up to and including t
    idx = inclusive - bb                                 # exclusive cumsum = boundaries strictly before t
    idx = jnp.clip(idx, 0, L_chunk - 1)                  # idx >= chunk_len -> use last chunk z[:, -1]
    upsampled = jnp.take_along_axis(z, idx[:, :, None], axis=1)  # [B, original_len, D]
    coef = p[:, :, None]
    rolled = jnp.roll(upsampled, shift=1, axis=1)
    smoothed = coef * upsampled + (1.0 - coef) * rolled
    smoothed = smoothed.at[:, 0].set(upsampled[:, 0])
    return smoothed

if __name__ == "__main__":
    import jax
    _d = setup_inputs()
    print(jax.jit(kernel)(*tuple(_d.values())))

</pallas_src>

<mosaic_0001>
#map = affine_map<(d0, d1) -> (0, 0)>
#map1 = affine_map<(d0, d1) -> (0)>
module attributes {stable_mosaic.version = 14 : i64} {
  func.func @dechunk(%arg0: i32, %arg1: i32, %arg2: memref<16384x1024xf32, #tpu.memory_space<hbm>>, %arg3: memref<32768xf32, #tpu.memory_space<hbm>>, %arg4: memref<32768xi32, #tpu.memory_space<hbm>>, %arg5: memref<32768x1024xf32, #tpu.memory_space<hbm>>, %arg6: memref<4096xi32, #tpu.memory_space<vmem>>, %arg7: memref<1024xi32, #tpu.memory_space<vmem>>, %arg8: memref<1024xf32, #tpu.memory_space<vmem>>, %arg9: memref<16xi32, #tpu.memory_space<vmem>>, %arg10: memref<40x1024xf32, #tpu.memory_space<vmem>>, %arg11: memref<40x1024xf32, #tpu.memory_space<vmem>>, %arg12: memref<40x1024xf32, #tpu.memory_space<vmem>>, %arg13: memref<1024xf32, #tpu.memory_space<smem>>, %arg14: memref<!tpu.dma_semaphore, #tpu.memory_space<semaphore_mem>>, %arg15: memref<!tpu.dma_semaphore, #tpu.memory_space<semaphore_mem>>) attributes {dimension_semantics = [#tpu.dimension_semantics<core_parallel>, #tpu.dimension_semantics<subcore_parallel>], iteration_bounds = array<i64: 2, 16>, scalar_prefetch = 0 : i64, scratch_operands = 10 : i64, tpu.core_type = #tpu.core_type<sc_vector_subcore>, window_params = [{transform_indices = #map}, {transform_indices = #map1}, {transform_indices = #map1}, {transform_indices = #map}]} {
    %mul3A = arith.constant 2 : i32
    %mul3A_0 = arith.muli %arg1, %mul3A : i32
    %add3A = arith.addi %mul3A_0, %arg0 : i32
    %jit3A = arith.constant 4 : i32
    %div3A = arith.divsi %add3A, %jit3A : i32
    %sign3A = arith.constant 0 : i32
    %sign3A_1 = arith.cmpi sgt, %add3A, %sign3A : i32
    %sign3A_2 = arith.extui %sign3A_1 : i1 to i32
    %sign3A_3 = arith.constant 0 : i32
    %sign3A_4 = arith.cmpi slt, %add3A, %sign3A_3 : i32
    %sign3A_5 = arith.extui %sign3A_4 : i1 to i32
    %sign3A_6 = arith.subi %sign3A_2, %sign3A_5 : i32
    %sign3A_7 = arith.constant 0 : i32
    %sign3A_8 = arith.cmpi sgt, %jit3A, %sign3A_7 : i32
    %sign3A_9 = arith.extui %sign3A_8 : i1 to i32
    %sign3A_10 = arith.constant 0 : i32
    %sign3A_11 = arith.cmpi slt, %jit3A, %sign3A_10 : i32
    %sign3A_12 = arith.extui %sign3A_11 : i1 to i32
    %sign3A_13 = arith.subi %sign3A_9, %sign3A_12 : i32
    %ne3A = arith.cmpi ne, %sign3A_6, %sign3A_13 : i32
    %rem3A = arith.remsi %add3A, %jit3A : i32
    %ne3A_14 = arith.constant 0 : i32
    %ne3A_15 = arith.cmpi ne, %rem3A, %ne3A_14 : i32
    %and3A = arith.andi %ne3A, %ne3A_15 : i1
    %sub3A = arith.constant 1 : i32
    %sub3A_16 = arith.subi %div3A, %sub3A : i32
    %select_n3A = arith.select %and3A, %sub3A_16, %div3A : i32
    %jit3A_17 = arith.constant 4 : i32
    %eq3A = arith.constant 0 : i32
    %eq3A_18 = arith.cmpi eq, %jit3A_17, %eq3A : i32
    %jit3A_19 = arith.constant 1 : i32
    %select_n3A_20 = arith.select %eq3A_18, %jit3A_19, %jit3A_17 : i32
    %rem3A_21 = arith.remsi %add3A, %select_n3A_20 : i32
    %ne3A_22 = arith.constant 0 : i32
    %ne3A_23 = arith.cmpi ne, %rem3A_21, %ne3A_22 : i32
    %lt3A = arith.constant 0 : i32
    %lt3A_24 = arith.cmpi slt, %rem3A_21, %lt3A : i32
    %lt3A_25 = arith.constant 0 : i32
    %lt3A_26 = arith.cmpi slt, %select_n3A_20, %lt3A_25 : i32
    %ne3A_27 = arith.xori %lt3A_24, %lt3A_26 : i1
    %and3A_28 = arith.andi %ne3A_27, %ne3A_23 : i1
    %add3A_29 = arith.addi %rem3A_21, %select_n3A_20 : i32
    %select_n3A_30 = arith.select %and3A_28, %add3A_29, %rem3A_21 : i32
    %mul3A_31 = arith.constant 1024 : i32
    %mul3A_32 = arith.muli %select_n3A_30, %mul3A_31 : i32
    %mul3A_33 = arith.constant 2048 : i32
    %mul3A_34 = arith.muli %select_n3A, %mul3A_33 : i32
    %mul3A_35 = arith.constant 4096 : i32
    %mul3A_36 = arith.muli %select_n3A, %mul3A_35 : i32
    %add3A_37 = arith.addi %mul3A_36, %mul3A_32 : i32
    %mul3A_38 = arith.constant 4096 : i32
    %mul3A_39 = arith.muli %select_n3A, %mul3A_38 : i32
    "tpu.region"() ({
      %run_scoped3A = tpu.sem_alloc : memref<!tpu.dma_semaphore, #tpu.memory_space<semaphore_mem>>
      %dma_start3A_247 = tpu.memref_slice %arg4[%mul3A_39] : memref<32768xi32, #tpu.memory_space<hbm>> -> memref<4096xi32, #tpu.memory_space<hbm>>
      %dma_start3A_248 = tpu.memref_slice %arg4[%mul3A_39] : memref<32768xi32, #tpu.memory_space<hbm>> -> memref<4096xi32, #tpu.memory_space<hbm>>
      tpu.enqueue_dma source(%dma_start3A_248 : memref<4096xi32, #tpu.memory_space<hbm>>) target(%arg6 : memref<4096xi32, #tpu.memory_space<vmem>>) target_semaphore(%run_scoped3A : memref<!tpu.dma_semaphore, #tpu.memory_space<semaphore_mem>>)
      %dma_wait3A_249 = tpu.memref_slice %arg4[%mul3A_39] : memref<32768xi32, #tpu.memory_space<hbm>> -> memref<4096xi32, #tpu.memory_space<hbm>>
      %dma_wait3A_250 = tpu.memref_slice %arg4[%mul3A_39] : memref<32768xi32, #tpu.memory_space<hbm>> -> memref<4096xi32, #tpu.memory_space<hbm>>
      tpu.wait_dma2 semaphore(%run_scoped3A : memref<!tpu.dma_semaphore, #tpu.memory_space<semaphore_mem>>) src(%dma_wait3A_250 : memref<4096xi32, #tpu.memory_space<hbm>>) dst(%arg6 : memref<4096xi32, #tpu.memory_space<vmem>>)
      tpu.yield
    }) : () -> ()
    "tpu.region"() ({
      %run_scoped3A = tpu.sem_alloc : memref<!tpu.dma_semaphore, #tpu.memory_space<semaphore_mem>>
      %dma_start3A_247 = tpu.memref_slice %arg3[%add3A_37] : memref<32768xf32, #tpu.memory_space<hbm>> -> memref<1024xf32, #tpu.memory_space<hbm>>
      %dma_start3A_248 = tpu.memref_slice %arg3[%add3A_37] : memref<32768xf32, #tpu.memory_space<hbm>> -> memref<1024xf32, #tpu.memory_space<hbm>>
      tpu.enqueue_dma source(%dma_start3A_248 : memref<1024xf32, #tpu.memory_space<hbm>>) target(%arg8 : memref<1024xf32, #tpu.memory_space<vmem>>) target_semaphore(%run_scoped3A : memref<!tpu.dma_semaphore, #tpu.memory_space<semaphore_mem>>)
      %dma_wait3A_249 = tpu.memref_slice %arg3[%add3A_37] : memref<32768xf32, #tpu.memory_space<hbm>> -> memref<1024xf32, #tpu.memory_space<hbm>>
      %dma_wait3A_250 = tpu.memref_slice %arg3[%add3A_37] : memref<32768xf32, #tpu.memory_space<hbm>> -> memref<1024xf32, #tpu.memory_space<hbm>>
      tpu.wait_dma2 semaphore(%run_scoped3A : memref<!tpu.dma_semaphore, #tpu.memory_space<semaphore_mem>>) src(%dma_wait3A_250 : memref<1024xf32, #tpu.memory_space<hbm>>) dst(%arg8 : memref<1024xf32, #tpu.memory_space<vmem>>)
      tpu.yield
    }) : () -> ()
    %mul3A_40 = arith.constant 64 : i32
    %mul3A_41 = arith.muli %select_n3A_30, %mul3A_40 : i32
    %broadcast_in_dim3A = arith.constant 0 : i32
    %broadcast_in_dim3A_42 = vector.broadcast %broadcast_in_dim3A : i32 to vector<16xi32>
    %while3A = arith.constant 0 : i32
    %while3A_43 = arith.subi %mul3A_41, %while3A : i32
    %while3A_44 = arith.addi %while3A, %while3A_43 : i32
    %while3A_45 = arith.constant 1 : i32
    %while3A_46 = arith.divsi %while3A_43, %while3A_45 : i32
    %while3A_47 = arith.muli %while3A_46, %while3A_45 : i32
    %while3A_48 = arith.addi %while3A, %while3A_47 : i32
    %while3A_49 = arith.constant 1 : i32
    %while3A_50 = scf.for %while3A_247 = %while3A to %while3A_48 step %while3A_49 iter_args(%while3A_248 = %broadcast_in_dim3A_42) -> (vector<16xi32>)  : i32 {
      %mul3A_249 = arith.constant 16 : i32
      %mul3A_250 = arith.muli %while3A_247, %mul3A_249 : i32
      %get3A_251 = arith.index_cast %mul3A_250 : i32 to index
      %get3A_252 = tpu.vector_load %arg6[%get3A_251] {strides = array<i32>} : memref<4096xi32, #tpu.memory_space<vmem>>, vector<16xi32>,
      %eq3A_253 = arith.constant 1 : i32
      %eq3A_254 = vector.broadcast %eq3A_253 : i32 to vector<16xi32>
      %eq3A_255 = arith.cmpi eq, %get3A_252, %eq3A_254 : vector<16xi32>
      %jit3A_256 = arith.constant 1 : i32
      %jit3A_257 = arith.constant 0 : i32
      %broadcast_in_dim3A_258 = vector.broadcast %jit3A_256 : i32 to vector<16xi32>
      %broadcast_in_dim3A_259 = vector.broadcast %jit3A_257 : i32 to vector<16xi32>
      %select_n3A_260 = arith.select %eq3A_255, %broadcast_in_dim3A_258, %broadcast_in_dim3A_259 : vector<16xi1>, vector<16xi32>
      %add3A_261 = arith.addi %while3A_248, %select_n3A_260 : vector<16xi32>
      scf.yield %add3A_261 : vector<16xi32>
    }
    %while3A_51 = arith.constant 1 : i32
    %while3A_52 = scf.for %while3A_247 = %while3A_48 to %while3A_44 step %while3A_51 iter_args(%while3A_248 = %while3A_50) -> (vector<16xi32>)  : i32 {
      %mul3A_249 = arith.constant 16 : i32
      %mul3A_250 = arith.muli %while3A_247, %mul3A_249 : i32
      %get3A_251 = arith.index_cast %mul3A_250 : i32 to index
      %get3A_252 = tpu.vector_load %arg6[%get3A_251] {strides = array<i32>} : memref<4096xi32, #tpu.memory_space<vmem>>, vector<16xi32>,
      %eq3A_253 = arith.constant 1 : i32
      %eq3A_254 = vector.broadcast %eq3A_253 : i32 to vector<16xi32>
      %eq3A_255 = arith.cmpi eq, %get3A_252, %eq3A_254 : vector<16xi32>
      %jit3A_256 = arith.constant 1 : i32
      %jit3A_257 = arith.constant 0 : i32
      %broadcast_in_dim3A_258 = vector.broadcast %jit3A_256 : i32 to vector<16xi32>
      %broadcast_in_dim3A_259 = vector.broadcast %jit3A_257 : i32 to vector<16xi32>
      %select_n3A_260 = arith.select %eq3A_255, %broadcast_in_dim3A_258, %broadcast_in_dim3A_259 : vector<16xi1>, vector<16xi32>
      %add3A_261 = arith.addi %while3A_248, %select_n3A_260 : vector<16xi32>
      scf.yield %add3A_261 : vector<16xi32>
    }
    %reduce_sum3A = arith.constant true
    %reduce_sum3A_53 = vector.broadcast %reduce_sum3A : i1 to vector<16xi1>
    %reduce_sum3A_54 = tpu.scan <sum>, %while3A_52 masked %reduce_sum3A_53 : vector<16xi32>, vector<16xi1> -> vector<16xi32>
    %reduce_sum3A_55 = vector.extract %reduce_sum3A_54[15] : i32 from vector<16xi32>
    %scan3A = arith.constant 0 : i32
    %scan3A_56 = arith.constant 4 : i32
    %scan3A_57 = arith.addi %scan3A, %scan3A_56 : i32
    %scan3A_58 = arith.constant 1 : i32
    %scan3A_59 = scf.for %scan3A_247 = %scan3A to %scan3A_57 step %scan3A_58 iter_args(%scan3A_248 = %reduce_sum3A_55) -> (i32)  : i32 {
      %mul3A_249 = arith.constant 16 : i32
      %mul3A_250 = arith.muli %scan3A_247, %mul3A_249 : i32
      %add3A_251 = arith.addi %mul3A_32, %mul3A_250 : i32
      %get3A_252 = arith.index_cast %add3A_251 : i32 to index
      %get3A_253 = tpu.vector_load %arg6[%get3A_252] {strides = array<i32>} : memref<4096xi32, #tpu.memory_space<vmem>>, vector<16xi32>,
      %eq3A_254 = arith.constant 1 : i32
      %eq3A_255 = vector.broadcast %eq3A_254 : i32 to vector<16xi32>
      %eq3A_256 = arith.cmpi eq, %get3A_253, %eq3A_255 : vector<16xi32>
      %jit3A_257 = arith.constant 1 : i32
      %jit3A_258 = arith.constant 0 : i32
      %broadcast_in_dim3A_259 = vector.broadcast %jit3A_257 : i32 to vector<16xi32>
      %broadcast_in_dim3A_260 = vector.broadcast %jit3A_258 : i32 to vector<16xi32>
      %select_n3A_261 = arith.select %eq3A_256, %broadcast_in_dim3A_259, %broadcast_in_dim3A_260 : vector<16xi1>, vector<16xi32>
      %broadcast_in_dim3A_262 = arith.constant true
      %broadcast_in_dim3A_263 = vector.broadcast %broadcast_in_dim3A_262 : i1 to vector<16xi1>
      %masked_cumsum3A = tpu.scan <sum>, %select_n3A_261 masked %broadcast_in_dim3A_263 : vector<16xi32>, vector<16xi1> -> vector<16xi32>
      %sub3A_264 = arith.subi %masked_cumsum3A, %select_n3A_261 : vector<16xi32>
      %add3A_265 = vector.broadcast %scan3A_248 : i32 to vector<16xi32>
      %add3A_266 = arith.addi %add3A_265, %sub3A_264 : vector<16xi32>
      %min3A_267 = arith.constant 2047 : i32
      %min3A_268 = vector.broadcast %min3A_267 : i32 to vector<16xi32>
      %min3A_269 = arith.minsi %add3A_266, %min3A_268 : vector<16xi32>
      %add3A_270 = vector.broadcast %mul3A_34 : i32 to vector<16xi32>
      %add3A_271 = arith.addi %min3A_269, %add3A_270 : vector<16xi32>
      %mul3A_272 = arith.constant 16 : i32
      %mul3A_273 = arith.muli %scan3A_247, %mul3A_272 : i32
      %swap3A_274 = arith.index_cast %mul3A_273 : i32 to index
      %swap3A_275 = tpu.vector_load %arg7[%swap3A_274] {strides = array<i32>} : memref<1024xi32, #tpu.memory_space<vmem>>, vector<16xi32>,
      tpu.vector_store %arg7[%swap3A_274], %add3A_271 {strides = array<i32>} : memref<1024xi32, #tpu.memory_space<vmem>>, vector<16xi32>,
      %slice3A_276 = vector.extract_strided_slice %masked_cumsum3A {offsets = [15], sizes = [1], strides = [1]} : vector<16xi32> to vector<1xi32>
      %squeeze3A_277 = vector.extract %slice3A_276[0] : i32 from vector<1xi32>
      %add3A_278 = arith.addi %scan3A_248, %squeeze3A_277 : i32
      scf.yield %add3A_278 : i32
    }
    %scan3A_60 = arith.constant 4 : i32
    %sub3A_61 = arith.constant 16 : i32
    %sub3A_62 = arith.subi %mul3A_32, %sub3A_61 : i32
    %max3A = arith.constant 0 : i32
    %max3A_63 = arith.maxsi %sub3A_62, %max3A : i32
    %get3A = arith.index_cast %max3A_63 : i32 to index
    %get3A_64 = tpu.vector_load %arg6[%get3A] {strides = array<i32>} : memref<4096xi32, #tpu.memory_space<vmem>>, vector<16xi32>,
    %slice3A = vector.extract_strided_slice %get3A_64 {offsets = [15], sizes = [1], strides = [1]} : vector<16xi32> to vector<1xi32>
    %squeeze3A = vector.extract %slice3A[0] : i32 from vector<1xi32>
    %eq3A_65 = arith.constant 1 : i32
    %eq3A_66 = arith.cmpi eq, %squeeze3A, %eq3A_65 : i32
    %jit3A_67 = arith.constant 1 : i32
    %jit3A_68 = arith.constant 0 : i32
    %select_n3A_69 = arith.select %eq3A_66, %jit3A_67, %jit3A_68 : i32
    %gt3A = arith.constant 0 : i32
    %gt3A_70 = arith.cmpi sgt, %mul3A_32, %gt3A : i32
    %sub3A_71 = arith.subi %reduce_sum3A_55, %select_n3A_69 : i32
    %min3A = arith.constant 2047 : i32
    %min3A_72 = arith.minsi %sub3A_71, %min3A : i32
    %jit3A_73 = arith.constant 0 : i32
    %select_n3A_74 = arith.select %gt3A_70, %min3A_72, %jit3A_73 : i32
    %add3A_75 = arith.addi %select_n3A_74, %mul3A_34 : i32
    %broadcast_in_dim3A_76 = vector.broadcast %add3A_75 : i32 to vector<16xi32>
    %swap3A = arith.constant 0 : index
    %swap3A_77 = tpu.vector_load %arg9[%swap3A] {strides = array<i32>} : memref<16xi32, #tpu.memory_space<vmem>>, vector<16xi32>,
    tpu.vector_store %arg9[%swap3A], %broadcast_in_dim3A_76 {strides = array<i32>} : memref<16xi32, #tpu.memory_space<vmem>>, vector<16xi32>,
    %dma_start3A = arith.constant 0 : i32
    %dma_start3A_78 = arith.constant 0 : i32
    %dma_start3A_79 = tpu.memref_slice %arg10[%dma_start3A, %dma_start3A_78] : memref<40x1024xf32, #tpu.memory_space<vmem>> -> memref<8x1024xf32, #tpu.memory_space<vmem>>
    %dma_start3A_80 = arith.constant 0 : i32
    %dma_start3A_81 = tpu.memref_slice %arg9[%dma_start3A_80] : memref<16xi32, #tpu.memory_space<vmem>> -> memref<8xi32, #tpu.memory_space<vmem>>
    %dma_start3A_82 = arith.constant 0 : i32
    %dma_start3A_83 = arith.constant 0 : i32
    %dma_start3A_84 = tpu.memref_slice %arg2[%dma_start3A_82, %dma_start3A_83] : memref<16384x1024xf32, #tpu.memory_space<hbm>> -> memref<16384x1024xf32, #tpu.memory_space<hbm>>
    tpu.enqueue_indirect_dma source(%dma_start3A_84 : memref<16384x1024xf32, #tpu.memory_space<hbm>>) target(%dma_start3A_79 : memref<8x1024xf32, #tpu.memory_space<vmem>>) offsets(%dma_start3A_81 : memref<8xi32, #tpu.memory_space<vmem>>) semaphore(%arg14 : memref<!tpu.dma_semaphore, #tpu.memory_space<semaphore_mem>>)
    %dma_start3A_85 = arith.constant 8 : i32
    %dma_start3A_86 = arith.constant 0 : i32
    %dma_start3A_87 = tpu.memref_slice %arg10[%dma_start3A_85, %dma_start3A_86] : memref<40x1024xf32, #tpu.memory_space<vmem>> -> memref<32x1024xf32, #tpu.memory_space<vmem>>
    %dma_start3A_88 = arith.constant 0 : i32
    %dma_start3A_89 = tpu.memref_slice %arg7[%dma_start3A_88] : memref<1024xi32, #tpu.memory_space<vmem>> -> memref<32xi32, #tpu.memory_space<vmem>>
    %dma_start3A_90 = arith.constant 0 : i32
    %dma_start3A_91 = arith.constant 0 : i32
    %dma_start3A_92 = tpu.memref_slice %arg2[%dma_start3A_90, %dma_start3A_91] : memref<16384x1024xf32, #tpu.memory_space<hbm>> -> memref<16384x1024xf32, #tpu.memory_space<hbm>>
    tpu.enqueue_indirect_dma source(%dma_start3A_92 : memref<16384x1024xf32, #tpu.memory_space<hbm>>) target(%dma_start3A_87 : memref<32x1024xf32, #tpu.memory_space<vmem>>) offsets(%dma_start3A_89 : memref<32xi32, #tpu.memory_space<vmem>>) semaphore(%arg14 : memref<!tpu.dma_semaphore, #tpu.memory_space<semaphore_mem>>)
    %dma_start3A_93 = arith.constant 8 : i32
    %dma_start3A_94 = arith.constant 0 : i32
    %dma_start3A_95 = tpu.memref_slice %arg11[%dma_start3A_93, %dma_start3A_94] : memref<40x1024xf32, #tpu.memory_space<vmem>> -> memref<32x1024xf32, #tpu.memory_space<vmem>>
    %dma_start3A_96 = arith.constant 32 : i32
    %dma_start3A_97 = tpu.memref_slice %arg7[%dma_start3A_96] : memref<1024xi32, #tpu.memory_space<vmem>> -> memref<32xi32, #tpu.memory_space<vmem>>
    %dma_start3A_98 = arith.constant 0 : i32
    %dma_start3A_99 = arith.constant 0 : i32
    %dma_start3A_100 = tpu.memref_slice %arg2[%dma_start3A_98, %dma_start3A_99] : memref<16384x1024xf32, #tpu.memory_space<hbm>> -> memref<16384x1024xf32, #tpu.memory_space<hbm>>
    tpu.enqueue_indirect_dma source(%dma_start3A_100 : memref<16384x1024xf32, #tpu.memory_space<hbm>>) target(%dma_start3A_95 : memref<32x1024xf32, #tpu.memory_space<vmem>>) offsets(%dma_start3A_97 : memref<32xi32, #tpu.memory_space<vmem>>) semaphore(%arg14 : memref<!tpu.dma_semaphore, #tpu.memory_space<semaphore_mem>>)
    %scan3A_101 = arith.constant 4 : i32
    %scan3A_102 = arith.constant 60 : i32
    %scan3A_103 = arith.addi %scan3A_101, %scan3A_102 : i32
    %scan3A_104 = arith.constant 1 : i32
    %scan3A_105 = scf.for %scan3A_247 = %scan3A_101 to %scan3A_103 step %scan3A_104 iter_args(%scan3A_248 = %scan3A_59) -> (i32)  : i32 {
      %mul3A_249 = arith.constant 16 : i32
      %mul3A_250 = arith.muli %scan3A_247, %mul3A_249 : i32
      %add3A_251 = arith.addi %mul3A_32, %mul3A_250 : i32
      %get3A_252 = arith.index_cast %add3A_251 : i32 to index
      %get3A_253 = tpu.vector_load %arg6[%get3A_252] {strides = array<i32>} : memref<4096xi32, #tpu.memory_space<vmem>>, vector<16xi32>,
      %eq3A_254 = arith.constant 1 : i32
      %eq3A_255 = vector.broadcast %eq3A_254 : i32 to vector<16xi32>
      %eq3A_256 = arith.cmpi eq, %get3A_253, %eq3A_255 : vector<16xi32>
      %jit3A_257 = arith.constant 1 : i32
      %jit3A_258 = arith.constant 0 : i32
      %broadcast_in_dim3A_259 = vector.broadcast %jit3A_257 : i32 to vector<16xi32>
      %broadcast_in_dim3A_260 = vector.broadcast %jit3A_258 : i32 to vector<16xi32>
      %select_n3A_261 = arith.select %eq3A_256, %broadcast_in_dim3A_259, %broadcast_in_dim3A_260 : vector<16xi1>, vector<16xi32>
      %broadcast_in_dim3A_262 = arith.constant true
      %broadcast_in_dim3A_263 = vector.broadcast %broadcast_in_dim3A_262 : i1 to vector<16xi1>
      %masked_cumsum3A = tpu.scan <sum>, %select_n3A_261 masked %broadcast_in_dim3A_263 : vector<16xi32>, vector<16xi1> -> vector<16xi32>
      %sub3A_264 = arith.subi %masked_cumsum3A, %select_n3A_261 : vector<16xi32>
      %add3A_265 = vector.broadcast %scan3A_248 : i32 to vector<16xi32>
      %add3A_266 = arith.addi %add3A_265, %sub3A_264 : vector<16xi32>
      %min3A_267 = arith.constant 2047 : i32
      %min3A_268 = vector.broadcast %min3A_267 : i32 to vector<16xi32>
      %min3A_269 = arith.minsi %add3A_266, %min3A_268 : vector<16xi32>
      %add3A_270 = vector.broadcast %mul3A_34 : i32 to vector<16xi32>
      %add3A_271 = arith.addi %min3A_269, %add3A_270 : vector<16xi32>
      %mul3A_272 = arith.constant 16 : i32
      %mul3A_273 = arith.muli %scan3A_247, %mul3A_272 : i32
      %swap3A_274 = arith.index_cast %mul3A_273 : i32 to index
      %swap3A_275 = tpu.vector_load %arg7[%swap3A_274] {strides = array<i32>} : memref<1024xi32, #tpu.memory_space<vmem>>, vector<16xi32>,
      tpu.vector_store %arg7[%swap3A_274], %add3A_271 {strides = array<i32>} : memref<1024xi32, #tpu.memory_space<vmem>>, vector<16xi32>,
      %slice3A_276 = vector.extract_strided_slice %masked_cumsum3A {offsets = [15], sizes = [1], strides = [1]} : vector<16xi32> to vector<1xi32>
      %squeeze3A_277 = vector.extract %slice3A_276[0] : i32 from vector<1xi32>
      %add3A_278 = arith.addi %scan3A_248, %squeeze3A_277 : i32
      scf.yield %add3A_278 : i32
    }
    %scan3A_106 = arith.constant 60 : i32
    %scan3A_107 = arith.constant 0 : i32
    %scan3A_108 = arith.constant 0 : i32
    %scan3A_109 = arith.constant 64 : i32
    %scan3A_110 = arith.addi %scan3A_108, %scan3A_109 : i32
    %scan3A_111 = arith.constant 1 : i32
    %scan3A_112 = scf.for %scan3A_247 = %scan3A_108 to %scan3A_110 step %scan3A_111 iter_args(%scan3A_248 = %scan3A_107) -> (i32)  : i32 {
      %mul3A_249 = arith.constant 16 : i32
      %mul3A_250 = arith.muli %scan3A_247, %mul3A_249 : i32
      %get3A_251 = arith.index_cast %mul3A_250 : i32 to index
      %get3A_252 = tpu.vector_load %arg8[%get3A_251] {strides = array<i32>} : memref<1024xf32, #tpu.memory_space<vmem>>, vector<16xf32>,
      %slice3A_253 = vector.extract_strided_slice %get3A_252 {offsets = [0], sizes = [1], strides = [1]} : vector<16xf32> to vector<1xf32>
      %squeeze3A_254 = vector.extract %slice3A_253[0] : f32 from vector<1xf32>
      %mul3A_255 = arith.constant 16 : i32
      %mul3A_256 = arith.muli %scan3A_247, %mul3A_255 : i32
      %add3A_257 = arith.constant 0 : i32
      %add3A_258 = arith.addi %mul3A_256, %add3A_257 : i32
      %swap3A_259 = arith.index_cast %add3A_258 : i32 to index
      %swap3A_260 = memref.load %arg13[%swap3A_259] : memref<1024xf32, #tpu.memory_space<smem>>
      memref.store %squeeze3A_254, %arg13[%swap3A_259] : memref<1024xf32, #tpu.memory_space<smem>>
      %slice3A_261 = vector.extract_strided_slice %get3A_252 {offsets = [1], sizes = [1], strides = [1]} : vector<16xf32> to vector<1xf32>
      %squeeze3A_262 = vector.extract %slice3A_261[0] : f32 from vector<1xf32>
      %mul3A_263 = arith.constant 16 : i32
      %mul3A_264 = arith.muli %scan3A_247, %mul3A_263 : i32
      %add3A_265 = arith.constant 1 : i32
      %add3A_266 = arith.addi %mul3A_264, %add3A_265 : i32
      %swap3A_267 = arith.index_cast %add3A_266 : i32 to index
      %swap3A_268 = memref.load %arg13[%swap3A_267] : memref<1024xf32, #tpu.memory_space<smem>>
      memref.store %squeeze3A_262, %arg13[%swap3A_267] : memref<1024xf32, #tpu.memory_space<smem>>
      %slice3A_269 = vector.extract_strided_slice %get3A_252 {offsets = [2], sizes = [1], strides = [1]} : vector<16xf32> to vector<1xf32>
      %squeeze3A_270 = vector.extract %slice3A_269[0] : f32 from vector<1xf32>
      %mul3A_271 = arith.constant 16 : i32
      %mul3A_272 = arith.muli %scan3A_247, %mul3A_271 : i32
      %add3A_273 = arith.constant 2 : i32
      %add3A_274 = arith.addi %mul3A_272, %add3A_273 : i32
      %swap3A_275 = arith.index_cast %add3A_274 : i32 to index
      %swap3A_276 = memref.load %arg13[%swap3A_275] : memref<1024xf32, #tpu.memory_space<smem>>
      memref.store %squeeze3A_270, %arg13[%swap3A_275] : memref<1024xf32, #tpu.memory_space<smem>>
      %slice3A_277 = vector.extract_strided_slice %get3A_252 {offsets = [3], sizes = [1], strides = [1]} : vector<16xf32> to vector<1xf32>
      %squeeze3A_278 = vector.extract %slice3A_277[0] : f32 from vector<1xf32>
      %mul3A_279 = arith.constant 16 : i32
      %mul3A_280 = arith.muli %scan3A_247, %mul3A_279 : i32
      %add3A_281 = arith.constant 3 : i32
      %add3A_282 = arith.addi %mul3A_280, %add3A_281 : i32
      %swap3A_283 = arith.index_cast %add3A_282 : i32 to index
      %swap3A_284 = memref.load %arg13[%swap3A_283] : memref<1024xf32, #tpu.memory_space<smem>>
      memref.store %squeeze3A_278, %arg13[%swap3A_283] : memref<1024xf32, #tpu.memory_space<smem>>
      %slice3A_285 = vector.extract_strided_slice %get3A_252 {offsets = [4], sizes = [1], strides = [1]} : vector<16xf32> to vector<1xf32>
      %squeeze3A_286 = vector.extract %slice3A_285[0] : f32 from vector<1xf32>
      %mul3A_287 = arith.constant 16 : i32
      %mul3A_288 = arith.muli %scan3A_247, %mul3A_287 : i32
      %add3A_289 = arith.constant 4 : i32
      %add3A_290 = arith.addi %mul3A_288, %add3A_289 : i32
      %swap3A_291 = arith.index_cast %add3A_290 : i32 to index
      %swap3A_292 = memref.load %arg13[%swap3A_291] : memref<1024xf32, #tpu.memory_space<smem>>
      memref.store %squeeze3A_286, %arg13[%swap3A_291] : memref<1024xf32, #tpu.memory_space<smem>>
      %slice3A_293 = vector.extract_strided_slice %get3A_252 {offsets = [5], sizes = [1], strides = [1]} : vector<16xf32> to vector<1xf32>
      %squeeze3A_294 = vector.extract %slice3A_293[0] : f32 from vector<1xf32>
      %mul3A_295 = arith.constant 16 : i32
      %mul3A_296 = arith.muli %scan3A_247, %mul3A_295 : i32
      %add3A_297 = arith.constant 5 : i32
      %add3A_298 = arith.addi %mul3A_296, %add3A_297 : i32
      %swap3A_299 = arith.index_cast %add3A_298 : i32 to index
      %swap3A_300 = memref.load %arg13[%swap3A_299] : memref<1024xf32, #tpu.memory_space<smem>>
      memref.store %squeeze3A_294, %arg13[%swap3A_299] : memref<1024xf32, #tpu.memory_space<smem>>
      %slice3A_301 = vector.extract_strided_slice %get3A_252 {offsets = [6], sizes = [1], strides = [1]} : vector<16xf32> to vector<1xf32>
      %squeeze3A_302 = vector.extract %slice3A_301[0] : f32 from vector<1xf32>
      %mul3A_303 = arith.constant 16 : i32
      %mul3A_304 = arith.muli %scan3A_247, %mul3A_303 : i32
      %add3A_305 = arith.constant 6 : i32
      %add3A_306 = arith.addi %mul3A_304, %add3A_305 : i32
      %swap3A_307 = arith.index_cast %add3A_306 : i32 to index
      %swap3A_308 = memref.load %arg13[%swap3A_307] : memref<1024xf32, #tpu.memory_space<smem>>
      memref.store %squeeze3A_302, %arg13[%swap3A_307] : memref<1024xf32, #tpu.memory_space<smem>>
      %slice3A_309 = vector.extract_strided_slice %get3A_252 {offsets = [7], sizes = [1], strides = [1]} : vector<16xf32> to vector<1xf32>
      %squeeze3A_310 = vector.extract %slice3A_309[0] : f32 from vector<1xf32>
      %mul3A_311 = arith.constant 16 : i32
      %mul3A_312 = arith.muli %scan3A_247, %mul3A_311 : i32
      %add3A_313 = arith.constant 7 : i32
      %add3A_314 = arith.addi %mul3A_312, %add3A_313 : i32
      %swap3A_315 = arith.index_cast %add3A_314 : i32 to index
      %swap3A_316 = memref.load %arg13[%swap3A_315] : memref<1024xf32, #tpu.memory_space<smem>>
      memref.store %squeeze3A_310, %arg13[%swap3A_315] : memref<1024xf32, #tpu.memory_space<smem>>
      %slice3A_317 = vector.extract_strided_slice %get3A_252 {offsets = [8], sizes = [1], strides = [1]} : vector<16xf32> to vector<1xf32>
      %squeeze3A_318 = vector.extract %slice3A_317[0] : f32 from vector<1xf32>
      %mul3A_319 = arith.constant 16 : i32
      %mul3A_320 = arith.muli %scan3A_247, %mul3A_319 : i32
      %add3A_321 = arith.constant 8 : i32
      %add3A_322 = arith.addi %mul3A_320, %add3A_321 : i32
      %swap3A_323 = arith.index_cast %add3A_322 : i32 to index
      %swap3A_324 = memref.load %arg13[%swap3A_323] : memref<1024xf32, #tpu.memory_space<smem>>
      memref.store %squeeze3A_318, %arg13[%swap3A_323] : memref<1024xf32, #tpu.memory_space<smem>>
      %slice3A_325 = vector.extract_strided_slice %get3A_252 {offsets = [9], sizes = [1], strides = [1]} : vector<16xf32> to vector<1xf32>
      %squeeze3A_326 = vector.extract %slice3A_325[0] : f32 from vector<1xf32>
      %mul3A_327 = arith.constant 16 : i32
      %mul3A_328 = arith.muli %scan3A_247, %mul3A_327 : i32
      %add3A_329 = arith.constant 9 : i32
      %add3A_330 = arith.addi %mul3A_328, %add3A_329 : i32
      %swap3A_331 = arith.index_cast %add3A_330 : i32 to index
      %swap3A_332 = memref.load %arg13[%swap3A_331] : memref<1024xf32, #tpu.memory_space<smem>>
      memref.store %squeeze3A_326, %arg13[%swap3A_331] : memref<1024xf32, #tpu.memory_space<smem>>
      %slice3A_333 = vector.extract_strided_slice %get3A_252 {offsets = [10], sizes = [1], strides = [1]} : vector<16xf32> to vector<1xf32>
      %squeeze3A_334 = vector.extract %slice3A_333[0] : f32 from vector<1xf32>
      %mul3A_335 = arith.constant 16 : i32
      %mul3A_336 = arith.muli %scan3A_247, %mul3A_335 : i32
      %add3A_337 = arith.constant 10 : i32
      %add3A_338 = arith.addi %mul3A_336, %add3A_337 : i32
      %swap3A_339 = arith.index_cast %add3A_338 : i32 to index
      %swap3A_340 = memref.load %arg13[%swap3A_339] : memref<1024xf32, #tpu.memory_space<smem>>
      memref.store %squeeze3A_334, %arg13[%swap3A_339] : memref<1024xf32, #tpu.memory_space<smem>>
      %slice3A_341 = vector.extract_strided_slice %get3A_252 {offsets = [11], sizes = [1], strides = [1]} : vector<16xf32> to vector<1xf32>
      %squeeze3A_342 = vector.extract %slice3A_341[0] : f32 from vector<1xf32>
      %mul3A_343 = arith.constant 16 : i32
      %mul3A_344 = arith.muli %scan3A_247, %mul3A_343 : i32
      %add3A_345 = arith.constant 11 : i32
      %add3A_346 = arith.addi %mul3A_344, %add3A_345 : i32
      %swap3A_347 = arith.index_cast %add3A_346 : i32 to index
      %swap3A_348 = memref.load %arg13[%swap3A_347] : memref<1024xf32, #tpu.memory_space<smem>>
      memref.store %squeeze3A_342, %arg13[%swap3A_347] : memref<1024xf32, #tpu.memory_space<smem>>
      %slice3A_349 = vector.extract_strided_slice %get3A_252 {offsets = [12], sizes = [1], strides = [1]} : vector<16xf32> to vector<1xf32>
      %squeeze3A_350 = vector.extract %slice3A_349[0] : f32 from vector<1xf32>
      %mul3A_351 = arith.constant 16 : i32
      %mul3A_352 = arith.muli %scan3A_247, %mul3A_351 : i32
      %add3A_353 = arith.constant 12 : i32
      %add3A_354 = arith.addi %mul3A_352, %add3A_353 : i32
      %swap3A_355 = arith.index_cast %add3A_354 : i32 to index
      %swap3A_356 = memref.load %arg13[%swap3A_355] : memref<1024xf32, #tpu.memory_space<smem>>
      memref.store %squeeze3A_350, %arg13[%swap3A_355] : memref<1024xf32, #tpu.memory_space<smem>>
      %slice3A_357 = vector.extract_strided_slice %get3A_252 {offsets = [13], sizes = [1], strides = [1]} : vector<16xf32> to vector<1xf32>
      %squeeze3A_358 = vector.extract %slice3A_357[0] : f32 from vector<1xf32>
      %mul3A_359 = arith.constant 16 : i32
      %mul3A_360 = arith.muli %scan3A_247, %mul3A_359 : i32
      %add3A_361 = arith.constant 13 : i32
      %add3A_362 = arith.addi %mul3A_360, %add3A_361 : i32
      %swap3A_363 = arith.index_cast %add3A_362 : i32 to index
      %swap3A_364 = memref.load %arg13[%swap3A_363] : memref<1024xf32, #tpu.memory_space<smem>>
      memref.store %squeeze3A_358, %arg13[%swap3A_363] : memref<1024xf32, #tpu.memory_space<smem>>
      %slice3A_365 = vector.extract_strided_slice %get3A_252 {offsets = [14], sizes = [1], strides = [1]} : vector<16xf32> to vector<1xf32>
      %squeeze3A_366 = vector.extract %slice3A_365[0] : f32 from vector<1xf32>
      %mul3A_367 = arith.constant 16 : i32
      %mul3A_368 = arith.muli %scan3A_247, %mul3A_367 : i32
      %add3A_369 = arith.constant 14 : i32
      %add3A_370 = arith.addi %mul3A_368, %add3A_369 : i32
      %swap3A_371 = arith.index_cast %add3A_370 : i32 to index
      %swap3A_372 = memref.load %arg13[%swap3A_371] : memref<1024xf32, #tpu.memory_space<smem>>
      memref.store %squeeze3A_366, %arg13[%swap3A_371] : memref<1024xf32, #tpu.memory_space<smem>>
      %slice3A_373 = vector.extract_strided_slice %get3A_252 {offsets = [15], sizes = [1], strides = [1]} : vector<16xf32> to vector<1xf32>
      %squeeze3A_374 = vector.extract %slice3A_373[0] : f32 from vector<1xf32>
      %mul3A_375 = arith.constant 16 : i32
      %mul3A_376 = arith.muli %scan3A_247, %mul3A_375 : i32
      %add3A_377 = arith.constant 15 : i32
      %add3A_378 = arith.addi %mul3A_376, %add3A_377 : i32
      %swap3A_379 = arith.index_cast %add3A_378 : i32 to index
      %swap3A_380 = memref.load %arg13[%swap3A_379] : memref<1024xf32, #tpu.memory_space<smem>>
      memref.store %squeeze3A_374, %arg13[%swap3A_379] : memref<1024xf32, #tpu.memory_space<smem>>
      %scan3A_381 = arith.constant 0 : i32
      scf.yield %scan3A_381 : i32
    }
    %scan3A_113 = arith.constant 64 : i32
    %dma_wait3A = arith.constant 0 : i32
    %dma_wait3A_114 = arith.constant 0 : i32
    %dma_wait3A_115 = tpu.memref_slice %arg10[%dma_wait3A, %dma_wait3A_114] : memref<40x1024xf32, #tpu.memory_space<vmem>> -> memref<8x1024xf32, #tpu.memory_space<vmem>>
    %dma_wait3A_116 = arith.constant 0 : i32
    %dma_wait3A_117 = tpu.memref_slice %arg9[%dma_wait3A_116] : memref<16xi32, #tpu.memory_space<vmem>> -> memref<8xi32, #tpu.memory_space<vmem>>
    %dma_wait3A_118 = arith.constant 0 : i32
    %dma_wait3A_119 = arith.constant 0 : i32
    %dma_wait3A_120 = tpu.memref_slice %arg2[%dma_wait3A_118, %dma_wait3A_119] : memref<16384x1024xf32, #tpu.memory_space<hbm>> -> memref<16384x1024xf32, #tpu.memory_space<hbm>>
    tpu.wait_indirect_dma semaphore(%arg14 : memref<!tpu.dma_semaphore, #tpu.memory_space<semaphore_mem>>) src(%dma_wait3A_120 : memref<16384x1024xf32, #tpu.memory_space<hbm>>) dst(%dma_wait3A_115 : memref<8x1024xf32, #tpu.memory_space<vmem>>)
    %scan3A_121 = arith.constant 0 : i32
    %scan3A_122 = arith.constant 0 : i32
    %scan3A_123 = arith.constant 10 : i32
    %scan3A_124 = arith.addi %scan3A_122, %scan3A_123 : i32
    %scan3A_125 = arith.constant 1 : i32
    %scan3A_126 = scf.for %scan3A_247 = %scan3A_122 to %scan3A_124 step %scan3A_125 iter_args(%scan3A_248 = %scan3A_121) -> (i32)  : i32 {
      %mul3A_249 = arith.constant 3 : i32
      %mul3A_250 = arith.muli %mul3A_249, %scan3A_247 : i32
      %mul3A_251 = arith.constant 32 : i32
      %mul3A_252 = arith.muli %mul3A_250, %mul3A_251 : i32
      %dma_wait3A_253 = arith.constant 8 : i32
      %dma_wait3A_254 = arith.constant 0 : i32
      %dma_wait3A_255 = tpu.memref_slice %arg10[%dma_wait3A_253, %dma_wait3A_254] : memref<40x1024xf32, #tpu.memory_space<vmem>> -> memref<32x1024xf32, #tpu.memory_space<vmem>>
      %dma_wait3A_256 = arith.constant 0 : i32
      %dma_wait3A_257 = arith.constant 0 : i32
      %dma_wait3A_258 = tpu.memref_slice %arg2[%dma_wait3A_256, %dma_wait3A_257] : memref<16384x1024xf32, #tpu.memory_space<hbm>> -> memref<32x1024xf32, #tpu.memory_space<hbm>>
      %dma_wait3A_259 = arith.constant 8 : i32
      %dma_wait3A_260 = arith.constant 0 : i32
      %dma_wait3A_261 = tpu.memref_slice %arg10[%dma_wait3A_259, %dma_wait3A_260] : memref<40x1024xf32, #tpu.memory_space<vmem>> -> memref<32x1024xf32, #tpu.memory_space<vmem>>
      %dma_wait3A_262 = arith.constant 0 : i32
      %dma_wait3A_263 = arith.constant 0 : i32
      %dma_wait3A_264 = tpu.memref_slice %arg2[%dma_wait3A_262, %dma_wait3A_263] : memref<16384x1024xf32, #tpu.memory_space<hbm>> -> memref<32x1024xf32, #tpu.memory_space<hbm>>
      tpu.wait_dma2 semaphore(%arg14 : memref<!tpu.dma_semaphore, #tpu.memory_space<semaphore_mem>>) src(%dma_wait3A_264 : memref<32x1024xf32, #tpu.memory_space<hbm>>) dst(%dma_wait3A_261 : memref<32x1024xf32, #tpu.memory_space<vmem>>)
      %scan3A_265 = arith.constant 0 : i32
      %scan3A_266 = arith.constant 0 : i32
      %scan3A_267 = arith.constant 64 : i32
      %scan3A_268 = arith.addi %scan3A_266, %scan3A_267 : i32
      %scan3A_269 = arith.constant 1 : i32
      %scan3A_270 = scf.for %scan3A_409 = %scan3A_266 to %scan3A_268 step %scan3A_269 iter_args(%scan3A_410 = %scan3A_265) -> (i32)  : i32 {
        %mul3A_411 = arith.constant 16 : i32
        %mul3A_412 = arith.muli %scan3A_409, %mul3A_411 : i32
        %get3A_413 = arith.constant 39 : i32
        %get3A_414 = arith.index_cast %get3A_413 : i32 to index
        %get3A_415 = arith.index_cast %mul3A_412 : i32 to index
        %get3A_416 = tpu.vector_load %arg10[%get3A_414, %get3A_415] {strides = array<i32>} : memref<40x1024xf32, #tpu.memory_space<vmem>>, vector<16xf32>,
        %mul3A_417 = arith.constant 16 : i32
        %mul3A_418 = arith.muli %scan3A_409, %mul3A_417 : i32
        %swap3A_419 = arith.constant 7 : i32
        %swap3A_420 = arith.index_cast %swap3A_419 : i32 to index
        %swap3A_421 = arith.index_cast %mul3A_418 : i32 to index
        %swap3A_422 = tpu.vector_load %arg11[%swap3A_420, %swap3A_421] {strides = array<i32>} : memref<40x1024xf32, #tpu.memory_space<vmem>>, vector<16xf32>,
        tpu.vector_store %arg11[%swap3A_420, %swap3A_421], %get3A_416 {strides = array<i32>} : memref<40x1024xf32, #tpu.memory_space<vmem>>, vector<16xf32>,
        %scan3A_423 = arith.constant 0 : i32
        scf.yield %scan3A_423 : i32
      }
      %scan3A_271 = arith.constant 64 : i32
      %scan3A_272 = arith.constant 0 : i32
      %scan3A_273 = arith.constant 0 : i32
      %scan3A_274 = arith.constant 64 : i32
      %scan3A_275 = arith.addi %scan3A_273, %scan3A_274 : i32
      %scan3A_276 = arith.constant 1 : i32
      %scan3A_277 = scf.for %scan3A_409 = %scan3A_273 to %scan3A_275 step %scan3A_276 iter_args(%scan3A_410 = %scan3A_272) -> (i32)  : i32 {
        %mul3A_411 = arith.constant 16 : i32
        %mul3A_412 = arith.muli %scan3A_409, %mul3A_411 : i32
        %get3A_413 = arith.constant 7 : i32
        %get3A_414 = arith.index_cast %get3A_413 : i32 to index
        %get3A_415 = arith.index_cast %mul3A_412 : i32 to index
        %get3A_416 = tpu.vector_load %arg10[%get3A_414, %get3A_415] {strides = array<i32>} : memref<40x1024xf32, #tpu.memory_space<vmem>>, vector<16xf32>,
        %scan3A_417 = arith.constant 0 : i32
        %scan3A_418 = arith.constant 4 : i32
        %scan3A_419 = arith.addi %scan3A_417, %scan3A_418 : i32
        %scan3A_420 = arith.constant 1 : i32
        %scan3A_421 = scf.for %scan3A_424 = %scan3A_417 to %scan3A_419 step %scan3A_420 iter_args(%scan3A_425 = %get3A_416) -> (vector<16xf32>)  : i32 {
          %mul3A_426 = arith.constant 8 : i32
          %mul3A_427 = arith.muli %scan3A_424, %mul3A_426 : i32
          %add3A_428 = arith.constant 0 : i32
          %add3A_429 = arith.addi %mul3A_427, %add3A_428 : i32
          %add3A_430 = arith.addi %mul3A_252, %add3A_429 : i32
          %get3A_431 = arith.index_cast %add3A_430 : i32 to index
          %get3A_432 = memref.load %arg13[%get3A_431] : memref<1024xf32, #tpu.memory_space<smem>>
          %broadcast_in_dim3A_433 = vector.broadcast %get3A_432 : f32 to vector<16xf32>
          %add3A_434 = arith.constant 8 : i32
          %add3A_435 = arith.addi %add3A_434, %add3A_429 : i32
          %get3A_436 = arith.index_cast %add3A_435 : i32 to index
          %get3A_437 = arith.index_cast %mul3A_412 : i32 to index
          %get3A_438 = tpu.vector_load %arg10[%get3A_436, %get3A_437] {strides = array<i32>} : memref<40x1024xf32, #tpu.memory_space<vmem>>, vector<16xf32>,
          %sub3A_439 = arith.subf %get3A_438, %scan3A_425 : vector<16xf32>
          %mul3A_440 = arith.mulf %broadcast_in_dim3A_433, %sub3A_439 : vector<16xf32>
          %add3A_441 = arith.addf %scan3A_425, %mul3A_440 : vector<16xf32>
          %add3A_442 = arith.constant 8 : i32
          %add3A_443 = arith.addi %add3A_442, %add3A_429 : i32
          %swap3A_444 = arith.index_cast %add3A_443 : i32 to index
          %swap3A_445 = arith.index_cast %mul3A_412 : i32 to index
          %swap3A_446 = tpu.vector_load %arg10[%swap3A_444, %swap3A_445] {strides = array<i32>} : memref<40x1024xf32, #tpu.memory_space<vmem>>, vector<16xf32>,
          tpu.vector_store %arg10[%swap3A_444, %swap3A_445], %add3A_441 {strides = array<i32>} : memref<40x1024xf32, #tpu.memory_space<vmem>>, vector<16xf32>,
          %mul3A_447 = arith.constant 8 : i32
          %mul3A_448 = arith.muli %scan3A_424, %mul3A_447 : i32
          %add3A_449 = arith.constant 1 : i32
          %add3A_450 = arith.addi %mul3A_448, %add3A_449 : i32
          %add3A_451 = arith.addi %mul3A_252, %add3A_450 : i32
          %get3A_452 = arith.index_cast %add3A_451 : i32 to index
          %get3A_453 = memref.load %arg13[%get3A_452] : memref<1024xf32, #tpu.memory_space<smem>>
          %broadcast_in_dim3A_454 = vector.broadcast %get3A_453 : f32 to vector<16xf32>
          %add3A_455 = arith.constant 8 : i32
          %add3A_456 = arith.addi %add3A_455, %add3A_450 : i32
          %get3A_457 = arith.index_cast %add3A_456 : i32 to index
          %get3A_458 = arith.index_cast %mul3A_412 : i32 to index
          %get3A_459 = tpu.vector_load %arg10[%get3A_457, %get3A_458] {strides = array<i32>} : memref<40x1024xf32, #tpu.memory_space<vmem>>, vector<16xf32>,
          %sub3A_460 = arith.subf %get3A_459, %get3A_438 : vector<16xf32>
          %mul3A_461 = arith.mulf %broadcast_in_dim3A_454, %sub3A_460 : vector<16xf32>
          %add3A_462 = arith.addf %get3A_438, %mul3A_461 : vector<16xf32>
          %add3A_463 = arith.constant 8 : i32
          %add3A_464 = arith.addi %add3A_463, %add3A_450 : i32
          %swap3A_465 = arith.index_cast %add3A_464 : i32 to index
          %swap3A_466 = arith.index_cast %mul3A_412 : i32 to index
          %swap3A_467 = tpu.vector_load %arg10[%swap3A_465, %swap3A_466] {strides = array<i32>} : memref<40x1024xf32, #tpu.memory_space<vmem>>, vector<16xf32>,
          tpu.vector_store %arg10[%swap3A_465, %swap3A_466], %add3A_462 {strides = array<i32>} : memref<40x1024xf32, #tpu.memory_space<vmem>>, vector<16xf32>,
          %mul3A_468 = arith.constant 8 : i32
          %mul3A_469 = arith.muli %scan3A_424, %mul3A_468 : i32
          %add3A_470 = arith.constant 2 : i32
          %add3A_471 = arith.addi %mul3A_469, %add3A_470 : i32
          %add3A_472 = arith.addi %mul3A_252, %add3A_471 : i32
          %get3A_473 = arith.index_cast %add3A_472 : i32 to index
          %get3A_474 = memref.load %arg13[%get3A_473] : memref<1024xf32, #tpu.memory_space<smem>>
          %broadcast_in_dim3A_475 = vector.broadcast %get3A_474 : f32 to vector<16xf32>
          %add3A_476 = arith.constant 8 : i32
          %add3A_477 = arith.addi %add3A_476, %add3A_471 : i32
          %get3A_478 = arith.index_cast %add3A_477 : i32 to index
          %get3A_479 = arith.index_cast %mul3A_412 : i32 to index
          %get3A_480 = tpu.vector_load %arg10[%get3A_478, %get3A_479] {strides = array<i32>} : memref<40x1024xf32, #tpu.memory_space<vmem>>, vector<16xf32>,
          %sub3A_481 = arith.subf %get3A_480, %get3A_459 : vector<16xf32>
          %mul3A_482 = arith.mulf %broadcast_in_dim3A_475, %sub3A_481 : vector<16xf32>
          %add3A_483 = arith.addf %get3A_459, %mul3A_482 : vector<16xf32>
          %add3A_484 = arith.constant 8 : i32
          %add3A_485 = arith.addi %add3A_484, %add3A_471 : i32
          %swap3A_486 = arith.index_cast %add3A_485 : i32 to index
          %swap3A_487 = arith.index_cast %mul3A_412 : i32 to index
          %swap3A_488 = tpu.vector_load %arg10[%swap3A_486, %swap3A_487] {strides = array<i32>} : memref<40x1024xf32, #tpu.memory_space<vmem>>, vector<16xf32>,
          tpu.vector_store %arg10[%swap3A_486, %swap3A_487], %add3A_483 {strides = array<i32>} : memref<40x1024xf32, #tpu.memory_space<vmem>>, vector<16xf32>,
          %mul3A_489 = arith.constant 8 : i32
          %mul3A_490 = arith.muli %scan3A_424, %mul3A_489 : i32
          %add3A_491 = arith.constant 3 : i32
          %add3A_492 = arith.addi %mul3A_490, %add3A_491 : i32
          %add3A_493 = arith.addi %mul3A_252, %add3A_492 : i32
          %get3A_494 = arith.index_cast %add3A_493 : i32 to index
          %get3A_495 = memref.load %arg13[%get3A_494] : memref<1024xf32, #tpu.memory_space<smem>>
          %broadcast_in_dim3A_496 = vector.broadcast %get3A_495 : f32 to vector<16xf32>
          %add3A_497 = arith.constant 8 : i32
          %add3A_498 = arith.addi %add3A_497, %add3A_492 : i32
          %get3A_499 = arith.index_cast %add3A_498 : i32 to index
          %get3A_500 = arith.index_cast %mul3A_412 : i32 to index
          %get3A_501 = tpu.vector_load %arg10[%get3A_499, %get3A_500] {strides = array<i32>} : memref<40x1024xf32, #tpu.memory_space<vmem>>, vector<16xf32>,
          %sub3A_502 = arith.subf %get3A_501, %get3A_480 : vector<16xf32>
          %mul3A_503 = arith.mulf %broadcast_in_dim3A_496, %sub3A_502 : vector<16xf32>
          %add3A_504 = arith.addf %get3A_480, %mul3A_503 : vector<16xf32>
          %add3A_505 = arith.constant 8 : i32
          %add3A_506 = arith.addi %add3A_505, %add3A_492 : i32
          %swap3A_507 = arith.index_cast %add3A_506 : i32 to index
          %swap3A_508 = arith.index_cast %mul3A_412 : i32 to index
          %swap3A_509 = tpu.vector_load %arg10[%swap3A_507, %swap3A_508] {strides = array<i32>} : memref<40x1024xf32, #tpu.memory_space<vmem>>, vector<16xf32>,
          tpu.vector_store %arg10[%swap3A_507, %swap3A_508], %add3A_504 {strides = array<i32>} : memref<40x1024xf32, #tpu.memory_space<vmem>>, vector<16xf32>,
          %mul3A_510 = arith.constant 8 : i32
          %mul3A_511 = arith.muli %scan3A_424, %mul3A_510 : i32
          %add3A_512 = arith.constant 4 : i32
          %add3A_513 = arith.addi %mul3A_511, %add3A_512 : i32
          %add3A_514 = arith.addi %mul3A_252, %add3A_513 : i32
          %get3A_515 = arith.index_cast %add3A_514 : i32 to index
          %get3A_516 = memref.load %arg13[%get3A_515] : memref<1024xf32, #tpu.memory_space<smem>>
          %broadcast_in_dim3A_517 = vector.broadcast %get3A_516 : f32 to vector<16xf32>
          %add3A_518 = arith.constant 8 : i32
          %add3A_519 = arith.addi %add3A_518, %add3A_513 : i32
          %get3A_520 = arith.index_cast %add3A_519 : i32 to index
          %get3A_521 = arith.index_cast %mul3A_412 : i32 to index
          %get3A_522 = tpu.vector_load %arg10[%get3A_520, %get3A_521] {strides = array<i32>} : memref<40x1024xf32, #tpu.memory_space<vmem>>, vector<16xf32>,
          %sub3A_523 = arith.subf %get3A_522, %get3A_501 : vector<16xf32>
          %mul3A_524 = arith.mulf %broadcast_in_dim3A_517, %sub3A_523 : vector<16xf32>
          %add3A_525 = arith.addf %get3A_501, %mul3A_524 : vector<16xf32>
          %add3A_526 = arith.constant 8 : i32
          %add3A_527 = arith.addi %add3A_526, %add3A_513 : i32
          %swap3A_528 = arith.index_cast %add3A_527 : i32 to index
          %swap3A_529 = arith.index_cast %mul3A_412 : i32 to index
          %swap3A_530 = tpu.vector_load %arg10[%swap3A_528, %swap3A_529] {strides = array<i32>} : memref<40x1024xf32, #tpu.memory_space<vmem>>, vector<16xf32>,
          tpu.vector_store %arg10[%swap3A_528, %swap3A_529], %add3A_525 {strides = array<i32>} : memref<40x1024xf32, #tpu.memory_space<vmem>>, vector<16xf32>,
          %mul3A_531 = arith.constant 8 : i32
          %mul3A_532 = arith.muli %scan3A_424, %mul3A_531 : i32
          %add3A_533 = arith.constant 5 : i32
          %add3A_534 = arith.addi %mul3A_532, %add3A_533 : i32
          %add3A_535 = arith.addi %mul3A_252, %add3A_534 : i32
          %get3A_536 = arith.index_cast %add3A_535 : i32 to index
          %get3A_537 = memref.load %arg13[%get3A_536] : memref<1024xf32, #tpu.memory_space<smem>>
          %broadcast_in_dim3A_538 = vector.broadcast %get3A_537 : f32 to vector<16xf32>
          %add3A_539 = arith.constant 8 : i32
          %add3A_540 = arith.addi %add3A_539, %add3A_534 : i32
          %get3A_541 = arith.index_cast %add3A_540 : i32 to index
          %get3A_542 = arith.index_cast %mul3A_412 : i32 to index
          %get3A_543 = tpu.vector_load %arg10[%get3A_541, %get3A_542] {strides = array<i32>} : memref<40x1024xf32, #tpu.memory_space<vmem>>, vector<16xf32>,
          %sub3A_544 = arith.subf %get3A_543, %get3A_522 : vector<16xf32>
          %mul3A_545 = arith.mulf %broadcast_in_dim3A_538, %sub3A_544 : vector<16xf32>
          %add3A_546 = arith.addf %get3A_522, %mul3A_545 : vector<16xf32>
          %add3A_547 = arith.constant 8 : i32
          %add3A_548 = arith.addi %add3A_547, %add3A_534 : i32
          %swap3A_549 = arith.index_cast %add3A_548 : i32 to index
          %swap3A_550 = arith.index_cast %mul3A_412 : i32 to index
          %swap3A_551 = tpu.vector_load %arg10[%swap3A_549, %swap3A_550] {strides = array<i32>} : memref<40x1024xf32, #tpu.memory_space<vmem>>, vector<16xf32>,
          tpu.vector_store %arg10[%swap3A_549, %swap3A_550], %add3A_546 {strides = array<i32>} : memref<40x1024xf32, #tpu.memory_space<vmem>>, vector<16xf32>,
          %mul3A_552 = arith.constant 8 : i32
          %mul3A_553 = arith.muli %scan3A_424, %mul3A_552 : i32
          %add3A_554 = arith.constant 6 : i32
          %add3A_555 = arith.addi %mul3A_553, %add3A_554 : i32
          %add3A_556 = arith.addi %mul3A_252, %add3A_555 : i32
          %get3A_557 = arith.index_cast %add3A_556 : i32 to index
          %get3A_558 = memref.load %arg13[%get3A_557] : memref<1024xf32, #tpu.memory_space<smem>>
          %broadcast_in_dim3A_559 = vector.broadcast %get3A_558 : f32 to vector<16xf32>
          %add3A_560 = arith.constant 8 : i32
          %add3A_561 = arith.addi %add3A_560, %add3A_555 : i32
          %get3A_562 = arith.index_cast %add3A_561 : i32 to index
          %get3A_563 = arith.index_cast %mul3A_412 : i32 to index
          %get3A_564 = tpu.vector_load %arg10[%get3A_562, %get3A_563] {strides = array<i32>} : memref<40x1024xf32, #tpu.memory_space<vmem>>, vector<16xf32>,
          %sub3A_565 = arith.subf %get3A_564, %get3A_543 : vector<16xf32>
          %mul3A_566 = arith.mulf %broadcast_in_dim3A_559, %sub3A_565 : vector<16xf32>
          %add3A_567 = arith.addf %get3A_543, %mul3A_566 : vector<16xf32>
          %add3A_568 = arith.constant 8 : i32
          %add3A_569 = arith.addi %add3A_568, %add3A_555 : i32
          %swap3A_570 = arith.index_cast %add3A_569 : i32 to index
          %swap3A_571 = arith.index_cast %mul3A_412 : i32 to index
          %swap3A_572 = tpu.vector_load %arg10[%swap3A_570, %swap3A_571] {strides = array<i32>} : memref<40x1024xf32, #tpu.memory_space<vmem>>, vector<16xf32>,
          tpu.vector_store %arg10[%swap3A_570, %swap3A_571], %add3A_567 {strides = array<i32>} : memref<40x1024xf32, #tpu.memory_space<vmem>>, vector<16xf32>,
          %mul3A_573 = arith.constant 8 : i32
          %mul3A_574 = arith.muli %scan3A_424, %mul3A_573 : i32
          %add3A_575 = arith.constant 7 : i32
          %add3A_576 = arith.addi %mul3A_574, %add3A_575 : i32
          %add3A_577 = arith.addi %mul3A_252, %add3A_576 : i32
          %get3A_578 = arith.index_cast %add3A_577 : i32 to index
          %get3A_579 = memref.load %arg13[%get3A_578] : memref<1024xf32, #tpu.memory_space<smem>>
          %broadcast_in_dim3A_580 = vector.broadcast %get3A_579 : f32 to vector<16xf32>
          %add3A_581 = arith.constant 8 : i32
          %add3A_582 = arith.addi %add3A_581, %add3A_576 : i32
          %get3A_583 = arith.index_cast %add3A_582 : i32 to index
          %get3A_584 = arith.index_cast %mul3A_412 : i32 to index
          %get3A_585 = tpu.vector_load %arg10[%get3A_583, %get3A_584] {strides = array<i32>} : memref<40x1024xf32, #tpu.memory_space<vmem>>, vector<16xf32>,
          %sub3A_586 = arith.subf %get3A_585, %get3A_564 : vector<16xf32>
          %mul3A_587 = arith.mulf %broadcast_in_dim3A_580, %sub3A_586 : vector<16xf32>
          %add3A_588 = arith.addf %get3A_564, %mul3A_587 : vector<16xf32>
          %add3A_589 = arith.constant 8 : i32
          %add3A_590 = arith.addi %add3A_589, %add3A_576 : i32
          %swap3A_591 = arith.index_cast %add3A_590 : i32 to index
          %swap3A_592 = arith.index_cast %mul3A_412 : i32 to index
          %swap3A_593 = tpu.vector_load %arg10[%swap3A_591, %swap3A_592] {strides = array<i32>} : memref<40x1024xf32, #tpu.memory_space<vmem>>, vector<16xf32>,
          tpu.vector_store %arg10[%swap3A_591, %swap3A_592], %add3A_588 {strides = array<i32>} : memref<40x1024xf32, #tpu.memory_space<vmem>>, vector<16xf32>,
          scf.yield %get3A_585 : vector<16xf32>
        }
        %scan3A_422 = arith.constant 4 : i32
        %scan3A_423 = arith.constant 0 : i32
        scf.yield %scan3A_423 : i32
      }
      %scan3A_278 = arith.constant 64 : i32
      %add3A_279 = arith.addi %add3A_37, %mul3A_252 : i32
      %dma_start3A_280 = arith.constant 8 : i32
      %dma_start3A_281 = arith.constant 0 : i32
      %dma_start3A_282 = tpu.memref_slice %arg10[%dma_start3A_280, %dma_start3A_281] : memref<40x1024xf32, #tpu.memory_space<vmem>> -> memref<32x1024xf32, #tpu.memory_space<vmem>>
      %dma_start3A_283 = arith.constant 0 : i32
      %dma_start3A_284 = tpu.memref_slice %arg5[%add3A_279, %dma_start3A_283] : memref<32768x1024xf32, #tpu.memory_space<hbm>> -> memref<32x1024xf32, #tpu.memory_space<hbm>>
      %dma_start3A_285 = arith.constant 0 : i32
      %dma_start3A_286 = tpu.memref_slice %arg5[%add3A_279, %dma_start3A_285] : memref<32768x1024xf32, #tpu.memory_space<hbm>> -> memref<32x1024xf32, #tpu.memory_space<hbm>>
      %dma_start3A_287 = arith.constant 8 : i32
      %dma_start3A_288 = arith.constant 0 : i32
      %dma_start3A_289 = tpu.memref_slice %arg10[%dma_start3A_287, %dma_start3A_288] : memref<40x1024xf32, #tpu.memory_space<vmem>> -> memref<32x1024xf32, #tpu.memory_space<vmem>>
      tpu.enqueue_dma source(%dma_start3A_289 : memref<32x1024xf32, #tpu.memory_space<vmem>>) target(%dma_start3A_286 : memref<32x1024xf32, #tpu.memory_space<hbm>>) target_semaphore(%arg15 : memref<!tpu.dma_semaphore, #tpu.memory_space<semaphore_mem>>)
      %ge3A_290 = arith.constant 1 : i32
      %ge3A_291 = arith.cmpi sge, %mul3A_250, %ge3A_290 : i32
      %convert_element_type3A_292 = arith.extui %ge3A_291 : i1 to i32
      %cond3A_293 = arith.constant 0 : i32
      %cond3A_294 = arith.cmpi ne, %convert_element_type3A_292, %cond3A_293 : i32
      scf.if %cond3A_294 {
        %dma_wait3A_409 = arith.constant 8 : i32
        %dma_wait3A_410 = arith.constant 0 : i32
        %dma_wait3A_411 = tpu.memref_slice %arg12[%dma_wait3A_409, %dma_wait3A_410] : memref<40x1024xf32, #tpu.memory_space<vmem>> -> memref<32x1024xf32, #tpu.memory_space<vmem>>
        %dma_wait3A_412 = arith.constant 0 : i32
        %dma_wait3A_413 = arith.constant 0 : i32
        %dma_wait3A_414 = tpu.memref_slice %arg5[%dma_wait3A_412, %dma_wait3A_413] : memref<32768x1024xf32, #tpu.memory_space<hbm>> -> memref<32x1024xf32, #tpu.memory_space<hbm>>
        %dma_wait3A_415 = arith.constant 0 : i32
        %dma_wait3A_416 = arith.constant 0 : i32
        %dma_wait3A_417 = tpu.memref_slice %arg5[%dma_wait3A_415, %dma_wait3A_416] : memref<32768x1024xf32, #tpu.memory_space<hbm>> -> memref<32x1024xf32, #tpu.memory_space<hbm>>
        %dma_wait3A_418 = arith.constant 8 : i32
        %dma_wait3A_419 = arith.constant 0 : i32
        %dma_wait3A_420 = tpu.memref_slice %arg12[%dma_wait3A_418, %dma_wait3A_419] : memref<40x1024xf32, #tpu.memory_space<vmem>> -> memref<32x1024xf32, #tpu.memory_space<vmem>>
        tpu.wait_dma2 semaphore(%arg15 : memref<!tpu.dma_semaphore, #tpu.memory_space<semaphore_mem>>) src(%dma_wait3A_420 : memref<32x1024xf32, #tpu.memory_space<vmem>>) dst(%dma_wait3A_417 : memref<32x1024xf32, #tpu.memory_space<hbm>>)
      } else {
      }
      %add3A_295 = arith.constant 2 : i32
      %add3A_296 = arith.addi %mul3A_250, %add3A_295 : i32
      %lt3A_297 = arith.constant 32 : i32
      %lt3A_298 = arith.cmpi slt, %add3A_296, %lt3A_297 : i32
      %convert_element_type3A_299 = arith.extui %lt3A_298 : i1 to i32
      %cond3A_300 = arith.constant 0 : i32
      %cond3A_301 = arith.cmpi ne, %convert_element_type3A_299, %cond3A_300 : i32
      scf.if %cond3A_301 {
        %add3A_409 = arith.constant 2 : i32
        %add3A_410 = arith.addi %mul3A_250, %add3A_409 : i32
        %mul3A_411 = arith.constant 32 : i32
        %mul3A_412 = arith.muli %add3A_410, %mul3A_411 : i32
        %dma_start3A_413 = arith.constant 8 : i32
        %dma_start3A_414 = arith.constant 0 : i32
        %dma_start3A_415 = tpu.memref_slice %arg12[%dma_start3A_413, %dma_start3A_414] : memref<40x1024xf32, #tpu.memory_space<vmem>> -> memref<32x1024xf32, #tpu.memory_space<vmem>>
        %dma_start3A_416 = tpu.memref_slice %arg7[%mul3A_412] : memref<1024xi32, #tpu.memory_space<vmem>> -> memref<32xi32, #tpu.memory_space<vmem>>
        %dma_start3A_417 = arith.constant 0 : i32
        %dma_start3A_418 = arith.constant 0 : i32
        %dma_start3A_419 = tpu.memref_slice %arg2[%dma_start3A_417, %dma_start3A_418] : memref<16384x1024xf32, #tpu.memory_space<hbm>> -> memref<16384x1024xf32, #tpu.memory_space<hbm>>
        tpu.enqueue_indirect_dma source(%dma_start3A_419 : memref<16384x1024xf32, #tpu.memory_space<hbm>>) target(%dma_start3A_415 : memref<32x1024xf32, #tpu.memory_space<vmem>>) offsets(%dma_start3A_416 : memref<32xi32, #tpu.memory_space<vmem>>) semaphore(%arg14 : memref<!tpu.dma_semaphore, #tpu.memory_space<semaphore_mem>>)
      } else {
      }
      %add3A_302 = arith.constant 1 : i32
      %add3A_303 = arith.addi %mul3A_250, %add3A_302 : i32
      %mul3A_304 = arith.constant 32 : i32
      %mul3A_305 = arith.muli %add3A_303, %mul3A_304 : i32
      %dma_wait3A_306 = arith.constant 8 : i32
      %dma_wait3A_307 = arith.constant 0 : i32
      %dma_wait3A_308 = tpu.memref_slice %arg11[%dma_wait3A_306, %dma_wait3A_307] : memref<40x1024xf32, #tpu.memory_space<vmem>> -> memref<32x1024xf32, #tpu.memory_space<vmem>>
      %dma_wait3A_309 = arith.constant 0 : i32
      %dma_wait3A_310 = arith.constant 0 : i32
      %dma_wait3A_311 = tpu.memref_slice %arg2[%dma_wait3A_309, %dma_wait3A_310] : memref<16384x1024xf32, #tpu.memory_space<hbm>> -> memref<32x1024xf32, #tpu.memory_space<hbm>>
      %dma_wait3A_312 = arith.constant 8 : i32
      %dma_wait3A_313 = arith.constant 0 : i32
      %dma_wait3A_314 = tpu.memref_slice %arg11[%dma_wait3A_312, %dma_wait3A_313] : memref<40x1024xf32, #tpu.memory_space<vmem>> -> memref<32x1024xf32, #tpu.memory_space<vmem>>
      %dma_wait3A_315 = arith.constant 0 : i32
      %dma_wait3A_316 = arith.constant 0 : i32
      %dma_wait3A_317 = tpu.memref_slice %arg2[%dma_wait3A_315, %dma_wait3A_316] : memref<16384x1024xf32, #tpu.memory_space<hbm>> -> memref<32x1024xf32, #tpu.memory_space<hbm>>
      tpu.wait_dma2 semaphore(%arg14 : memref<!tpu.dma_semaphore, #tpu.memory_space<semaphore_mem>>) src(%dma_wait3A_317 : memref<32x1024xf32, #tpu.memory_space<hbm>>) dst(%dma_wait3A_314 : memref<32x1024xf32, #tpu.memory_space<vmem>>)
      %scan3A_318 = arith.constant 0 : i32
      %scan3A_319 = arith.constant 0 : i32
      %scan3A_320 = arith.constant 64 : i32
      %scan3A_321 = arith.addi %scan3A_319, %scan3A_320 : i32
      %scan3A_322 = arith.constant 1 : i32
      %scan3A_323 = scf.for %scan3A_409 = %scan3A_319 to %scan3A_321 step %scan3A_322 iter_args(%scan3A_410 = %scan3A_318) -> (i32)  : i32 {
        %mul3A_411 = arith.constant 16 : i32
        %mul3A_412 = arith.muli %scan3A_409, %mul3A_411 : i32
        %get3A_413 = arith.constant 39 : i32
        %get3A_414 = arith.index_cast %get3A_413 : i32 to index
        %get3A_415 = arith.index_cast %mul3A_412 : i32 to index
        %get3A_416 = tpu.vector_load %arg11[%get3A_414, %get3A_415] {strides = array<i32>} : memref<40x1024xf32, #tpu.memory_space<vmem>>, vector<16xf32>,
        %mul3A_417 = arith.constant 16 : i32
        %mul3A_418 = arith.muli %scan3A_409, %mul3A_417 : i32
        %swap3A_419 = arith.constant 7 : i32
        %swap3A_420 = arith.index_cast %swap3A_419 : i32 to index
        %swap3A_421 = arith.index_cast %mul3A_418 : i32 to index
        %swap3A_422 = tpu.vector_load %arg12[%swap3A_420, %swap3A_421] {strides = array<i32>} : memref<40x1024xf32, #tpu.memory_space<vmem>>, vector<16xf32>,
        tpu.vector_store %arg12[%swap3A_420, %swap3A_421], %get3A_416 {strides = array<i32>} : memref<40x1024xf32, #tpu.memory_space<vmem>>, vector<16xf32>,
        %scan3A_423 = arith.constant 0 : i32
        scf.yield %scan3A_423 : i32
      }
      %scan3A_324 = arith.constant 64 : i32
      %scan3A_325 = arith.constant 0 : i32
      %scan3A_326 = arith.constant 0 : i32
      %scan3A_327 = arith.constant 64 : i32
      %scan3A_328 = arith.addi %scan3A_326, %scan3A_327 : i32
      %scan3A_329 = arith.constant 1 : i32
      %scan3A_330 = scf.for %scan3A_409 = %scan3A_326 to %scan3A_328 step %scan3A_329 iter_args(%scan3A_410 = %scan3A_325) -> (i32)  : i32 {
        %mul3A_411 = arith.constant 16 : i32
        %mul3A_412 = arith.muli %scan3A_409, %mul3A_411 : i32
        %get3A_413 = arith.constant 7 : i32
        %get3A_414 = arith.index_cast %get3A_413 : i32 to index
        %get3A_415 = arith.index_cast %mul3A_412 : i32 to index
        %get3A_416 = tpu.vector_load %arg11[%get3A_414, %get3A_415] {strides = array<i32>} : memref<40x1024xf32, #tpu.memory_space<vmem>>, vector<16xf32>,
        %scan3A_417 = arith.constant 0 : i32
        %scan3A_418 = arith.constant 4 : i32
        %scan3A_419 = arith.addi %scan3A_417, %scan3A_418 : i32
        %scan3A_420 = arith.constant 1 : i32
        %scan3A_421 = scf.for %scan3A_424 = %scan3A_417 to %scan3A_419 step %scan3A_420 iter_args(%scan3A_425 = %get3A_416) -> (vector<16xf32>)  : i32 {
          %mul3A_426 = arith.constant 8 : i32
          %mul3A_427 = arith.muli %scan3A_424, %mul3A_426 : i32
          %add3A_428 = arith.constant 0 : i32
          %add3A_429 = arith.addi %mul3A_427, %add3A_428 : i32
          %add3A_430 = arith.addi %mul3A_305, %add3A_429 : i32
          %get3A_431 = arith.index_cast %add3A_430 : i32 to index
          %get3A_432 = memref.load %arg13[%get3A_431] : memref<1024xf32, #tpu.memory_space<smem>>
          %broadcast_in_dim3A_433 = vector.broadcast %get3A_432 : f32 to vector<16xf32>
          %add3A_434 = arith.constant 8 : i32
          %add3A_435 = arith.addi %add3A_434, %add3A_429 : i32
          %get3A_436 = arith.index_cast %add3A_435 : i32 to index
          %get3A_437 = arith.index_cast %mul3A_412 : i32 to index
          %get3A_438 = tpu.vector_load %arg11[%get3A_436, %get3A_437] {strides = array<i32>} : memref<40x1024xf32, #tpu.memory_space<vmem>>, vector<16xf32>,
          %sub3A_439 = arith.subf %get3A_438, %scan3A_425 : vector<16xf32>
          %mul3A_440 = arith.mulf %broadcast_in_dim3A_433, %sub3A_439 : vector<16xf32>
          %add3A_441 = arith.addf %scan3A_425, %mul3A_440 : vector<16xf32>
          %add3A_442 = arith.constant 8 : i32
          %add3A_443 = arith.addi %add3A_442, %add3A_429 : i32
          %swap3A_444 = arith.index_cast %add3A_443 : i32 to index
          %swap3A_445 = arith.index_cast %mul3A_412 : i32 to index
          %swap3A_446 = tpu.vector_load %arg11[%swap3A_444, %swap3A_445] {strides = array<i32>} : memref<40x1024xf32, #tpu.memory_space<vmem>>, vector<16xf32>,
          tpu.vector_store %arg11[%swap3A_444, %swap3A_445], %add3A_441 {strides = array<i32>} : memref<40x1024xf32, #tpu.memory_space<vmem>>, vector<16xf32>,
          %mul3A_447 = arith.constant 8 : i32
          %mul3A_448 = arith.muli %scan3A_424, %mul3A_447 : i32
          %add3A_449 = arith.constant 1 : i32
          %add3A_450 = arith.addi %mul3A_448, %add3A_449 : i32
          %add3A_451 = arith.addi %mul3A_305, %add3A_450 : i32
          %get3A_452 = arith.index_cast %add3A_451 : i32 to index
          %get3A_453 = memref.load %arg13[%get3A_452] : memref<1024xf32, #tpu.memory_space<smem>>
          %broadcast_in_dim3A_454 = vector.broadcast %get3A_453 : f32 to vector<16xf32>
          %add3A_455 = arith.constant 8 : i32
          %add3A_456 = arith.addi %add3A_455, %add3A_450 : i32
          %get3A_457 = arith.index_cast %add3A_456 : i32 to index
          %get3A_458 = arith.index_cast %mul3A_412 : i32 to index
          %get3A_459 = tpu.vector_load %arg11[%get3A_457, %get3A_458] {strides = array<i32>} : memref<40x1024xf32, #tpu.memory_space<vmem>>, vector<16xf32>,
          %sub3A_460 = arith.subf %get3A_459, %get3A_438 : vector<16xf32>
          %mul3A_461 = arith.mulf %broadcast_in_dim3A_454, %sub3A_460 : vector<16xf32>
          %add3A_462 = arith.addf %get3A_438, %mul3A_461 : vector<16xf32>
          %add3A_463 = arith.constant 8 : i32
          %add3A_464 = arith.addi %add3A_463, %add3A_450 : i32
          %swap3A_465 = arith.index_cast %add3A_464 : i32 to index
          %swap3A_466 = arith.index_cast %mul3A_412 : i32 to index
          %swap3A_467 = tpu.vector_load %arg11[%swap3A_465, %swap3A_466] {strides = array<i32>} : memref<40x1024xf32, #tpu.memory_space<vmem>>, vector<16xf32>,
          tpu.vector_store %arg11[%swap3A_465, %swap3A_466], %add3A_462 {strides = array<i32>} : memref<40x1024xf32, #tpu.memory_space<vmem>>, vector<16xf32>,
          %mul3A_468 = arith.constant 8 : i32
          %mul3A_469 = arith.muli %scan3A_424, %mul3A_468 : i32
          %add3A_470 = arith.constant 2 : i32
          %add3A_471 = arith.addi %mul3A_469, %add3A_470 : i32
          %add3A_472 = arith.addi %mul3A_305, %add3A_471 : i32
          %get3A_473 = arith.index_cast %add3A_472 : i32 to index
          %get3A_474 = memref.load %arg13[%get3A_473] : memref<1024xf32, #tpu.memory_space<smem>>
          %broadcast_in_dim3A_475 = vector.broadcast %get3A_474 : f32 to vector<16xf32>
          %add3A_476 = arith.constant 8 : i32
          %add3A_477 = arith.addi %add3A_476, %add3A_471 : i32
          %get3A_478 = arith.index_cast %add3A_477 : i32 to index
          %get3A_479 = arith.index_cast %mul3A_412 : i32 to index
          %get3A_480 = tpu.vector_load %arg11[%get3A_478, %get3A_479] {strides = array<i32>} : memref<40x1024xf32, #tpu.memory_space<vmem>>, vector<16xf32>,
          %sub3A_481 = arith.subf %get3A_480, %get3A_459 : vector<16xf32>
          %mul3A_482 = arith.mulf %broadcast_in_dim3A_475, %sub3A_481 : vector<16xf32>
          %add3A_483 = arith.addf %get3A_459, %mul3A_482 : vector<16xf32>
          %add3A_484 = arith.constant 8 : i32
          %add3A_485 = arith.addi %add3A_484, %add3A_471 : i32
          %swap3A_486 = arith.index_cast %add3A_485 : i32 to index
          %swap3A_487 = arith.index_cast %mul3A_412 : i32 to index
          %swap3A_488 = tpu.vector_load %arg11[%swap3A_486, %swap3A_487] {strides = array<i32>} : memref<40x1024xf32, #tpu.memory_space<vmem>>, vector<16xf32>,
          tpu.vector_store %arg11[%swap3A_486, %swap3A_487], %add3A_483 {strides = array<i32>} : memref<40x1024xf32, #tpu.memory_space<vmem>>, vector<16xf32>,
          %mul3A_489 = arith.constant 8 : i32
          %mul3A_490 = arith.muli %scan3A_424, %mul3A_489 : i32
          %add3A_491 = arith.constant 3 : i32
          %add3A_492 = arith.addi %mul3A_490, %add3A_491 : i32
          %add3A_493 = arith.addi %mul3A_305, %add3A_492 : i32
          %get3A_494 = arith.index_cast %add3A_493 : i32 to index
          %get3A_495 = memref.load %arg13[%get3A_494] : memref<1024xf32, #tpu.memory_space<smem>>
          %broadcast_in_dim3A_496 = vector.broadcast %get3A_495 : f32 to vector<16xf32>
          %add3A_497 = arith.constant 8 : i32
          %add3A_498 = arith.addi %add3A_497, %add3A_492 : i32
          %get3A_499 = arith.index_cast %add3A_498 : i32 to index
          %get3A_500 = arith.index_cast %mul3A_412 : i32 to index
          %get3A_501 = tpu.vector_load %arg11[%get3A_499, %get3A_500] {strides = array<i32>} : memref<40x1024xf32, #tpu.memory_space<vmem>>, vector<16xf32>,
          %sub3A_502 = arith.subf %get3A_501, %get3A_480 : vector<16xf32>
          %mul3A_503 = arith.mulf %broadcast_in_dim3A_496, %sub3A_502 : vector<16xf32>
          %add3A_504 = arith.addf %get3A_480, %mul3A_503 : vector<16xf32>
          %add3A_505 = arith.constant 8 : i32
          %add3A_506 = arith.addi %add3A_505, %add3A_492 : i32
          %swap3A_507 = arith.index_cast %add3A_506 : i32 to index
          %swap3A_508 = arith.index_cast %mul3A_412 : i32 to index
          %swap3A_509 = tpu.vector_load %arg11[%swap3A_507, %swap3A_508] {strides = array<i32>} : memref<40x1024xf32, #tpu.memory_space<vmem>>, vector<16xf32>,
          tpu.vector_store %arg11[%swap3A_507, %swap3A_508], %add3A_504 {strides = array<i32>} : memref<40x1024xf32, #tpu.memory_space<vmem>>, vector<16xf32>,
          %mul3A_510 = arith.constant 8 : i32
          %mul3A_511 = arith.muli %scan3A_424, %mul3A_510 : i32
          %add3A_512 = arith.constant 4 : i32
          %add3A_513 = arith.addi %mul3A_511, %add3A_512 : i32
          %add3A_514 = arith.addi %mul3A_305, %add3A_513 : i32
          %get3A_515 = arith.index_cast %add3A_514 : i32 to index
          %get3A_516 = memref.load %arg13[%get3A_515] : memref<1024xf32, #tpu.memory_space<smem>>
          %broadcast_in_dim3A_517 = vector.broadcast %get3A_516 : f32 to vector<16xf32>
          %add3A_518 = arith.constant 8 : i32
          %add3A_519 = arith.addi %add3A_518, %add3A_513 : i32
          %get3A_520 = arith.index_cast %add3A_519 : i32 to index
          %get3A_521 = arith.index_cast %mul3A_412 : i32 to index
          %get3A_522 = tpu.vector_load %arg11[%get3A_520, %get3A_521] {strides = array<i32>} : memref<40x1024xf32, #tpu.memory_space<vmem>>, vector<16xf32>,
          %sub3A_523 = arith.subf %get3A_522, %get3A_501 : vector<16xf32>
          %mul3A_524 = arith.mulf %broadcast_in_dim3A_517, %sub3A_523 : vector<16xf32>
          %add3A_525 = arith.addf %get3A_501, %mul3A_524 : vector<16xf32>
          %add3A_526 = arith.constant 8 : i32
          %add3A_527 = arith.addi %add3A_526, %add3A_513 : i32
          %swap3A_528 = arith.index_cast %add3A_527 : i32 to index
          %swap3A_529 = arith.index_cast %mul3A_412 : i32 to index
          %swap3A_530 = tpu.vector_load %arg11[%swap3A_528, %swap3A_529] {strides = array<i32>} : memref<40x1024xf32, #tpu.memory_space<vmem>>, vector<16xf32>,
          tpu.vector_store %arg11[%swap3A_528, %swap3A_529], %add3A_525 {strides = array<i32>} : memref<40x1024xf32, #tpu.memory_space<vmem>>, vector<16xf32>,
          %mul3A_531 = arith.constant 8 : i32
          %mul3A_532 = arith.muli %scan3A_424, %mul3A_531 : i32
          %add3A_533 = arith.constant 5 : i32
          %add3A_534 = arith.addi %mul3A_532, %add3A_533 : i32
          %add3A_535 = arith.addi %mul3A_305, %add3A_534 : i32
          %get3A_536 = arith.index_cast %add3A_535 : i32 to index
          %get3A_537 = memref.load %arg13[%get3A_536] : memref<1024xf32, #tpu.memory_space<smem>>
          %broadcast_in_dim3A_538 = vector.broadcast %get3A_537 : f32 to vector<16xf32>
          %add3A_539 = arith.constant 8 : i32
          %add3A_540 = arith.addi %add3A_539, %add3A_534 : i32
          %get3A_541 = arith.index_cast %add3A_540 : i32 to index
          %get3A_542 = arith.index_cast %mul3A_412 : i32 to index
          %get3A_543 = tpu.vector_load %arg11[%get3A_541, %get3A_542] {strides = array<i32>} : memref<40x1024xf32, #tpu.memory_space<vmem>>, vector<16xf32>,
          %sub3A_544 = arith.subf %get3A_543, %get3A_522 : vector<16xf32>
          %mul3A_545 = arith.mulf %broadcast_in_dim3A_538, %sub3A_544 : vector<16xf32>
          %add3A_546 = arith.addf %get3A_522, %mul3A_545 : vector<16xf32>
          %add3A_547 = arith.constant 8 : i32
          %add3A_548 = arith.addi %add3A_547, %add3A_534 : i32
          %swap3A_549 = arith.index_cast %add3A_548 : i32 to index
          %swap3A_550 = arith.index_cast %mul3A_412 : i32 to index
          %swap3A_551 = tpu.vector_load %arg11[%swap3A_549, %swap3A_550] {strides = array<i32>} : memref<40x1024xf32, #tpu.memory_space<vmem>>, vector<16xf32>,
          tpu.vector_store %arg11[%swap3A_549, %swap3A_550], %add3A_546 {strides = array<i32>} : memref<40x1024xf32, #tpu.memory_space<vmem>>, vector<16xf32>,
          %mul3A_552 = arith.constant 8 : i32
          %mul3A_553 = arith.muli %scan3A_424, %mul3A_552 : i32
          %add3A_554 = arith.constant 6 : i32
          %add3A_555 = arith.addi %mul3A_553, %add3A_554 : i32
          %add3A_556 = arith.addi %mul3A_305, %add3A_555 : i32
          %get3A_557 = arith.index_cast %add3A_556 : i32 to index
          %get3A_558 = memref.load %arg13[%get3A_557] : memref<1024xf32, #tpu.memory_space<smem>>
          %broadcast_in_dim3A_559 = vector.broadcast %get3A_558 : f32 to vector<16xf32>
          %add3A_560 = arith.constant 8 : i32
          %add3A_561 = arith.addi %add3A_560, %add3A_555 : i32
          %get3A_562 = arith.index_cast %add3A_561 : i32 to index
          %get3A_563 = arith.index_cast %mul3A_412 : i32 to index
          %get3A_564 = tpu.vector_load %arg11[%get3A_562, %get3A_563] {strides = array<i32>} : memref<40x1024xf32, #tpu.memory_space<vmem>>, vector<16xf32>,
          %sub3A_565 = arith.subf %get3A_564, %get3A_543 : vector<16xf32>
          %mul3A_566 = arith.mulf %broadcast_in_dim3A_559, %sub3A_565 : vector<16xf32>
          %add3A_567 = arith.addf %get3A_543, %mul3A_566 : vector<16xf32>
          %add3A_568 = arith.constant 8 : i32
          %add3A_569 = arith.addi %add3A_568, %add3A_555 : i32
          %swap3A_570 = arith.index_cast %add3A_569 : i32 to index
          %swap3A_571 = arith.index_cast %mul3A_412 : i32 to index
          %swap3A_572 = tpu.vector_load %arg11[%swap3A_570, %swap3A_571] {strides = array<i32>} : memref<40x1024xf32, #tpu.memory_space<vmem>>, vector<16xf32>,
          tpu.vector_store %arg11[%swap3A_570, %swap3A_571], %add3A_567 {strides = array<i32>} : memref<40x1024xf32, #tpu.memory_space<vmem>>, vector<16xf32>,
          %mul3A_573 = arith.constant 8 : i32
          %mul3A_574 = arith.muli %scan3A_424, %mul3A_573 : i32
          %add3A_575 = arith.constant 7 : i32
          %add3A_576 = arith.addi %mul3A_574, %add3A_575 : i32
          %add3A_577 = arith.addi %mul3A_305, %add3A_576 : i32
          %get3A_578 = arith.index_cast %add3A_577 : i32 to index
          %get3A_579 = memref.load %arg13[%get3A_578] : memref<1024xf32, #tpu.memory_space<smem>>
          %broadcast_in_dim3A_580 = vector.broadcast %get3A_579 : f32 to vector<16xf32>
          %add3A_581 = arith.constant 8 : i32
          %add3A_582 = arith.addi %add3A_581, %add3A_576 : i32
          %get3A_583 = arith.index_cast %add3A_582 : i32 to index
          %get3A_584 = arith.index_cast %mul3A_412 : i32 to index
          %get3A_585 = tpu.vector_load %arg11[%get3A_583, %get3A_584] {strides = array<i32>} : memref<40x1024xf32, #tpu.memory_space<vmem>>, vector<16xf32>,
          %sub3A_586 = arith.subf %get3A_585, %get3A_564 : vector<16xf32>
          %mul3A_587 = arith.mulf %broadcast_in_dim3A_580, %sub3A_586 : vector<16xf32>
          %add3A_588 = arith.addf %get3A_564, %mul3A_587 : vector<16xf32>
          %add3A_589 = arith.constant 8 : i32
          %add3A_590 = arith.addi %add3A_589, %add3A_576 : i32
          %swap3A_591 = arith.index_cast %add3A_590 : i32 to index
          %swap3A_592 = arith.index_cast %mul3A_412 : i32 to index
          %swap3A_593 = tpu.vector_load %arg11[%swap3A_591, %swap3A_592] {strides = array<i32>} : memref<40x1024xf32, #tpu.memory_space<vmem>>, vector<16xf32>,
          tpu.vector_store %arg11[%swap3A_591, %swap3A_592], %add3A_588 {strides = array<i32>} : memref<40x1024xf32, #tpu.memory_space<vmem>>, vector<16xf32>,
          scf.yield %get3A_585 : vector<16xf32>
        }
        %scan3A_422 = arith.constant 4 : i32
        %scan3A_423 = arith.constant 0 : i32
        scf.yield %scan3A_423 : i32
      }
      %scan3A_331 = arith.constant 64 : i32
      %add3A_332 = arith.addi %add3A_37, %mul3A_305 : i32
      %dma_start3A_333 = arith.constant 8 : i32
      %dma_start3A_334 = arith.constant 0 : i32
      %dma_start3A_335 = tpu.memref_slice %arg11[%dma_start3A_333, %dma_start3A_334] : memref<40x1024xf32, #tpu.memory_space<vmem>> -> memref<32x1024xf32, #tpu.memory_space<vmem>>
      %dma_start3A_336 = arith.constant 0 : i32
      %dma_start3A_337 = tpu.memref_slice %arg5[%add3A_332, %dma_start3A_336] : memref<32768x1024xf32, #tpu.memory_space<hbm>> -> memref<32x1024xf32, #tpu.memory_space<hbm>>
      %dma_start3A_338 = arith.constant 0 : i32
      %dma_start3A_339 = tpu.memref_slice %arg5[%add3A_332, %dma_start3A_338] : memref<32768x1024xf32, #tpu.memory_space<hbm>> -> memref<32x1024xf32, #tpu.memory_space<hbm>>
      %dma_start3A_340 = arith.constant 8 : i32
      %dma_start3A_341 = arith.constant 0 : i32
      %dma_start3A_342 = tpu.memref_slice %arg11[%dma_start3A_340, %dma_start3A_341] : memref<40x1024xf32, #tpu.memory_space<vmem>> -> memref<32x1024xf32, #tpu.memory_space<vmem>>
      tpu.enqueue_dma source(%dma_start3A_342 : memref<32x1024xf32, #tpu.memory_space<vmem>>) target(%dma_start3A_339 : memref<32x1024xf32, #tpu.memory_space<hbm>>) target_semaphore(%arg15 : memref<!tpu.dma_semaphore, #tpu.memory_space<semaphore_mem>>)
      %ge3A_343 = arith.constant 1 : i32
      %ge3A_344 = arith.cmpi sge, %add3A_303, %ge3A_343 : i32
      %convert_element_type3A_345 = arith.extui %ge3A_344 : i1 to i32
      %cond3A_346 = arith.constant 0 : i32
      %cond3A_347 = arith.cmpi ne, %convert_element_type3A_345, %cond3A_346 : i32
      scf.if %cond3A_347 {
        %dma_wait3A_409 = arith.constant 8 : i32
        %dma_wait3A_410 = arith.constant 0 : i32
        %dma_wait3A_411 = tpu.memref_slice %arg10[%dma_wait3A_409, %dma_wait3A_410] : memref<40x1024xf32, #tpu.memory_space<vmem>> -> memref<32x1024xf32, #tpu.memory_space<vmem>>
        %dma_wait3A_412 = arith.constant 0 : i32
        %dma_wait3A_413 = arith.constant 0 : i32
        %dma_wait3A_414 = tpu.memref_slice %arg5[%dma_wait3A_412, %dma_wait3A_413] : memref<32768x1024xf32, #tpu.memory_space<hbm>> -> memref<32x1024xf32, #tpu.memory_space<hbm>>
        %dma_wait3A_415 = arith.constant 0 : i32
        %dma_wait3A_416 = arith.constant 0 : i32
        %dma_wait3A_417 = tpu.memref_slice %arg5[%dma_wait3A_415, %dma_wait3A_416] : memref<32768x1024xf32, #tpu.memory_space<hbm>> -> memref<32x1024xf32, #tpu.memory_space<hbm>>
        %dma_wait3A_418 = arith.constant 8 : i32
        %dma_wait3A_419 = arith.constant 0 : i32
        %dma_wait3A_420 = tpu.memref_slice %arg10[%dma_wait3A_418, %dma_wait3A_419] : memref<40x1024xf32, #tpu.memory_space<vmem>> -> memref<32x1024xf32, #tpu.memory_space<vmem>>
        tpu.wait_dma2 semaphore(%arg15 : memref<!tpu.dma_semaphore, #tpu.memory_space<semaphore_mem>>) src(%dma_wait3A_420 : memref<32x1024xf32, #tpu.memory_space<vmem>>) dst(%dma_wait3A_417 : memref<32x1024xf32, #tpu.memory_space<hbm>>)
      } else {
      }
      %add3A_348 = arith.constant 2 : i32
      %add3A_349 = arith.addi %add3A_303, %add3A_348 : i32
      %lt3A_350 = arith.constant 32 : i32
      %lt3A_351 = arith.cmpi slt, %add3A_349, %lt3A_350 : i32
      %convert_element_type3A_352 = arith.extui %lt3A_351 : i1 to i32
      %cond3A_353 = arith.constant 0 : i32
      %cond3A_354 = arith.cmpi ne, %convert_element_type3A_352, %cond3A_353 : i32
      scf.if %cond3A_354 {
        %add3A_409 = arith.constant 2 : i32
        %add3A_410 = arith.addi %add3A_303, %add3A_409 : i32
        %mul3A_411 = arith.constant 32 : i32
        %mul3A_412 = arith.muli %add3A_410, %mul3A_411 : i32
        %dma_start3A_413 = arith.constant 8 : i32
        %dma_start3A_414 = arith.constant 0 : i32
        %dma_start3A_415 = tpu.memref_slice %arg10[%dma_start3A_413, %dma_start3A_414] : memref<40x1024xf32, #tpu.memory_space<vmem>> -> memref<32x1024xf32, #tpu.memory_space<vmem>>
        %dma_start3A_416 = tpu.memref_slice %arg7[%mul3A_412] : memref<1024xi32, #tpu.memory_space<vmem>> -> memref<32xi32, #tpu.memory_space<vmem>>
        %dma_start3A_417 = arith.constant 0 : i32
        %dma_start3A_418 = arith.constant 0 : i32
        %dma_start3A_419 = tpu.memref_slice %arg2[%dma_start3A_417, %dma_start3A_418] : memref<16384x1024xf32, #tpu.memory_space<hbm>> -> memref<16384x1024xf32, #tpu.memory_space<hbm>>
        tpu.enqueue_indirect_dma source(%dma_start3A_419 : memref<16384x1024xf32, #tpu.memory_space<hbm>>) target(%dma_start3A_415 : memref<32x1024xf32, #tpu.memory_space<vmem>>) offsets(%dma_start3A_416 : memref<32xi32, #tpu.memory_space<vmem>>) semaphore(%arg14 : memref<!tpu.dma_semaphore, #tpu.memory_space<semaphore_mem>>)
      } else {
      }
      %add3A_355 = arith.constant 2 : i32
      %add3A_356 = arith.addi %mul3A_250, %add3A_355 : i32
      %mul3A_357 = arith.constant 32 : i32
      %mul3A_358 = arith.muli %add3A_356, %mul3A_357 : i32
      %dma_wait3A_359 = arith.constant 8 : i32
      %dma_wait3A_360 = arith.constant 0 : i32
      %dma_wait3A_361 = tpu.memref_slice %arg12[%dma_wait3A_359, %dma_wait3A_360] : memref<40x1024xf32, #tpu.memory_space<vmem>> -> memref<32x1024xf32, #tpu.memory_space<vmem>>
      %dma_wait3A_362 = arith.constant 0 : i32
      %dma_wait3A_363 = arith.constant 0 : i32
      %dma_wait3A_364 = tpu.memref_slice %arg2[%dma_wait3A_362, %dma_wait3A_363] : memref<16384x1024xf32, #tpu.memory_space<hbm>> -> memref<32x1024xf32, #tpu.memory_space<hbm>>
      %dma_wait3A_365 = arith.constant 8 : i32
      %dma_wait3A_366 = arith.constant 0 : i32
      %dma_wait3A_367 = tpu.memref_slice %arg12[%dma_wait3A_365, %dma_wait3A_366] : memref<40x1024xf32, #tpu.memory_space<vmem>> -> memref<32x1024xf32, #tpu.memory_space<vmem>>
      %dma_wait3A_368 = arith.constant 0 : i32
      %dma_wait3A_369 = arith.constant 0 : i32
      %dma_wait3A_370 = tpu.memref_slice %arg2[%dma_wait3A_368, %dma_wait3A_369] : memref<16384x1024xf32, #tpu.memory_space<hbm>> -> memref<32x1024xf32, #tpu.memory_space<hbm>>
      tpu.wait_dma2 semaphore(%arg14 : memref<!tpu.dma_semaphore, #tpu.memory_space<semaphore_mem>>) src(%dma_wait3A_370 : memref<32x1024xf32, #tpu.memory_space<hbm>>) dst(%dma_wait3A_367 : memref<32x1024xf32, #tpu.memory_space<vmem>>)
      %scan3A_371 = arith.constant 0 : i32
      %scan3A_372 = arith.constant 0 : i32
      %scan3A_373 = arith.constant 64 : i32
      %scan3A_374 = arith.addi %scan3A_372, %scan3A_373 : i32
      %scan3A_375 = arith.constant 1 : i32
      %scan3A_376 = scf.for %scan3A_409 = %scan3A_372 to %scan3A_374 step %scan3A_375 iter_args(%scan3A_410 = %scan3A_371) -> (i32)  : i32 {
        %mul3A_411 = arith.constant 16 : i32
        %mul3A_412 = arith.muli %scan3A_409, %mul3A_411 : i32
        %get3A_413 = arith.constant 39 : i32
        %get3A_414 = arith.index_cast %get3A_413 : i32 to index
        %get3A_415 = arith.index_cast %mul3A_412 : i32 to index
        %get3A_416 = tpu.vector_load %arg12[%get3A_414, %get3A_415] {strides = array<i32>} : memref<40x1024xf32, #tpu.memory_space<vmem>>, vector<16xf32>,
        %mul3A_417 = arith.constant 16 : i32
        %mul3A_418 = arith.muli %scan3A_409, %mul3A_417 : i32
        %swap3A_419 = arith.constant 7 : i32
        %swap3A_420 = arith.index_cast %swap3A_419 : i32 to index
        %swap3A_421 = arith.index_cast %mul3A_418 : i32 to index
        %swap3A_422 = tpu.vector_load %arg10[%swap3A_420, %swap3A_421] {strides = array<i32>} : memref<40x1024xf32, #tpu.memory_space<vmem>>, vector<16xf32>,
        tpu.vector_store %arg10[%swap3A_420, %swap3A_421], %get3A_416 {strides = array<i32>} : memref<40x1024xf32, #tpu.memory_space<vmem>>, vector<16xf32>,
        %scan3A_423 = arith.constant 0 : i32
        scf.yield %scan3A_423 : i32
      }
      %scan3A_377 = arith.constant 64 : i32
      %scan3A_378 = arith.constant 0 : i32
      %scan3A_379 = arith.constant 0 : i32
      %scan3A_380 = arith.constant 64 : i32
      %scan3A_381 = arith.addi %scan3A_379, %scan3A_380 : i32
      %scan3A_382 = arith.constant 1 : i32
      %scan3A_383 = scf.for %scan3A_409 = %scan3A_379 to %scan3A_381 step %scan3A_382 iter_args(%scan3A_410 = %scan3A_378) -> (i32)  : i32 {
        %mul3A_411 = arith.constant 16 : i32
        %mul3A_412 = arith.muli %scan3A_409, %mul3A_411 : i32
        %get3A_413 = arith.constant 7 : i32
        %get3A_414 = arith.index_cast %get3A_413 : i32 to index
        %get3A_415 = arith.index_cast %mul3A_412 : i32 to index
        %get3A_416 = tpu.vector_load %arg12[%get3A_414, %get3A_415] {strides = array<i32>} : memref<40x1024xf32, #tpu.memory_space<vmem>>, vector<16xf32>,
        %scan3A_417 = arith.constant 0 : i32
        %scan3A_418 = arith.constant 4 : i32
        %scan3A_419 = arith.addi %scan3A_417, %scan3A_418 : i32
        %scan3A_420 = arith.constant 1 : i32
        %scan3A_421 = scf.for %scan3A_424 = %scan3A_417 to %scan3A_419 step %scan3A_420 iter_args(%scan3A_425 = %get3A_416) -> (vector<16xf32>)  : i32 {
          %mul3A_426 = arith.constant 8 : i32
          %mul3A_427 = arith.muli %scan3A_424, %mul3A_426 : i32
          %add3A_428 = arith.constant 0 : i32
          %add3A_429 = arith.addi %mul3A_427, %add3A_428 : i32
          %add3A_430 = arith.addi %mul3A_358, %add3A_429 : i32
          %get3A_431 = arith.index_cast %add3A_430 : i32 to index
          %get3A_432 = memref.load %arg13[%get3A_431] : memref<1024xf32, #tpu.memory_space<smem>>
          %broadcast_in_dim3A_433 = vector.broadcast %get3A_432 : f32 to vector<16xf32>
          %add3A_434 = arith.constant 8 : i32
          %add3A_435 = arith.addi %add3A_434, %add3A_429 : i32
          %get3A_436 = arith.index_cast %add3A_435 : i32 to index
          %get3A_437 = arith.index_cast %mul3A_412 : i32 to index
          %get3A_438 = tpu.vector_load %arg12[%get3A_436, %get3A_437] {strides = array<i32>} : memref<40x1024xf32, #tpu.memory_space<vmem>>, vector<16xf32>,
          %sub3A_439 = arith.subf %get3A_438, %scan3A_425 : vector<16xf32>
          %mul3A_440 = arith.mulf %broadcast_in_dim3A_433, %sub3A_439 : vector<16xf32>
          %add3A_441 = arith.addf %scan3A_425, %mul3A_440 : vector<16xf32>
          %add3A_442 = arith.constant 8 : i32
          %add3A_443 = arith.addi %add3A_442, %add3A_429 : i32
          %swap3A_444 = arith.index_cast %add3A_443 : i32 to index
          %swap3A_445 = arith.index_cast %mul3A_412 : i32 to index
          %swap3A_446 = tpu.vector_load %arg12[%swap3A_444, %swap3A_445] {strides = array<i32>} : memref<40x1024xf32, #tpu.memory_space<vmem>>, vector<16xf32>,
          tpu.vector_store %arg12[%swap3A_444, %swap3A_445], %add3A_441 {strides = array<i32>} : memref<40x1024xf32, #tpu.memory_space<vmem>>, vector<16xf32>,
          %mul3A_447 = arith.constant 8 : i32
          %mul3A_448 = arith.muli %scan3A_424, %mul3A_447 : i32
          %add3A_449 = arith.constant 1 : i32
          %add3A_450 = arith.addi %mul3A_448, %add3A_449 : i32
          %add3A_451 = arith.addi %mul3A_358, %add3A_450 : i32
          %get3A_452 = arith.index_cast %add3A_451 : i32 to index
          %get3A_453 = memref.load %arg13[%get3A_452] : memref<1024xf32, #tpu.memory_space<smem>>
          %broadcast_in_dim3A_454 = vector.broadcast %get3A_453 : f32 to vector<16xf32>
          %add3A_455 = arith.constant 8 : i32
          %add3A_456 = arith.addi %add3A_455, %add3A_450 : i32
          %get3A_457 = arith.index_cast %add3A_456 : i32 to index
          %get3A_458 = arith.index_cast %mul3A_412 : i32 to index
          %get3A_459 = tpu.vector_load %arg12[%get3A_457, %get3A_458] {strides = array<i32>} : memref<40x1024xf32, #tpu.memory_space<vmem>>, vector<16xf32>,
          %sub3A_460 = arith.subf %get3A_459, %get3A_438 : vector<16xf32>
          %mul3A_461 = arith.mulf %broadcast_in_dim3A_454, %sub3A_460 : vector<16xf32>
          %add3A_462 = arith.addf %get3A_438, %mul3A_461 : vector<16xf32>
          %add3A_463 = arith.constant 8 : i32
          %add3A_464 = arith.addi %add3A_463, %add3A_450 : i32
          %swap3A_465 = arith.index_cast %add3A_464 : i32 to index
          %swap3A_466 = arith.index_cast %mul3A_412 : i32 to index
          %swap3A_467 = tpu.vector_load %arg12[%swap3A_465, %swap3A_466] {strides = array<i32>} : memref<40x1024xf32, #tpu.memory_space<vmem>>, vector<16xf32>,
          tpu.vector_store %arg12[%swap3A_465, %swap3A_466], %add3A_462 {strides = array<i32>} : memref<40x1024xf32, #tpu.memory_space<vmem>>, vector<16xf32>,
          %mul3A_468 = arith.constant 8 : i32
          %mul3A_469 = arith.muli %scan3A_424, %mul3A_468 : i32
          %add3A_470 = arith.constant 2 : i32
          %add3A_471 = arith.addi %mul3A_469, %add3A_470 : i32
          %add3A_472 = arith.addi %mul3A_358, %add3A_471 : i32
          %get3A_473 = arith.index_cast %add3A_472 : i32 to index
          %get3A_474 = memref.load %arg13[%get3A_473] : memref<1024xf32, #tpu.memory_space<smem>>
          %broadcast_in_dim3A_475 = vector.broadcast %get3A_474 : f32 to vector<16xf32>
          %add3A_476 = arith.constant 8 : i32
          %add3A_477 = arith.addi %add3A_476, %add3A_471 : i32
          %get3A_478 = arith.index_cast %add3A_477 : i32 to index
          %get3A_479 = arith.index_cast %mul3A_412 : i32 to index
          %get3A_480 = tpu.vector_load %arg12[%get3A_478, %get3A_479] {strides = array<i32>} : memref<40x1024xf32, #tpu.memory_space<vmem>>, vector<16xf32>,
          %sub3A_481 = arith.subf %get3A_480, %get3A_459 : vector<16xf32>
          %mul3A_482 = arith.mulf %broadcast_in_dim3A_475, %sub3A_481 : vector<16xf32>
          %add3A_483 = arith.addf %get3A_459, %mul3A_482 : vector<16xf32>
          %add3A_484 = arith.constant 8 : i32
          %add3A_485 = arith.addi %add3A_484, %add3A_471 : i32
          %swap3A_486 = arith.index_cast %add3A_485 : i32 to index
          %swap3A_487 = arith.index_cast %mul3A_412 : i32 to index
          %swap3A_488 = tpu.vector_load %arg12[%swap3A_486, %swap3A_487] {strides = array<i32>} : memref<40x1024xf32, #tpu.memory_space<vmem>>, vector<16xf32>,
          tpu.vector_store %arg12[%swap3A_486, %swap3A_487], %add3A_483 {strides = array<i32>} : memref<40x1024xf32, #tpu.memory_space<vmem>>, vector<16xf32>,
          %mul3A_489 = arith.constant 8 : i32
          %mul3A_490 = arith.muli %scan3A_424, %mul3A_489 : i32
          %add3A_491 = arith.constant 3 : i32
          %add3A_492 = arith.addi %mul3A_490, %add3A_491 : i32
          %add3A_493 = arith.addi %mul3A_358, %add3A_492 : i32
          %get3A_494 = arith.index_cast %add3A_493 : i32 to index
          %get3A_495 = memref.load %arg13[%get3A_494] : memref<1024xf32, #tpu.memory_space<smem>>
          %broadcast_in_dim3A_496 = vector.broadcast %get3A_495 : f32 to vector<16xf32>
          %add3A_497 = arith.constant 8 : i32
          %add3A_498 = arith.addi %add3A_497, %add3A_492 : i32
          %get3A_499 = arith.index_cast %add3A_498 : i32 to index
          %get3A_500 = arith.index_cast %mul3A_412 : i32 to index
          %get3A_501 = tpu.vector_load %arg12[%get3A_499, %get3A_500] {strides = array<i32>} : memref<40x1024xf32, #tpu.memory_space<vmem>>, vector<16xf32>,
          %sub3A_502 = arith.subf %get3A_501, %get3A_480 : vector<16xf32>
          %mul3A_503 = arith.mulf %broadcast_in_dim3A_496, %sub3A_502 : vector<16xf32>
          %add3A_504 = arith.addf %get3A_480, %mul3A_503 : vector<16xf32>
          %add3A_505 = arith.constant 8 : i32
          %add3A_506 = arith.addi %add3A_505, %add3A_492 : i32
          %swap3A_507 = arith.index_cast %add3A_506 : i32 to index
          %swap3A_508 = arith.index_cast %mul3A_412 : i32 to index
          %swap3A_509 = tpu.vector_load %arg12[%swap3A_507, %swap3A_508] {strides = array<i32>} : memref<40x1024xf32, #tpu.memory_space<vmem>>, vector<16xf32>,
          tpu.vector_store %arg12[%swap3A_507, %swap3A_508], %add3A_504 {strides = array<i32>} : memref<40x1024xf32, #tpu.memory_space<vmem>>, vector<16xf32>,
          %mul3A_510 = arith.constant 8 : i32
          %mul3A_511 = arith.muli %scan3A_424, %mul3A_510 : i32
          %add3A_512 = arith.constant 4 : i32
          %add3A_513 = arith.addi %mul3A_511, %add3A_512 : i32
          %add3A_514 = arith.addi %mul3A_358, %add3A_513 : i32
          %get3A_515 = arith.index_cast %add3A_514 : i32 to index
          %get3A_516 = memref.load %arg13[%get3A_515] : memref<1024xf32, #tpu.memory_space<smem>>
          %broadcast_in_dim3A_517 = vector.broadcast %get3A_516 : f32 to vector<16xf32>
          %add3A_518 = arith.constant 8 : i32
          %add3A_519 = arith.addi %add3A_518, %add3A_513 : i32
          %get3A_520 = arith.index_cast %add3A_519 : i32 to index
          %get3A_521 = arith.index_cast %mul3A_412 : i32 to index
          %get3A_522 = tpu.vector_load %arg12[%get3A_520, %get3A_521] {strides = array<i32>} : memref<40x1024xf32, #tpu.memory_space<vmem>>, vector<16xf32>,
          %sub3A_523 = arith.subf %get3A_522, %get3A_501 : vector<16xf32>
          %mul3A_524 = arith.mulf %broadcast_in_dim3A_517, %sub3A_523 : vector<16xf32>
          %add3A_525 = arith.addf %get3A_501, %mul3A_524 : vector<16xf32>
          %add3A_526 = arith.constant 8 : i32
          %add3A_527 = arith.addi %add3A_526, %add3A_513 : i32
          %swap3A_528 = arith.index_cast %add3A_527 : i32 to index
          %swap3A_529 = arith.index_cast %mul3A_412 : i32 to index
          %swap3A_530 = tpu.vector_load %arg12[%swap3A_528, %swap3A_529] {strides = array<i32>} : memref<40x1024xf32, #tpu.memory_space<vmem>>, vector<16xf32>,
          tpu.vector_store %arg12[%swap3A_528, %swap3A_529], %add3A_525 {strides = array<i32>} : memref<40x1024xf32, #tpu.memory_space<vmem>>, vector<16xf32>,
          %mul3A_531 = arith.constant 8 : i32
          %mul3A_532 = arith.muli %scan3A_424, %mul3A_531 : i32
          %add3A_533 = arith.constant 5 : i32
          %add3A_534 = arith.addi %mul3A_532, %add3A_533 : i32
          %add3A_535 = arith.addi %mul3A_358, %add3A_534 : i32
          %get3A_536 = arith.index_cast %add3A_535 : i32 to index
          %get3A_537 = memref.load %arg13[%get3A_536] : memref<1024xf32, #tpu.memory_space<smem>>
          %broadcast_in_dim3A_538 = vector.broadcast %get3A_537 : f32 to vector<16xf32>
          %add3A_539 = arith.constant 8 : i32
          %add3A_540 = arith.addi %add3A_539, %add3A_534 : i32
          %get3A_541 = arith.index_cast %add3A_540 : i32 to index
          %get3A_542 = arith.index_cast %mul3A_412 : i32 to index
          %get3A_543 = tpu.vector_load %arg12[%get3A_541, %get3A_542] {strides = array<i32>} : memref<40x1024xf32, #tpu.memory_space<vmem>>, vector<16xf32>,
          %sub3A_544 = arith.subf %get3A_543, %get3A_522 : vector<16xf32>
          %mul3A_545 = arith.mulf %broadcast_in_dim3A_538, %sub3A_544 : vector<16xf32>
          %add3A_546 = arith.addf %get3A_522, %mul3A_545 : vector<16xf32>
          %add3A_547 = arith.constant 8 : i32
          %add3A_548 = arith.addi %add3A_547, %add3A_534 : i32
          %swap3A_549 = arith.index_cast %add3A_548 : i32 to index
          %swap3A_550 = arith.index_cast %mul3A_412 : i32 to index
          %swap3A_551 = tpu.vector_load %arg12[%swap3A_549, %swap3A_550] {strides = array<i32>} : memref<40x1024xf32, #tpu.memory_space<vmem>>, vector<16xf32>,
          tpu.vector_store %arg12[%swap3A_549, %swap3A_550], %add3A_546 {strides = array<i32>} : memref<40x1024xf32, #tpu.memory_space<vmem>>, vector<16xf32>,
          %mul3A_552 = arith.constant 8 : i32
          %mul3A_553 = arith.muli %scan3A_424, %mul3A_552 : i32
          %add3A_554 = arith.constant 6 : i32
          %add3A_555 = arith.addi %mul3A_553, %add3A_554 : i32
          %add3A_556 = arith.addi %mul3A_358, %add3A_555 : i32
          %get3A_557 = arith.index_cast %add3A_556 : i32 to index
          %get3A_558 = memref.load %arg13[%get3A_557] : memref<1024xf32, #tpu.memory_space<smem>>
          %broadcast_in_dim3A_559 = vector.broadcast %get3A_558 : f32 to vector<16xf32>
          %add3A_560 = arith.constant 8 : i32
          %add3A_561 = arith.addi %add3A_560, %add3A_555 : i32
          %get3A_562 = arith.index_cast %add3A_561 : i32 to index
          %get3A_563 = arith.index_cast %mul3A_412 : i32 to index
          %get3A_564 = tpu.vector_load %arg12[%get3A_562, %get3A_563] {strides = array<i32>} : memref<40x1024xf32, #tpu.memory_space<vmem>>, vector<16xf32>,
          %sub3A_565 = arith.subf %get3A_564, %get3A_543 : vector<16xf32>
          %mul3A_566 = arith.mulf %broadcast_in_dim3A_559, %sub3A_565 : vector<16xf32>
          %add3A_567 = arith.addf %get3A_543, %mul3A_566 : vector<16xf32>
          %add3A_568 = arith.constant 8 : i32
          %add3A_569 = arith.addi %add3A_568, %add3A_555 : i32
          %swap3A_570 = arith.index_cast %add3A_569 : i32 to index
          %swap3A_571 = arith.index_cast %mul3A_412 : i32 to index
          %swap3A_572 = tpu.vector_load %arg12[%swap3A_570, %swap3A_571] {strides = array<i32>} : memref<40x1024xf32, #tpu.memory_space<vmem>>, vector<16xf32>,
          tpu.vector_store %arg12[%swap3A_570, %swap3A_571], %add3A_567 {strides = array<i32>} : memref<40x1024xf32, #tpu.memory_space<vmem>>, vector<16xf32>,
          %mul3A_573 = arith.constant 8 : i32
          %mul3A_574 = arith.muli %scan3A_424, %mul3A_573 : i32
          %add3A_575 = arith.constant 7 : i32
          %add3A_576 = arith.addi %mul3A_574, %add3A_575 : i32
          %add3A_577 = arith.addi %mul3A_358, %add3A_576 : i32
          %get3A_578 = arith.index_cast %add3A_577 : i32 to index
          %get3A_579 = memref.load %arg13[%get3A_578] : memref<1024xf32, #tpu.memory_space<smem>>
          %broadcast_in_dim3A_580 = vector.broadcast %get3A_579 : f32 to vector<16xf32>
          %add3A_581 = arith.constant 8 : i32
          %add3A_582 = arith.addi %add3A_581, %add3A_576 : i32
          %get3A_583 = arith.index_cast %add3A_582 : i32 to index
          %get3A_584 = arith.index_cast %mul3A_412 : i32 to index
          %get3A_585 = tpu.vector_load %arg12[%get3A_583, %get3A_584] {strides = array<i32>} : memref<40x1024xf32, #tpu.memory_space<vmem>>, vector<16xf32>,
          %sub3A_586 = arith.subf %get3A_585, %get3A_564 : vector<16xf32>
          %mul3A_587 = arith.mulf %broadcast_in_dim3A_580, %sub3A_586 : vector<16xf32>
          %add3A_588 = arith.addf %get3A_564, %mul3A_587 : vector<16xf32>
          %add3A_589 = arith.constant 8 : i32
          %add3A_590 = arith.addi %add3A_589, %add3A_576 : i32
          %swap3A_591 = arith.index_cast %add3A_590 : i32 to index
          %swap3A_592 = arith.index_cast %mul3A_412 : i32 to index
          %swap3A_593 = tpu.vector_load %arg12[%swap3A_591, %swap3A_592] {strides = array<i32>} : memref<40x1024xf32, #tpu.memory_space<vmem>>, vector<16xf32>,
          tpu.vector_store %arg12[%swap3A_591, %swap3A_592], %add3A_588 {strides = array<i32>} : memref<40x1024xf32, #tpu.memory_space<vmem>>, vector<16xf32>,
          scf.yield %get3A_585 : vector<16xf32>
        }
        %scan3A_422 = arith.constant 4 : i32
        %scan3A_423 = arith.constant 0 : i32
        scf.yield %scan3A_423 : i32
      }
      %scan3A_384 = arith.constant 64 : i32
      %add3A_385 = arith.addi %add3A_37, %mul3A_358 : i32
      %dma_start3A_386 = arith.constant 8 : i32
      %dma_start3A_387 = arith.constant 0 : i32
      %dma_start3A_388 = tpu.memref_slice %arg12[%dma_start3A_386, %dma_start3A_387] : memref<40x1024xf32, #tpu.memory_space<vmem>> -> memref<32x1024xf32, #tpu.memory_space<vmem>>
      %dma_start3A_389 = arith.constant 0 : i32
      %dma_start3A_390 = tpu.memref_slice %arg5[%add3A_385, %dma_start3A_389] : memref<32768x1024xf32, #tpu.memory_space<hbm>> -> memref<32x1024xf32, #tpu.memory_space<hbm>>
      %dma_start3A_391 = arith.constant 0 : i32
      %dma_start3A_392 = tpu.memref_slice %arg5[%add3A_385, %dma_start3A_391] : memref<32768x1024xf32, #tpu.memory_space<hbm>> -> memref<32x1024xf32, #tpu.memory_space<hbm>>
      %dma_start3A_393 = arith.constant 8 : i32
      %dma_start3A_394 = arith.constant 0 : i32
      %dma_start3A_395 = tpu.memref_slice %arg12[%dma_start3A_393, %dma_start3A_394] : memref<40x1024xf32, #tpu.memory_space<vmem>> -> memref<32x1024xf32, #tpu.memory_space<vmem>>
      tpu.enqueue_dma source(%dma_start3A_395 : memref<32x1024xf32, #tpu.memory_space<vmem>>) target(%dma_start3A_392 : memref<32x1024xf32, #tpu.memory_space<hbm>>) target_semaphore(%arg15 : memref<!tpu.dma_semaphore, #tpu.memory_space<semaphore_mem>>)
      %ge3A_396 = arith.constant 1 : i32
      %ge3A_397 = arith.cmpi sge, %add3A_356, %ge3A_396 : i32
      %convert_element_type3A_398 = arith.extui %ge3A_397 : i1 to i32
      %cond3A_399 = arith.constant 0 : i32
      %cond3A_400 = arith.cmpi ne, %convert_element_type3A_398, %cond3A_399 : i32
      scf.if %cond3A_400 {
        %dma_wait3A_409 = arith.constant 8 : i32
        %dma_wait3A_410 = arith.constant 0 : i32
        %dma_wait3A_411 = tpu.memref_slice %arg11[%dma_wait3A_409, %dma_wait3A_410] : memref<40x1024xf32, #tpu.memory_space<vmem>> -> memref<32x1024xf32, #tpu.memory_space<vmem>>
        %dma_wait3A_412 = arith.constant 0 : i32
        %dma_wait3A_413 = arith.constant 0 : i32
        %dma_wait3A_414 = tpu.memref_slice %arg5[%dma_wait3A_412, %dma_wait3A_413] : memref<32768x1024xf32, #tpu.memory_space<hbm>> -> memref<32x1024xf32, #tpu.memory_space<hbm>>
        %dma_wait3A_415 = arith.constant 0 : i32
        %dma_wait3A_416 = arith.constant 0 : i32
        %dma_wait3A_417 = tpu.memref_slice %arg5[%dma_wait3A_415, %dma_wait3A_416] : memref<32768x1024xf32, #tpu.memory_space<hbm>> -> memref<32x1024xf32, #tpu.memory_space<hbm>>
        %dma_wait3A_418 = arith.constant 8 : i32
        %dma_wait3A_419 = arith.constant 0 : i32
        %dma_wait3A_420 = tpu.memref_slice %arg11[%dma_wait3A_418, %dma_wait3A_419] : memref<40x1024xf32, #tpu.memory_space<vmem>> -> memref<32x1024xf32, #tpu.memory_space<vmem>>
        tpu.wait_dma2 semaphore(%arg15 : memref<!tpu.dma_semaphore, #tpu.memory_space<semaphore_mem>>) src(%dma_wait3A_420 : memref<32x1024xf32, #tpu.memory_space<vmem>>) dst(%dma_wait3A_417 : memref<32x1024xf32, #tpu.memory_space<hbm>>)
      } else {
      }
      %add3A_401 = arith.constant 2 : i32
      %add3A_402 = arith.addi %add3A_356, %add3A_401 : i32
      %lt3A_403 = arith.constant 32 : i32
      %lt3A_404 = arith.cmpi slt, %add3A_402, %lt3A_403 : i32
      %convert_element_type3A_405 = arith.extui %lt3A_404 : i1 to i32
      %cond3A_406 = arith.constant 0 : i32
      %cond3A_407 = arith.cmpi ne, %convert_element_type3A_405, %cond3A_406 : i32
      scf.if %cond3A_407 {
        %add3A_409 = arith.constant 2 : i32
        %add3A_410 = arith.addi %add3A_356, %add3A_409 : i32
        %mul3A_411 = arith.constant 32 : i32
        %mul3A_412 = arith.muli %add3A_410, %mul3A_411 : i32
        %dma_start3A_413 = arith.constant 8 : i32
        %dma_start3A_414 = arith.constant 0 : i32
        %dma_start3A_415 = tpu.memref_slice %arg11[%dma_start3A_413, %dma_start3A_414] : memref<40x1024xf32, #tpu.memory_space<vmem>> -> memref<32x1024xf32, #tpu.memory_space<vmem>>
        %dma_start3A_416 = tpu.memref_slice %arg7[%mul3A_412] : memref<1024xi32, #tpu.memory_space<vmem>> -> memref<32xi32, #tpu.memory_space<vmem>>
        %dma_start3A_417 = arith.constant 0 : i32
        %dma_start3A_418 = arith.constant 0 : i32
        %dma_start3A_419 = tpu.memref_slice %arg2[%dma_start3A_417, %dma_start3A_418] : memref<16384x1024xf32, #tpu.memory_space<hbm>> -> memref<16384x1024xf32, #tpu.memory_space<hbm>>
        tpu.enqueue_indirect_dma source(%dma_start3A_419 : memref<16384x1024xf32, #tpu.memory_space<hbm>>) target(%dma_start3A_415 : memref<32x1024xf32, #tpu.memory_space<vmem>>) offsets(%dma_start3A_416 : memref<32xi32, #tpu.memory_space<vmem>>) semaphore(%arg14 : memref<!tpu.dma_semaphore, #tpu.memory_space<semaphore_mem>>)
      } else {
      }
      %scan3A_408 = arith.constant 0 : i32
      scf.yield %scan3A_408 : i32
    }
    %scan3A_127 = arith.constant 10 : i32
    %mul3A_128 = arith.constant 30 : i32
    %mul3A_129 = arith.constant 32 : i32
    %mul3A_130 = arith.muli %mul3A_128, %mul3A_129 : i32
    %dma_wait3A_131 = arith.constant 8 : i32
    %dma_wait3A_132 = arith.constant 0 : i32
    %dma_wait3A_133 = tpu.memref_slice %arg10[%dma_wait3A_131, %dma_wait3A_132] : memref<40x1024xf32, #tpu.memory_space<vmem>> -> memref<32x1024xf32, #tpu.memory_space<vmem>>
    %dma_wait3A_134 = arith.constant 0 : i32
    %dma_wait3A_135 = arith.constant 0 : i32
    %dma_wait3A_136 = tpu.memref_slice %arg2[%dma_wait3A_134, %dma_wait3A_135] : memref<16384x1024xf32, #tpu.memory_space<hbm>> -> memref<32x1024xf32, #tpu.memory_space<hbm>>
    %dma_wait3A_137 = arith.constant 8 : i32
    %dma_wait3A_138 = arith.constant 0 : i32
    %dma_wait3A_139 = tpu.memref_slice %arg10[%dma_wait3A_137, %dma_wait3A_138] : memref<40x1024xf32, #tpu.memory_space<vmem>> -> memref<32x1024xf32, #tpu.memory_space<vmem>>
    %dma_wait3A_140 = arith.constant 0 : i32
    %dma_wait3A_141 = arith.constant 0 : i32
    %dma_wait3A_142 = tpu.memref_slice %arg2[%dma_wait3A_140, %dma_wait3A_141] : memref<16384x1024xf32, #tpu.memory_space<hbm>> -> memref<32x1024xf32, #tpu.memory_space<hbm>>
    tpu.wait_dma2 semaphore(%arg14 : memref<!tpu.dma_semaphore, #tpu.memory_space<semaphore_mem>>) src(%dma_wait3A_142 : memref<32x1024xf32, #tpu.memory_space<hbm>>) dst(%dma_wait3A_139 : memref<32x1024xf32, #tpu.memory_space<vmem>>)
    %scan3A_143 = arith.constant 0 : i32
    %scan3A_144 = arith.constant 0 : i32
    %scan3A_145 = arith.constant 64 : i32
    %scan3A_146 = arith.addi %scan3A_144, %scan3A_145 : i32
    %scan3A_147 = arith.constant 1 : i32
    %scan3A_148 = scf.for %scan3A_247 = %scan3A_144 to %scan3A_146 step %scan3A_147 iter_args(%scan3A_248 = %scan3A_143) -> (i32)  : i32 {
      %mul3A_249 = arith.constant 16 : i32
      %mul3A_250 = arith.muli %scan3A_247, %mul3A_249 : i32
      %get3A_251 = arith.constant 39 : i32
      %get3A_252 = arith.index_cast %get3A_251 : i32 to index
      %get3A_253 = arith.index_cast %mul3A_250 : i32 to index
      %get3A_254 = tpu.vector_load %arg10[%get3A_252, %get3A_253] {strides = array<i32>} : memref<40x1024xf32, #tpu.memory_space<vmem>>, vector<16xf32>,
      %mul3A_255 = arith.constant 16 : i32
      %mul3A_256 = arith.muli %scan3A_247, %mul3A_255 : i32
      %swap3A_257 = arith.constant 7 : i32
      %swap3A_258 = arith.index_cast %swap3A_257 : i32 to index
      %swap3A_259 = arith.index_cast %mul3A_256 : i32 to index
      %swap3A_260 = tpu.vector_load %arg11[%swap3A_258, %swap3A_259] {strides = array<i32>} : memref<40x1024xf32, #tpu.memory_space<vmem>>, vector<16xf32>,
      tpu.vector_store %arg11[%swap3A_258, %swap3A_259], %get3A_254 {strides = array<i32>} : memref<40x1024xf32, #tpu.memory_space<vmem>>, vector<16xf32>,
      %scan3A_261 = arith.constant 0 : i32
      scf.yield %scan3A_261 : i32
    }
    %scan3A_149 = arith.constant 64 : i32
    %scan3A_150 = arith.constant 0 : i32
    %scan3A_151 = arith.constant 0 : i32
    %scan3A_152 = arith.constant 64 : i32
    %scan3A_153 = arith.addi %scan3A_151, %scan3A_152 : i32
    %scan3A_154 = arith.constant 1 : i32
    %scan3A_155 = scf.for %scan3A_247 = %scan3A_151 to %scan3A_153 step %scan3A_154 iter_args(%scan3A_248 = %scan3A_150) -> (i32)  : i32 {
      %mul3A_249 = arith.constant 16 : i32
      %mul3A_250 = arith.muli %scan3A_247, %mul3A_249 : i32
      %get3A_251 = arith.constant 7 : i32
      %get3A_252 = arith.index_cast %get3A_251 : i32 to index
      %get3A_253 = arith.index_cast %mul3A_250 : i32 to index
      %get3A_254 = tpu.vector_load %arg10[%get3A_252, %get3A_253] {strides = array<i32>} : memref<40x1024xf32, #tpu.memory_space<vmem>>, vector<16xf32>,
      %scan3A_255 = arith.constant 0 : i32
      %scan3A_256 = arith.constant 4 : i32
      %scan3A_257 = arith.addi %scan3A_255, %scan3A_256 : i32
      %scan3A_258 = arith.constant 1 : i32
      %scan3A_259 = scf.for %scan3A_262 = %scan3A_255 to %scan3A_257 step %scan3A_258 iter_args(%scan3A_263 = %get3A_254) -> (vector<16xf32>)  : i32 {
        %mul3A_264 = arith.constant 8 : i32
        %mul3A_265 = arith.muli %scan3A_262, %mul3A_264 : i32
        %add3A_266 = arith.constant 0 : i32
        %add3A_267 = arith.addi %mul3A_265, %add3A_266 : i32
        %add3A_268 = arith.addi %mul3A_130, %add3A_267 : i32
        %get3A_269 = arith.index_cast %add3A_268 : i32 to index
        %get3A_270 = memref.load %arg13[%get3A_269] : memref<1024xf32, #tpu.memory_space<smem>>
        %broadcast_in_dim3A_271 = vector.broadcast %get3A_270 : f32 to vector<16xf32>
        %add3A_272 = arith.constant 8 : i32
        %add3A_273 = arith.addi %add3A_272, %add3A_267 : i32
        %get3A_274 = arith.index_cast %add3A_273 : i32 to index
        %get3A_275 = arith.index_cast %mul3A_250 : i32 to index
        %get3A_276 = tpu.vector_load %arg10[%get3A_274, %get3A_275] {strides = array<i32>} : memref<40x1024xf32, #tpu.memory_space<vmem>>, vector<16xf32>,
        %sub3A_277 = arith.subf %get3A_276, %scan3A_263 : vector<16xf32>
        %mul3A_278 = arith.mulf %broadcast_in_dim3A_271, %sub3A_277 : vector<16xf32>
        %add3A_279 = arith.addf %scan3A_263, %mul3A_278 : vector<16xf32>
        %add3A_280 = arith.constant 8 : i32
        %add3A_281 = arith.addi %add3A_280, %add3A_267 : i32
        %swap3A_282 = arith.index_cast %add3A_281 : i32 to index
        %swap3A_283 = arith.index_cast %mul3A_250 : i32 to index
        %swap3A_284 = tpu.vector_load %arg10[%swap3A_282, %swap3A_283] {strides = array<i32>} : memref<40x1024xf32, #tpu.memory_space<vmem>>, vector<16xf32>,
        tpu.vector_store %arg10[%swap3A_282, %swap3A_283], %add3A_279 {strides = array<i32>} : memref<40x1024xf32, #tpu.memory_space<vmem>>, vector<16xf32>,
        %mul3A_285 = arith.constant 8 : i32
        %mul3A_286 = arith.muli %scan3A_262, %mul3A_285 : i32
        %add3A_287 = arith.constant 1 : i32
        %add3A_288 = arith.addi %mul3A_286, %add3A_287 : i32
        %add3A_289 = arith.addi %mul3A_130, %add3A_288 : i32
        %get3A_290 = arith.index_cast %add3A_289 : i32 to index
        %get3A_291 = memref.load %arg13[%get3A_290] : memref<1024xf32, #tpu.memory_space<smem>>
        %broadcast_in_dim3A_292 = vector.broadcast %get3A_291 : f32 to vector<16xf32>
        %add3A_293 = arith.constant 8 : i32
        %add3A_294 = arith.addi %add3A_293, %add3A_288 : i32
        %get3A_295 = arith.index_cast %add3A_294 : i32 to index
        %get3A_296 = arith.index_cast %mul3A_250 : i32 to index
        %get3A_297 = tpu.vector_load %arg10[%get3A_295, %get3A_296] {strides = array<i32>} : memref<40x1024xf32, #tpu.memory_space<vmem>>, vector<16xf32>,
        %sub3A_298 = arith.subf %get3A_297, %get3A_276 : vector<16xf32>
        %mul3A_299 = arith.mulf %broadcast_in_dim3A_292, %sub3A_298 : vector<16xf32>
        %add3A_300 = arith.addf %get3A_276, %mul3A_299 : vector<16xf32>
        %add3A_301 = arith.constant 8 : i32
        %add3A_302 = arith.addi %add3A_301, %add3A_288 : i32
        %swap3A_303 = arith.index_cast %add3A_302 : i32 to index
        %swap3A_304 = arith.index_cast %mul3A_250 : i32 to index
        %swap3A_305 = tpu.vector_load %arg10[%swap3A_303, %swap3A_304] {strides = array<i32>} : memref<40x1024xf32, #tpu.memory_space<vmem>>, vector<16xf32>,
        tpu.vector_store %arg10[%swap3A_303, %swap3A_304], %add3A_300 {strides = array<i32>} : memref<40x1024xf32, #tpu.memory_space<vmem>>, vector<16xf32>,
        %mul3A_306 = arith.constant 8 : i32
        %mul3A_307 = arith.muli %scan3A_262, %mul3A_306 : i32
        %add3A_308 = arith.constant 2 : i32
        %add3A_309 = arith.addi %mul3A_307, %add3A_308 : i32
        %add3A_310 = arith.addi %mul3A_130, %add3A_309 : i32
        %get3A_311 = arith.index_cast %add3A_310 : i32 to index
        %get3A_312 = memref.load %arg13[%get3A_311] : memref<1024xf32, #tpu.memory_space<smem>>
        %broadcast_in_dim3A_313 = vector.broadcast %get3A_312 : f32 to vector<16xf32>
        %add3A_314 = arith.constant 8 : i32
        %add3A_315 = arith.addi %add3A_314, %add3A_309 : i32
        %get3A_316 = arith.index_cast %add3A_315 : i32 to index
        %get3A_317 = arith.index_cast %mul3A_250 : i32 to index
        %get3A_318 = tpu.vector_load %arg10[%get3A_316, %get3A_317] {strides = array<i32>} : memref<40x1024xf32, #tpu.memory_space<vmem>>, vector<16xf32>,
        %sub3A_319 = arith.subf %get3A_318, %get3A_297 : vector<16xf32>
        %mul3A_320 = arith.mulf %broadcast_in_dim3A_313, %sub3A_319 : vector<16xf32>
        %add3A_321 = arith.addf %get3A_297, %mul3A_320 : vector<16xf32>
        %add3A_322 = arith.constant 8 : i32
        %add3A_323 = arith.addi %add3A_322, %add3A_309 : i32
        %swap3A_324 = arith.index_cast %add3A_323 : i32 to index
        %swap3A_325 = arith.index_cast %mul3A_250 : i32 to index
        %swap3A_326 = tpu.vector_load %arg10[%swap3A_324, %swap3A_325] {strides = array<i32>} : memref<40x1024xf32, #tpu.memory_space<vmem>>, vector<16xf32>,
        tpu.vector_store %arg10[%swap3A_324, %swap3A_325], %add3A_321 {strides = array<i32>} : memref<40x1024xf32, #tpu.memory_space<vmem>>, vector<16xf32>,
        %mul3A_327 = arith.constant 8 : i32
        %mul3A_328 = arith.muli %scan3A_262, %mul3A_327 : i32
        %add3A_329 = arith.constant 3 : i32
        %add3A_330 = arith.addi %mul3A_328, %add3A_329 : i32
        %add3A_331 = arith.addi %mul3A_130, %add3A_330 : i32
        %get3A_332 = arith.index_cast %add3A_331 : i32 to index
        %get3A_333 = memref.load %arg13[%get3A_332] : memref<1024xf32, #tpu.memory_space<smem>>
        %broadcast_in_dim3A_334 = vector.broadcast %get3A_333 : f32 to vector<16xf32>
        %add3A_335 = arith.constant 8 : i32
        %add3A_336 = arith.addi %add3A_335, %add3A_330 : i32
        %get3A_337 = arith.index_cast %add3A_336 : i32 to index
        %get3A_338 = arith.index_cast %mul3A_250 : i32 to index
        %get3A_339 = tpu.vector_load %arg10[%get3A_337, %get3A_338] {strides = array<i32>} : memref<40x1024xf32, #tpu.memory_space<vmem>>, vector<16xf32>,
        %sub3A_340 = arith.subf %get3A_339, %get3A_318 : vector<16xf32>
        %mul3A_341 = arith.mulf %broadcast_in_dim3A_334, %sub3A_340 : vector<16xf32>
        %add3A_342 = arith.addf %get3A_318, %mul3A_341 : vector<16xf32>
        %add3A_343 = arith.constant 8 : i32
        %add3A_344 = arith.addi %add3A_343, %add3A_330 : i32
        %swap3A_345 = arith.index_cast %add3A_344 : i32 to index
        %swap3A_346 = arith.index_cast %mul3A_250 : i32 to index
        %swap3A_347 = tpu.vector_load %arg10[%swap3A_345, %swap3A_346] {strides = array<i32>} : memref<40x1024xf32, #tpu.memory_space<vmem>>, vector<16xf32>,
        tpu.vector_store %arg10[%swap3A_345, %swap3A_346], %add3A_342 {strides = array<i32>} : memref<40x1024xf32, #tpu.memory_space<vmem>>, vector<16xf32>,
        %mul3A_348 = arith.constant 8 : i32
        %mul3A_349 = arith.muli %scan3A_262, %mul3A_348 : i32
        %add3A_350 = arith.constant 4 : i32
        %add3A_351 = arith.addi %mul3A_349, %add3A_350 : i32
        %add3A_352 = arith.addi %mul3A_130, %add3A_351 : i32
        %get3A_353 = arith.index_cast %add3A_352 : i32 to index
        %get3A_354 = memref.load %arg13[%get3A_353] : memref<1024xf32, #tpu.memory_space<smem>>
        %broadcast_in_dim3A_355 = vector.broadcast %get3A_354 : f32 to vector<16xf32>
        %add3A_356 = arith.constant 8 : i32
        %add3A_357 = arith.addi %add3A_356, %add3A_351 : i32
        %get3A_358 = arith.index_cast %add3A_357 : i32 to index
        %get3A_359 = arith.index_cast %mul3A_250 : i32 to index
        %get3A_360 = tpu.vector_load %arg10[%get3A_358, %get3A_359] {strides = array<i32>} : memref<40x1024xf32, #tpu.memory_space<vmem>>, vector<16xf32>,
        %sub3A_361 = arith.subf %get3A_360, %get3A_339 : vector<16xf32>
        %mul3A_362 = arith.mulf %broadcast_in_dim3A_355, %sub3A_361 : vector<16xf32>
        %add3A_363 = arith.addf %get3A_339, %mul3A_362 : vector<16xf32>
        %add3A_364 = arith.constant 8 : i32
        %add3A_365 = arith.addi %add3A_364, %add3A_351 : i32
        %swap3A_366 = arith.index_cast %add3A_365 : i32 to index
        %swap3A_367 = arith.index_cast %mul3A_250 : i32 to index
        %swap3A_368 = tpu.vector_load %arg10[%swap3A_366, %swap3A_367] {strides = array<i32>} : memref<40x1024xf32, #tpu.memory_space<vmem>>, vector<16xf32>,
        tpu.vector_store %arg10[%swap3A_366, %swap3A_367], %add3A_363 {strides = array<i32>} : memref<40x1024xf32, #tpu.memory_space<vmem>>, vector<16xf32>,
        %mul3A_369 = arith.constant 8 : i32
        %mul3A_370 = arith.muli %scan3A_262, %mul3A_369 : i32
        %add3A_371 = arith.constant 5 : i32
        %add3A_372 = arith.addi %mul3A_370, %add3A_371 : i32
        %add3A_373 = arith.addi %mul3A_130, %add3A_372 : i32
        %get3A_374 = arith.index_cast %add3A_373 : i32 to index
        %get3A_375 = memref.load %arg13[%get3A_374] : memref<1024xf32, #tpu.memory_space<smem>>
        %broadcast_in_dim3A_376 = vector.broadcast %get3A_375 : f32 to vector<16xf32>
        %add3A_377 = arith.constant 8 : i32
        %add3A_378 = arith.addi %add3A_377, %add3A_372 : i32
        %get3A_379 = arith.index_cast %add3A_378 : i32 to index
        %get3A_380 = arith.index_cast %mul3A_250 : i32 to index
        %get3A_381 = tpu.vector_load %arg10[%get3A_379, %get3A_380] {strides = array<i32>} : memref<40x1024xf32, #tpu.memory_space<vmem>>, vector<16xf32>,
        %sub3A_382 = arith.subf %get3A_381, %get3A_360 : vector<16xf32>
        %mul3A_383 = arith.mulf %broadcast_in_dim3A_376, %sub3A_382 : vector<16xf32>
        %add3A_384 = arith.addf %get3A_360, %mul3A_383 : vector<16xf32>
        %add3A_385 = arith.constant 8 : i32
        %add3A_386 = arith.addi %add3A_385, %add3A_372 : i32
        %swap3A_387 = arith.index_cast %add3A_386 : i32 to index
        %swap3A_388 = arith.index_cast %mul3A_250 : i32 to index
        %swap3A_389 = tpu.vector_load %arg10[%swap3A_387, %swap3A_388] {strides = array<i32>} : memref<40x1024xf32, #tpu.memory_space<vmem>>, vector<16xf32>,
        tpu.vector_store %arg10[%swap3A_387, %swap3A_388], %add3A_384 {strides = array<i32>} : memref<40x1024xf32, #tpu.memory_space<vmem>>, vector<16xf32>,
        %mul3A_390 = arith.constant 8 : i32
        %mul3A_391 = arith.muli %scan3A_262, %mul3A_390 : i32
        %add3A_392 = arith.constant 6 : i32
        %add3A_393 = arith.addi %mul3A_391, %add3A_392 : i32
        %add3A_394 = arith.addi %mul3A_130, %add3A_393 : i32
        %get3A_395 = arith.index_cast %add3A_394 : i32 to index
        %get3A_396 = memref.load %arg13[%get3A_395] : memref<1024xf32, #tpu.memory_space<smem>>
        %broadcast_in_dim3A_397 = vector.broadcast %get3A_396 : f32 to vector<16xf32>
        %add3A_398 = arith.constant 8 : i32
        %add3A_399 = arith.addi %add3A_398, %add3A_393 : i32
        %get3A_400 = arith.index_cast %add3A_399 : i32 to index
        %get3A_401 = arith.index_cast %mul3A_250 : i32 to index
        %get3A_402 = tpu.vector_load %arg10[%get3A_400, %get3A_401] {strides = array<i32>} : memref<40x1024xf32, #tpu.memory_space<vmem>>, vector<16xf32>,
        %sub3A_403 = arith.subf %get3A_402, %get3A_381 : vector<16xf32>
        %mul3A_404 = arith.mulf %broadcast_in_dim3A_397, %sub3A_403 : vector<16xf32>
        %add3A_405 = arith.addf %get3A_381, %mul3A_404 : vector<16xf32>
        %add3A_406 = arith.constant 8 : i32
        %add3A_407 = arith.addi %add3A_406, %add3A_393 : i32
        %swap3A_408 = arith.index_cast %add3A_407 : i32 to index
        %swap3A_409 = arith.index_cast %mul3A_250 : i32 to index
        %swap3A_410 = tpu.vector_load %arg10[%swap3A_408, %swap3A_409] {strides = array<i32>} : memref<40x1024xf32, #tpu.memory_space<vmem>>, vector<16xf32>,
        tpu.vector_store %arg10[%swap3A_408, %swap3A_409], %add3A_405 {strides = array<i32>} : memref<40x1024xf32, #tpu.memory_space<vmem>>, vector<16xf32>,
        %mul3A_411 = arith.constant 8 : i32
        %mul3A_412 = arith.muli %scan3A_262, %mul3A_411 : i32
        %add3A_413 = arith.constant 7 : i32
        %add3A_414 = arith.addi %mul3A_412, %add3A_413 : i32
        %add3A_415 = arith.addi %mul3A_130, %add3A_414 : i32
        %get3A_416 = arith.index_cast %add3A_415 : i32 to index
        %get3A_417 = memref.load %arg13[%get3A_416] : memref<1024xf32, #tpu.memory_space<smem>>
        %broadcast_in_dim3A_418 = vector.broadcast %get3A_417 : f32 to vector<16xf32>
        %add3A_419 = arith.constant 8 : i32
        %add3A_420 = arith.addi %add3A_419, %add3A_414 : i32
        %get3A_421 = arith.index_cast %add3A_420 : i32 to index
        %get3A_422 = arith.index_cast %mul3A_250 : i32 to index
        %get3A_423 = tpu.vector_load %arg10[%get3A_421, %get3A_422] {strides = array<i32>} : memref<40x1024xf32, #tpu.memory_space<vmem>>, vector<16xf32>,
        %sub3A_424 = arith.subf %get3A_423, %get3A_402 : vector<16xf32>
        %mul3A_425 = arith.mulf %broadcast_in_dim3A_418, %sub3A_424 : vector<16xf32>
        %add3A_426 = arith.addf %get3A_402, %mul3A_425 : vector<16xf32>
        %add3A_427 = arith.constant 8 : i32
        %add3A_428 = arith.addi %add3A_427, %add3A_414 : i32
        %swap3A_429 = arith.index_cast %add3A_428 : i32 to index
        %swap3A_430 = arith.index_cast %mul3A_250 : i32 to index
        %swap3A_431 = tpu.vector_load %arg10[%swap3A_429, %swap3A_430] {strides = array<i32>} : memref<40x1024xf32, #tpu.memory_space<vmem>>, vector<16xf32>,
        tpu.vector_store %arg10[%swap3A_429, %swap3A_430], %add3A_426 {strides = array<i32>} : memref<40x1024xf32, #tpu.memory_space<vmem>>, vector<16xf32>,
        scf.yield %get3A_423 : vector<16xf32>
      }
      %scan3A_260 = arith.constant 4 : i32
      %scan3A_261 = arith.constant 0 : i32
      scf.yield %scan3A_261 : i32
    }
    %scan3A_156 = arith.constant 64 : i32
    %add3A_157 = arith.addi %add3A_37, %mul3A_130 : i32
    %dma_start3A_158 = arith.constant 8 : i32
    %dma_start3A_159 = arith.constant 0 : i32
    %dma_start3A_160 = tpu.memref_slice %arg10[%dma_start3A_158, %dma_start3A_159] : memref<40x1024xf32, #tpu.memory_space<vmem>> -> memref<32x1024xf32, #tpu.memory_space<vmem>>
    %dma_start3A_161 = arith.constant 0 : i32
    %dma_start3A_162 = tpu.memref_slice %arg5[%add3A_157, %dma_start3A_161] : memref<32768x1024xf32, #tpu.memory_space<hbm>> -> memref<32x1024xf32, #tpu.memory_space<hbm>>
    %dma_start3A_163 = arith.constant 0 : i32
    %dma_start3A_164 = tpu.memref_slice %arg5[%add3A_157, %dma_start3A_163] : memref<32768x1024xf32, #tpu.memory_space<hbm>> -> memref<32x1024xf32, #tpu.memory_space<hbm>>
    %dma_start3A_165 = arith.constant 8 : i32
    %dma_start3A_166 = arith.constant 0 : i32
    %dma_start3A_167 = tpu.memref_slice %arg10[%dma_start3A_165, %dma_start3A_166] : memref<40x1024xf32, #tpu.memory_space<vmem>> -> memref<32x1024xf32, #tpu.memory_space<vmem>>
    tpu.enqueue_dma source(%dma_start3A_167 : memref<32x1024xf32, #tpu.memory_space<vmem>>) target(%dma_start3A_164 : memref<32x1024xf32, #tpu.memory_space<hbm>>) target_semaphore(%arg15 : memref<!tpu.dma_semaphore, #tpu.memory_space<semaphore_mem>>)
    %ge3A = arith.constant 30 : i32
    %ge3A_168 = arith.constant 1 : i32
    %ge3A_169 = arith.cmpi sge, %ge3A, %ge3A_168 : i32
    %convert_element_type3A = arith.extui %ge3A_169 : i1 to i32
    %cond3A = arith.constant 0 : i32
    %cond3A_170 = arith.cmpi ne, %convert_element_type3A, %cond3A : i32
    scf.if %cond3A_170 {
      %dma_wait3A_247 = arith.constant 8 : i32
      %dma_wait3A_248 = arith.constant 0 : i32
      %dma_wait3A_249 = tpu.memref_slice %arg12[%dma_wait3A_247, %dma_wait3A_248] : memref<40x1024xf32, #tpu.memory_space<vmem>> -> memref<32x1024xf32, #tpu.memory_space<vmem>>
      %dma_wait3A_250 = arith.constant 0 : i32
      %dma_wait3A_251 = arith.constant 0 : i32
      %dma_wait3A_252 = tpu.memref_slice %arg5[%dma_wait3A_250, %dma_wait3A_251] : memref<32768x1024xf32, #tpu.memory_space<hbm>> -> memref<32x1024xf32, #tpu.memory_space<hbm>>
      %dma_wait3A_253 = arith.constant 0 : i32
      %dma_wait3A_254 = arith.constant 0 : i32
      %dma_wait3A_255 = tpu.memref_slice %arg5[%dma_wait3A_253, %dma_wait3A_254] : memref<32768x1024xf32, #tpu.memory_space<hbm>> -> memref<32x1024xf32, #tpu.memory_space<hbm>>
      %dma_wait3A_256 = arith.constant 8 : i32
      %dma_wait3A_257 = arith.constant 0 : i32
      %dma_wait3A_258 = tpu.memref_slice %arg12[%dma_wait3A_256, %dma_wait3A_257] : memref<40x1024xf32, #tpu.memory_space<vmem>> -> memref<32x1024xf32, #tpu.memory_space<vmem>>
      tpu.wait_dma2 semaphore(%arg15 : memref<!tpu.dma_semaphore, #tpu.memory_space<semaphore_mem>>) src(%dma_wait3A_258 : memref<32x1024xf32, #tpu.memory_space<vmem>>) dst(%dma_wait3A_255 : memref<32x1024xf32, #tpu.memory_space<hbm>>)
    } else {
    }
    %add3A_171 = arith.constant 30 : i32
    %add3A_172 = arith.constant 2 : i32
    %add3A_173 = arith.addi %add3A_171, %add3A_172 : i32
    %lt3A_174 = arith.constant 32 : i32
    %lt3A_175 = arith.cmpi slt, %add3A_173, %lt3A_174 : i32
    %convert_element_type3A_176 = arith.extui %lt3A_175 : i1 to i32
    %cond3A_177 = arith.constant 30 : i32
    %cond3A_178 = arith.constant 0 : i32
    %cond3A_179 = arith.cmpi ne, %convert_element_type3A_176, %cond3A_178 : i32
    scf.if %cond3A_179 {
      %add3A_247 = arith.constant 2 : i32
      %add3A_248 = arith.addi %cond3A_177, %add3A_247 : i32
      %mul3A_249 = arith.constant 32 : i32
      %mul3A_250 = arith.muli %add3A_248, %mul3A_249 : i32
      %dma_start3A_251 = arith.constant 8 : i32
      %dma_start3A_252 = arith.constant 0 : i32
      %dma_start3A_253 = tpu.memref_slice %arg12[%dma_start3A_251, %dma_start3A_252] : memref<40x1024xf32, #tpu.memory_space<vmem>> -> memref<32x1024xf32, #tpu.memory_space<vmem>>
      %dma_start3A_254 = tpu.memref_slice %arg7[%mul3A_250] : memref<1024xi32, #tpu.memory_space<vmem>> -> memref<32xi32, #tpu.memory_space<vmem>>
      %dma_start3A_255 = arith.constant 0 : i32
      %dma_start3A_256 = arith.constant 0 : i32
      %dma_start3A_257 = tpu.memref_slice %arg2[%dma_start3A_255, %dma_start3A_256] : memref<16384x1024xf32, #tpu.memory_space<hbm>> -> memref<16384x1024xf32, #tpu.memory_space<hbm>>
      tpu.enqueue_indirect_dma source(%dma_start3A_257 : memref<16384x1024xf32, #tpu.memory_space<hbm>>) target(%dma_start3A_253 : memref<32x1024xf32, #tpu.memory_space<vmem>>) offsets(%dma_start3A_254 : memref<32xi32, #tpu.memory_space<vmem>>) semaphore(%arg14 : memref<!tpu.dma_semaphore, #tpu.memory_space<semaphore_mem>>)
    } else {
    }
    %mul3A_180 = arith.constant 31 : i32
    %mul3A_181 = arith.constant 32 : i32
    %mul3A_182 = arith.muli %mul3A_180, %mul3A_181 : i32
    %dma_wait3A_183 = arith.constant 8 : i32
    %dma_wait3A_184 = arith.constant 0 : i32
    %dma_wait3A_185 = tpu.memref_slice %arg11[%dma_wait3A_183, %dma_wait3A_184] : memref<40x1024xf32, #tpu.memory_space<vmem>> -> memref<32x1024xf32, #tpu.memory_space<vmem>>
    %dma_wait3A_186 = arith.constant 0 : i32
    %dma_wait3A_187 = arith.constant 0 : i32
    %dma_wait3A_188 = tpu.memref_slice %arg2[%dma_wait3A_186, %dma_wait3A_187] : memref<16384x1024xf32, #tpu.memory_space<hbm>> -> memref<32x1024xf32, #tpu.memory_space<hbm>>
    %dma_wait3A_189 = arith.constant 8 : i32
    %dma_wait3A_190 = arith.constant 0 : i32
    %dma_wait3A_191 = tpu.memref_slice %arg11[%dma_wait3A_189, %dma_wait3A_190] : memref<40x1024xf32, #tpu.memory_space<vmem>> -> memref<32x1024xf32, #tpu.memory_space<vmem>>
    %dma_wait3A_192 = arith.constant 0 : i32
    %dma_wait3A_193 = arith.constant 0 : i32
    %dma_wait3A_194 = tpu.memref_slice %arg2[%dma_wait3A_192, %dma_wait3A_193] : memref<16384x1024xf32, #tpu.memory_space<hbm>> -> memref<32x1024xf32, #tpu.memory_space<hbm>>
    tpu.wait_dma2 semaphore(%arg14 : memref<!tpu.dma_semaphore, #tpu.memory_space<semaphore_mem>>) src(%dma_wait3A_194 : memref<32x1024xf32, #tpu.memory_space<hbm>>) dst(%dma_wait3A_191 : memref<32x1024xf32, #tpu.memory_space<vmem>>)
    %scan3A_195 = arith.constant 0 : i32
    %scan3A_196 = arith.constant 0 : i32
    %scan3A_197 = arith.constant 64 : i32
    %scan3A_198 = arith.addi %scan3A_196, %scan3A_197 : i32
    %scan3A_199 = arith.constant 1 : i32
    %scan3A_200 = scf.for %scan3A_247 = %scan3A_196 to %scan3A_198 step %scan3A_199 iter_args(%scan3A_248 = %scan3A_195) -> (i32)  : i32 {
      %mul3A_249 = arith.constant 16 : i32
      %mul3A_250 = arith.muli %scan3A_247, %mul3A_249 : i32
      %get3A_251 = arith.constant 39 : i32
      %get3A_252 = arith.index_cast %get3A_251 : i32 to index
      %get3A_253 = arith.index_cast %mul3A_250 : i32 to index
      %get3A_254 = tpu.vector_load %arg11[%get3A_252, %get3A_253] {strides = array<i32>} : memref<40x1024xf32, #tpu.memory_space<vmem>>, vector<16xf32>,
      %mul3A_255 = arith.constant 16 : i32
      %mul3A_256 = arith.muli %scan3A_247, %mul3A_255 : i32
      %swap3A_257 = arith.constant 7 : i32
      %swap3A_258 = arith.index_cast %swap3A_257 : i32 to index
      %swap3A_259 = arith.index_cast %mul3A_256 : i32 to index
      %swap3A_260 = tpu.vector_load %arg12[%swap3A_258, %swap3A_259] {strides = array<i32>} : memref<40x1024xf32, #tpu.memory_space<vmem>>, vector<16xf32>,
      tpu.vector_store %arg12[%swap3A_258, %swap3A_259], %get3A_254 {strides = array<i32>} : memref<40x1024xf32, #tpu.memory_space<vmem>>, vector<16xf32>,
      %scan3A_261 = arith.constant 0 : i32
      scf.yield %scan3A_261 : i32
    }
    %scan3A_201 = arith.constant 64 : i32
    %scan3A_202 = arith.constant 0 : i32
    %scan3A_203 = arith.constant 0 : i32
    %scan3A_204 = arith.constant 64 : i32
    %scan3A_205 = arith.addi %scan3A_203, %scan3A_204 : i32
    %scan3A_206 = arith.constant 1 : i32
    %scan3A_207 = scf.for %scan3A_247 = %scan3A_203 to %scan3A_205 step %scan3A_206 iter_args(%scan3A_248 = %scan3A_202) -> (i32)  : i32 {
      %mul3A_249 = arith.constant 16 : i32
      %mul3A_250 = arith.muli %scan3A_247, %mul3A_249 : i32
      %get3A_251 = arith.constant 7 : i32
      %get3A_252 = arith.index_cast %get3A_251 : i32 to index
      %get3A_253 = arith.index_cast %mul3A_250 : i32 to index
      %get3A_254 = tpu.vector_load %arg11[%get3A_252, %get3A_253] {strides = array<i32>} : memref<40x1024xf32, #tpu.memory_space<vmem>>, vector<16xf32>,
      %scan3A_255 = arith.constant 0 : i32
      %scan3A_256 = arith.constant 4 : i32
      %scan3A_257 = arith.addi %scan3A_255, %scan3A_256 : i32
      %scan3A_258 = arith.constant 1 : i32
      %scan3A_259 = scf.for %scan3A_262 = %scan3A_255 to %scan3A_257 step %scan3A_258 iter_args(%scan3A_263 = %get3A_254) -> (vector<16xf32>)  : i32 {
        %mul3A_264 = arith.constant 8 : i32
        %mul3A_265 = arith.muli %scan3A_262, %mul3A_264 : i32
        %add3A_266 = arith.constant 0 : i32
        %add3A_267 = arith.addi %mul3A_265, %add3A_266 : i32
        %add3A_268 = arith.addi %mul3A_182, %add3A_267 : i32
        %get3A_269 = arith.index_cast %add3A_268 : i32 to index
        %get3A_270 = memref.load %arg13[%get3A_269] : memref<1024xf32, #tpu.memory_space<smem>>
        %broadcast_in_dim3A_271 = vector.broadcast %get3A_270 : f32 to vector<16xf32>
        %add3A_272 = arith.constant 8 : i32
        %add3A_273 = arith.addi %add3A_272, %add3A_267 : i32
        %get3A_274 = arith.index_cast %add3A_273 : i32 to index
        %get3A_275 = arith.index_cast %mul3A_250 : i32 to index
        %get3A_276 = tpu.vector_load %arg11[%get3A_274, %get3A_275] {strides = array<i32>} : memref<40x1024xf32, #tpu.memory_space<vmem>>, vector<16xf32>,
        %sub3A_277 = arith.subf %get3A_276, %scan3A_263 : vector<16xf32>
        %mul3A_278 = arith.mulf %broadcast_in_dim3A_271, %sub3A_277 : vector<16xf32>
        %add3A_279 = arith.addf %scan3A_263, %mul3A_278 : vector<16xf32>
        %add3A_280 = arith.constant 8 : i32
        %add3A_281 = arith.addi %add3A_280, %add3A_267 : i32
        %swap3A_282 = arith.index_cast %add3A_281 : i32 to index
        %swap3A_283 = arith.index_cast %mul3A_250 : i32 to index
        %swap3A_284 = tpu.vector_load %arg11[%swap3A_282, %swap3A_283] {strides = array<i32>} : memref<40x1024xf32, #tpu.memory_space<vmem>>, vector<16xf32>,
        tpu.vector_store %arg11[%swap3A_282, %swap3A_283], %add3A_279 {strides = array<i32>} : memref<40x1024xf32, #tpu.memory_space<vmem>>, vector<16xf32>,
        %mul3A_285 = arith.constant 8 : i32
        %mul3A_286 = arith.muli %scan3A_262, %mul3A_285 : i32
        %add3A_287 = arith.constant 1 : i32
        %add3A_288 = arith.addi %mul3A_286, %add3A_287 : i32
        %add3A_289 = arith.addi %mul3A_182, %add3A_288 : i32
        %get3A_290 = arith.index_cast %add3A_289 : i32 to index
        %get3A_291 = memref.load %arg13[%get3A_290] : memref<1024xf32, #tpu.memory_space<smem>>
        %broadcast_in_dim3A_292 = vector.broadcast %get3A_291 : f32 to vector<16xf32>
        %add3A_293 = arith.constant 8 : i32
        %add3A_294 = arith.addi %add3A_293, %add3A_288 : i32
        %get3A_295 = arith.index_cast %add3A_294 : i32 to index
        %get3A_296 = arith.index_cast %mul3A_250 : i32 to index
        %get3A_297 = tpu.vector_load %arg11[%get3A_295, %get3A_296] {strides = array<i32>} : memref<40x1024xf32, #tpu.memory_space<vmem>>, vector<16xf32>,
        %sub3A_298 = arith.subf %get3A_297, %get3A_276 : vector<16xf32>
        %mul3A_299 = arith.mulf %broadcast_in_dim3A_292, %sub3A_298 : vector<16xf32>
        %add3A_300 = arith.addf %get3A_276, %mul3A_299 : vector<16xf32>
        %add3A_301 = arith.constant 8 : i32
        %add3A_302 = arith.addi %add3A_301, %add3A_288 : i32
        %swap3A_303 = arith.index_cast %add3A_302 : i32 to index
        %swap3A_304 = arith.index_cast %mul3A_250 : i32 to index
        %swap3A_305 = tpu.vector_load %arg11[%swap3A_303, %swap3A_304] {strides = array<i32>} : memref<40x1024xf32, #tpu.memory_space<vmem>>, vector<16xf32>,
        tpu.vector_store %arg11[%swap3A_303, %swap3A_304], %add3A_300 {strides = array<i32>} : memref<40x1024xf32, #tpu.memory_space<vmem>>, vector<16xf32>,
        %mul3A_306 = arith.constant 8 : i32
        %mul3A_307 = arith.muli %scan3A_262, %mul3A_306 : i32
        %add3A_308 = arith.constant 2 : i32
        %add3A_309 = arith.addi %mul3A_307, %add3A_308 : i32
        %add3A_310 = arith.addi %mul3A_182, %add3A_309 : i32
        %get3A_311 = arith.index_cast %add3A_310 : i32 to index
        %get3A_312 = memref.load %arg13[%get3A_311] : memref<1024xf32, #tpu.memory_space<smem>>
        %broadcast_in_dim3A_313 = vector.broadcast %get3A_312 : f32 to vector<16xf32>
        %add3A_314 = arith.constant 8 : i32
        %add3A_315 = arith.addi %add3A_314, %add3A_309 : i32
        %get3A_316 = arith.index_cast %add3A_315 : i32 to index
        %get3A_317 = arith.index_cast %mul3A_250 : i32 to index
        %get3A_318 = tpu.vector_load %arg11[%get3A_316, %get3A_317] {strides = array<i32>} : memref<40x1024xf32, #tpu.memory_space<vmem>>, vector<16xf32>,
        %sub3A_319 = arith.subf %get3A_318, %get3A_297 : vector<16xf32>
        %mul3A_320 = arith.mulf %broadcast_in_dim3A_313, %sub3A_319 : vector<16xf32>
        %add3A_321 = arith.addf %get3A_297, %mul3A_320 : vector<16xf32>
        %add3A_322 = arith.constant 8 : i32
        %add3A_323 = arith.addi %add3A_322, %add3A_309 : i32
        %swap3A_324 = arith.index_cast %add3A_323 : i32 to index
        %swap3A_325 = arith.index_cast %mul3A_250 : i32 to index
        %swap3A_326 = tpu.vector_load %arg11[%swap3A_324, %swap3A_325] {strides = array<i32>} : memref<40x1024xf32, #tpu.memory_space<vmem>>, vector<16xf32>,
        tpu.vector_store %arg11[%swap3A_324, %swap3A_325], %add3A_321 {strides = array<i32>} : memref<40x1024xf32, #tpu.memory_space<vmem>>, vector<16xf32>,
        %mul3A_327 = arith.constant 8 : i32
        %mul3A_328 = arith.muli %scan3A_262, %mul3A_327 : i32
        %add3A_329 = arith.constant 3 : i32
        %add3A_330 = arith.addi %mul3A_328, %add3A_329 : i32
        %add3A_331 = arith.addi %mul3A_182, %add3A_330 : i32
        %get3A_332 = arith.index_cast %add3A_331 : i32 to index
        %get3A_333 = memref.load %arg13[%get3A_332] : memref<1024xf32, #tpu.memory_space<smem>>
        %broadcast_in_dim3A_334 = vector.broadcast %get3A_333 : f32 to vector<16xf32>
        %add3A_335 = arith.constant 8 : i32
        %add3A_336 = arith.addi %add3A_335, %add3A_330 : i32
        %get3A_337 = arith.index_cast %add3A_336 : i32 to index
        %get3A_338 = arith.index_cast %mul3A_250 : i32 to index
        %get3A_339 = tpu.vector_load %arg11[%get3A_337, %get3A_338] {strides = array<i32>} : memref<40x1024xf32, #tpu.memory_space<vmem>>, vector<16xf32>,
        %sub3A_340 = arith.subf %get3A_339, %get3A_318 : vector<16xf32>
        %mul3A_341 = arith.mulf %broadcast_in_dim3A_334, %sub3A_340 : vector<16xf32>
        %add3A_342 = arith.addf %get3A_318, %mul3A_341 : vector<16xf32>
        %add3A_343 = arith.constant 8 : i32
        %add3A_344 = arith.addi %add3A_343, %add3A_330 : i32
        %swap3A_345 = arith.index_cast %add3A_344 : i32 to index
        %swap3A_346 = arith.index_cast %mul3A_250 : i32 to index
        %swap3A_347 = tpu.vector_load %arg11[%swap3A_345, %swap3A_346] {strides = array<i32>} : memref<40x1024xf32, #tpu.memory_space<vmem>>, vector<16xf32>,
        tpu.vector_store %arg11[%swap3A_345, %swap3A_346], %add3A_342 {strides = array<i32>} : memref<40x1024xf32, #tpu.memory_space<vmem>>, vector<16xf32>,
        %mul3A_348 = arith.constant 8 : i32
        %mul3A_349 = arith.muli %scan3A_262, %mul3A_348 : i32
        %add3A_350 = arith.constant 4 : i32
        %add3A_351 = arith.addi %mul3A_349, %add3A_350 : i32
        %add3A_352 = arith.addi %mul3A_182, %add3A_351 : i32
        %get3A_353 = arith.index_cast %add3A_352 : i32 to index
        %get3A_354 = memref.load %arg13[%get3A_353] : memref<1024xf32, #tpu.memory_space<smem>>
        %broadcast_in_dim3A_355 = vector.broadcast %get3A_354 : f32 to vector<16xf32>
        %add3A_356 = arith.constant 8 : i32
        %add3A_357 = arith.addi %add3A_356, %add3A_351 : i32
        %get3A_358 = arith.index_cast %add3A_357 : i32 to index
        %get3A_359 = arith.index_cast %mul3A_250 : i32 to index
        %get3A_360 = tpu.vector_load %arg11[%get3A_358, %get3A_359] {strides = array<i32>} : memref<40x1024xf32, #tpu.memory_space<vmem>>, vector<16xf32>,
        %sub3A_361 = arith.subf %get3A_360, %get3A_339 : vector<16xf32>
        %mul3A_362 = arith.mulf %broadcast_in_dim3A_355, %sub3A_361 : vector<16xf32>
        %add3A_363 = arith.addf %get3A_339, %mul3A_362 : vector<16xf32>
        %add3A_364 = arith.constant 8 : i32
        %add3A_365 = arith.addi %add3A_364, %add3A_351 : i32
        %swap3A_366 = arith.index_cast %add3A_365 : i32 to index
        %swap3A_367 = arith.index_cast %mul3A_250 : i32 to index
        %swap3A_368 = tpu.vector_load %arg11[%swap3A_366, %swap3A_367] {strides = array<i32>} : memref<40x1024xf32, #tpu.memory_space<vmem>>, vector<16xf32>,
        tpu.vector_store %arg11[%swap3A_366, %swap3A_367], %add3A_363 {strides = array<i32>} : memref<40x1024xf32, #tpu.memory_space<vmem>>, vector<16xf32>,
        %mul3A_369 = arith.constant 8 : i32
        %mul3A_370 = arith.muli %scan3A_262, %mul3A_369 : i32
        %add3A_371 = arith.constant 5 : i32
        %add3A_372 = arith.addi %mul3A_370, %add3A_371 : i32
        %add3A_373 = arith.addi %mul3A_182, %add3A_372 : i32
        %get3A_374 = arith.index_cast %add3A_373 : i32 to index
        %get3A_375 = memref.load %arg13[%get3A_374] : memref<1024xf32, #tpu.memory_space<smem>>
        %broadcast_in_dim3A_376 = vector.broadcast %get3A_375 : f32 to vector<16xf32>
        %add3A_377 = arith.constant 8 : i32
        %add3A_378 = arith.addi %add3A_377, %add3A_372 : i32
        %get3A_379 = arith.index_cast %add3A_378 : i32 to index
        %get3A_380 = arith.index_cast %mul3A_250 : i32 to index
        %get3A_381 = tpu.vector_load %arg11[%get3A_379, %get3A_380] {strides = array<i32>} : memref<40x1024xf32, #tpu.memory_space<vmem>>, vector<16xf32>,
        %sub3A_382 = arith.subf %get3A_381, %get3A_360 : vector<16xf32>
        %mul3A_383 = arith.mulf %broadcast_in_dim3A_376, %sub3A_382 : vector<16xf32>
        %add3A_384 = arith.addf %get3A_360, %mul3A_383 : vector<16xf32>
        %add3A_385 = arith.constant 8 : i32
        %add3A_386 = arith.addi %add3A_385, %add3A_372 : i32
        %swap3A_387 = arith.index_cast %add3A_386 : i32 to index
        %swap3A_388 = arith.index_cast %mul3A_250 : i32 to index
        %swap3A_389 = tpu.vector_load %arg11[%swap3A_387, %swap3A_388] {strides = array<i32>} : memref<40x1024xf32, #tpu.memory_space<vmem>>, vector<16xf32>,
        tpu.vector_store %arg11[%swap3A_387, %swap3A_388], %add3A_384 {strides = array<i32>} : memref<40x1024xf32, #tpu.memory_space<vmem>>, vector<16xf32>,
        %mul3A_390 = arith.constant 8 : i32
        %mul3A_391 = arith.muli %scan3A_262, %mul3A_390 : i32
        %add3A_392 = arith.constant 6 : i32
        %add3A_393 = arith.addi %mul3A_391, %add3A_392 : i32
        %add3A_394 = arith.addi %mul3A_182, %add3A_393 : i32
        %get3A_395 = arith.index_cast %add3A_394 : i32 to index
        %get3A_396 = memref.load %arg13[%get3A_395] : memref<1024xf32, #tpu.memory_space<smem>>
        %broadcast_in_dim3A_397 = vector.broadcast %get3A_396 : f32 to vector<16xf32>
        %add3A_398 = arith.constant 8 : i32
        %add3A_399 = arith.addi %add3A_398, %add3A_393 : i32
        %get3A_400 = arith.index_cast %add3A_399 : i32 to index
        %get3A_401 = arith.index_cast %mul3A_250 : i32 to index
        %get3A_402 = tpu.vector_load %arg11[%get3A_400, %get3A_401] {strides = array<i32>} : memref<40x1024xf32, #tpu.memory_space<vmem>>, vector<16xf32>,
        %sub3A_403 = arith.subf %get3A_402, %get3A_381 : vector<16xf32>
        %mul3A_404 = arith.mulf %broadcast_in_dim3A_397, %sub3A_403 : vector<16xf32>
        %add3A_405 = arith.addf %get3A_381, %mul3A_404 : vector<16xf32>
        %add3A_406 = arith.constant 8 : i32
        %add3A_407 = arith.addi %add3A_406, %add3A_393 : i32
        %swap3A_408 = arith.index_cast %add3A_407 : i32 to index
        %swap3A_409 = arith.index_cast %mul3A_250 : i32 to index
        %swap3A_410 = tpu.vector_load %arg11[%swap3A_408, %swap3A_409] {strides = array<i32>} : memref<40x1024xf32, #tpu.memory_space<vmem>>, vector<16xf32>,
        tpu.vector_store %arg11[%swap3A_408, %swap3A_409], %add3A_405 {strides = array<i32>} : memref<40x1024xf32, #tpu.memory_space<vmem>>, vector<16xf32>,
        %mul3A_411 = arith.constant 8 : i32
        %mul3A_412 = arith.muli %scan3A_262, %mul3A_411 : i32
        %add3A_413 = arith.constant 7 : i32
        %add3A_414 = arith.addi %mul3A_412, %add3A_413 : i32
        %add3A_415 = arith.addi %mul3A_182, %add3A_414 : i32
        %get3A_416 = arith.index_cast %add3A_415 : i32 to index
        %get3A_417 = memref.load %arg13[%get3A_416] : memref<1024xf32, #tpu.memory_space<smem>>
        %broadcast_in_dim3A_418 = vector.broadcast %get3A_417 : f32 to vector<16xf32>
        %add3A_419 = arith.constant 8 : i32
        %add3A_420 = arith.addi %add3A_419, %add3A_414 : i32
        %get3A_421 = arith.index_cast %add3A_420 : i32 to index
        %get3A_422 = arith.index_cast %mul3A_250 : i32 to index
        %get3A_423 = tpu.vector_load %arg11[%get3A_421, %get3A_422] {strides = array<i32>} : memref<40x1024xf32, #tpu.memory_space<vmem>>, vector<16xf32>,
        %sub3A_424 = arith.subf %get3A_423, %get3A_402 : vector<16xf32>
        %mul3A_425 = arith.mulf %broadcast_in_dim3A_418, %sub3A_424 : vector<16xf32>
        %add3A_426 = arith.addf %get3A_402, %mul3A_425 : vector<16xf32>
        %add3A_427 = arith.constant 8 : i32
        %add3A_428 = arith.addi %add3A_427, %add3A_414 : i32
        %swap3A_429 = arith.index_cast %add3A_428 : i32 to index
        %swap3A_430 = arith.index_cast %mul3A_250 : i32 to index
        %swap3A_431 = tpu.vector_load %arg11[%swap3A_429, %swap3A_430] {strides = array<i32>} : memref<40x1024xf32, #tpu.memory_space<vmem>>, vector<16xf32>,
        tpu.vector_store %arg11[%swap3A_429, %swap3A_430], %add3A_426 {strides = array<i32>} : memref<40x1024xf32, #tpu.memory_space<vmem>>, vector<16xf32>,
        scf.yield %get3A_423 : vector<16xf32>
      }
      %scan3A_260 = arith.constant 4 : i32
      %scan3A_261 = arith.constant 0 : i32
      scf.yield %scan3A_261 : i32
    }
    %scan3A_208 = arith.constant 64 : i32
    %add3A_209 = arith.addi %add3A_37, %mul3A_182 : i32
    %dma_start3A_210 = arith.constant 8 : i32
    %dma_start3A_211 = arith.constant 0 : i32
    %dma_start3A_212 = tpu.memref_slice %arg11[%dma_start3A_210, %dma_start3A_211] : memref<40x1024xf32, #tpu.memory_space<vmem>> -> memref<32x1024xf32, #tpu.memory_space<vmem>>
    %dma_start3A_213 = arith.constant 0 : i32
    %dma_start3A_214 = tpu.memref_slice %arg5[%add3A_209, %dma_start3A_213] : memref<32768x1024xf32, #tpu.memory_space<hbm>> -> memref<32x1024xf32, #tpu.memory_space<hbm>>
    %dma_start3A_215 = arith.constant 0 : i32
    %dma_start3A_216 = tpu.memref_slice %arg5[%add3A_209, %dma_start3A_215] : memref<32768x1024xf32, #tpu.memory_space<hbm>> -> memref<32x1024xf32, #tpu.memory_space<hbm>>
    %dma_start3A_217 = arith.constant 8 : i32
    %dma_start3A_218 = arith.constant 0 : i32
    %dma_start3A_219 = tpu.memref_slice %arg11[%dma_start3A_217, %dma_start3A_218] : memref<40x1024xf32, #tpu.memory_space<vmem>> -> memref<32x1024xf32, #tpu.memory_space<vmem>>
    tpu.enqueue_dma source(%dma_start3A_219 : memref<32x1024xf32, #tpu.memory_space<vmem>>) target(%dma_start3A_216 : memref<32x1024xf32, #tpu.memory_space<hbm>>) target_semaphore(%arg15 : memref<!tpu.dma_semaphore, #tpu.memory_space<semaphore_mem>>)
    %ge3A_220 = arith.constant 31 : i32
    %ge3A_221 = arith.constant 1 : i32
    %ge3A_222 = arith.cmpi sge, %ge3A_220, %ge3A_221 : i32
    %convert_element_type3A_223 = arith.extui %ge3A_222 : i1 to i32
    %cond3A_224 = arith.constant 0 : i32
    %cond3A_225 = arith.cmpi ne, %convert_element_type3A_223, %cond3A_224 : i32
    scf.if %cond3A_225 {
      %dma_wait3A_247 = arith.constant 8 : i32
      %dma_wait3A_248 = arith.constant 0 : i32
      %dma_wait3A_249 = tpu.memref_slice %arg10[%dma_wait3A_247, %dma_wait3A_248] : memref<40x1024xf32, #tpu.memory_space<vmem>> -> memref<32x1024xf32, #tpu.memory_space<vmem>>
      %dma_wait3A_250 = arith.constant 0 : i32
      %dma_wait3A_251 = arith.constant 0 : i32
      %dma_wait3A_252 = tpu.memref_slice %arg5[%dma_wait3A_250, %dma_wait3A_251] : memref<32768x1024xf32, #tpu.memory_space<hbm>> -> memref<32x1024xf32, #tpu.memory_space<hbm>>
      %dma_wait3A_253 = arith.constant 0 : i32
      %dma_wait3A_254 = arith.constant 0 : i32
      %dma_wait3A_255 = tpu.memref_slice %arg5[%dma_wait3A_253, %dma_wait3A_254] : memref<32768x1024xf32, #tpu.memory_space<hbm>> -> memref<32x1024xf32, #tpu.memory_space<hbm>>
      %dma_wait3A_256 = arith.constant 8 : i32
      %dma_wait3A_257 = arith.constant 0 : i32
      %dma_wait3A_258 = tpu.memref_slice %arg10[%dma_wait3A_256, %dma_wait3A_257] : memref<40x1024xf32, #tpu.memory_space<vmem>> -> memref<32x1024xf32, #tpu.memory_space<vmem>>
      tpu.wait_dma2 semaphore(%arg15 : memref<!tpu.dma_semaphore, #tpu.memory_space<semaphore_mem>>) src(%dma_wait3A_258 : memref<32x1024xf32, #tpu.memory_space<vmem>>) dst(%dma_wait3A_255 : memref<32x1024xf32, #tpu.memory_space<hbm>>)
    } else {
    }
    %add3A_226 = arith.constant 31 : i32
    %add3A_227 = arith.constant 2 : i32
    %add3A_228 = arith.addi %add3A_226, %add3A_227 : i32
    %lt3A_229 = arith.constant 32 : i32
    %lt3A_230 = arith.cmpi slt, %add3A_228, %lt3A_229 : i32
    %convert_element_type3A_231 = arith.extui %lt3A_230 : i1 to i32
    %cond3A_232 = arith.constant 31 : i32
    %cond3A_233 = arith.constant 0 : i32
    %cond3A_234 = arith.cmpi ne, %convert_element_type3A_231, %cond3A_233 : i32
    scf.if %cond3A_234 {
      %add3A_247 = arith.constant 2 : i32
      %add3A_248 = arith.addi %cond3A_232, %add3A_247 : i32
      %mul3A_249 = arith.constant 32 : i32
      %mul3A_250 = arith.muli %add3A_248, %mul3A_249 : i32
      %dma_start3A_251 = arith.constant 8 : i32
      %dma_start3A_252 = arith.constant 0 : i32
      %dma_start3A_253 = tpu.memref_slice %arg10[%dma_start3A_251, %dma_start3A_252] : memref<40x1024xf32, #tpu.memory_space<vmem>> -> memref<32x1024xf32, #tpu.memory_space<vmem>>
      %dma_start3A_254 = tpu.memref_slice %arg7[%mul3A_250] : memref<1024xi32, #tpu.memory_space<vmem>> -> memref<32xi32, #tpu.memory_space<vmem>>
      %dma_start3A_255 = arith.constant 0 : i32
      %dma_start3A_256 = arith.constant 0 : i32
      %dma_start3A_257 = tpu.memref_slice %arg2[%dma_start3A_255, %dma_start3A_256] : memref<16384x1024xf32, #tpu.memory_space<hbm>> -> memref<16384x1024xf32, #tpu.memory_space<hbm>>
      tpu.enqueue_indirect_dma source(%dma_start3A_257 : memref<16384x1024xf32, #tpu.memory_space<hbm>>) target(%dma_start3A_253 : memref<32x1024xf32, #tpu.memory_space<vmem>>) offsets(%dma_start3A_254 : memref<32xi32, #tpu.memory_space<vmem>>) semaphore(%arg14 : memref<!tpu.dma_semaphore, #tpu.memory_space<semaphore_mem>>)
    } else {
    }
    %dma_wait3A_235 = arith.constant 8 : i32
    %dma_wait3A_236 = arith.constant 0 : i32
    %dma_wait3A_237 = tpu.memref_slice %arg10[%dma_wait3A_235, %dma_wait3A_236] : memref<40x1024xf32, #tpu.memory_space<vmem>> -> memref<32x1024xf32, #tpu.memory_space<vmem>>
    %dma_wait3A_238 = arith.constant 0 : i32
    %dma_wait3A_239 = arith.constant 0 : i32
    %dma_wait3A_240 = tpu.memref_slice %arg5[%dma_wait3A_238, %dma_wait3A_239] : memref<32768x1024xf32, #tpu.memory_space<hbm>> -> memref<32x1024xf32, #tpu.memory_space<hbm>>
    %dma_wait3A_241 = arith.constant 0 : i32
    %dma_wait3A_242 = arith.constant 0 : i32
    %dma_wait3A_243 = tpu.memref_slice %arg5[%dma_wait3A_241, %dma_wait3A_242] : memref<32768x1024xf32, #tpu.memory_space<hbm>> -> memref<32x1024xf32, #tpu.memory_space<hbm>>
    %dma_wait3A_244 = arith.constant 8 : i32
    %dma_wait3A_245 = arith.constant 0 : i32
    %dma_wait3A_246 = tpu.memref_slice %arg10[%dma_wait3A_244, %dma_wait3A_245] : memref<40x1024xf32, #tpu.memory_space<vmem>> -> memref<32x1024xf32, #tpu.memory_space<vmem>>
    tpu.wait_dma2 semaphore(%arg15 : memref<!tpu.dma_semaphore, #tpu.memory_space<semaphore_mem>>) src(%dma_wait3A_246 : memref<32x1024xf32, #tpu.memory_space<vmem>>) dst(%dma_wait3A_243 : memref<32x1024xf32, #tpu.memory_space<hbm>>)
    return
  }
}

</mosaic_0001>

<sc_bundles>
// kernel: kernel.3.cloned.1.call-start
scs
__scs_entry_jumppad:
0x0: {  	(pc) =	sbr.rel $0x88, $3  }
0x1: {  	(tag) =	ssettag $0x0;
	lr =	simm.s32 $0x1  }
0x2: {  	[smem:$0x3F9E] =	sst lr;
	_ =	strace $0xD0000000  }
0x3: {  	_ = 	snop  }
0x4: {  	_ = 	snop  }
0x5: {  	_ = 	snop  }
0x6: {  	_ = 	snop  }
0x7: {  	_ = 	snop  }
__scs_overlays_trampoline_lowered:
0x8: {  	[smem:$0x3FAD] =	sst s0  }
0x9: {  	[smem:$0x3FAE] =	sst s1  }
0xa: {  	[smem:$0x3FAF] =	sst s2  }
0xb: {  	[smem:$0x3FB0] =	sst s3  }
0xc: {  	[smem:$0x3FB1] =	sst s4  }
0xd: {  	[smem:$0x3FB2] =	sst s5  }
0xe: {  	[smem:$0x3FB3] =	sst s6  }
0xf: {  	[smem:$0x3FB4] =	sst s7  }
0x10: {  	[smem:$0x3FB5] =	sst s8  }
0x11: {  	[smem:$0x3FB6] =	sst s9;
	s0 =	simm.s32 @!p0 $0x0  }
0x12: {  	s1 =	sld [smem:$0x3F9C];
	s0 =	simm.s32 @p0 $0x1  }
0x13: {  	[smem:$0x3FB7] =	sst s0;
	s0 =	simm.s32 @!p1 $0x0  }
0x14: {  	s2 =	sld [smem:$0x3F9B];
	s0 =	simm.s32 @p1 $0x1  }
0x15: {  	[smem:$0x3FB8] =	sst s0;
	s0 =	simm.s32 @!p2 $0x0  }
0x16: {  	s3 =	sld [smem:$0x3FDB];
	s0 =	simm.s32 @p2 $0x1  }
0x17: {  	s4 =	simm.s32 $0x1BF5;
	[smem:$0x3FBA] =	sst s0  }
0x18: {  	s0 =	sld [smem:$0x3F9D];
	_ =	swait.ge [sflag:s4], $0x0  }
0x19: {  	s7 =	sld [smem:$0x3F9E]  }
0x1a: {  	s8 =	sadd.s32 $0xFFFFE003, lr  }
0x1b: {  	s9 =	sadd.s32 $0xFFFFFEF7, lr;
	s5 =	simm.s32 $0xFFFFFFFF;
	p2 =	slt.u32 s8, $0xFFFFF086  }
0x1c: {  	p1 =	slt.u32 s9, $0xF7A;
	s5 =	simm.s32 @!p2 $0x0  }
0x1d: {  	s5 =	simm.s32 @p1 $0x1;
	p0 =	seq.s32 s7, s2  }
0x1e: {  	s7 =	smul.u32 @!p0 $0xF7A, s2;
	p2 =	seq.s32 @!p0 s5, $0x0  }
0x1f: {  	s9 =	smul.u32 $0xF7A, s1;
	s8 =	simm.s32 @!p0 $0x1BF5;
	p2 =	por !p2, p0  }
0x20: {  	[sflag:s8] =	ssyncset.s32 @!p0 $0xFFFFF086;
	s6 =	sadd.s32 @!p0 s3, s7;
	s7 =	simm.s32 @!p0 $0x108  }
0x21: {  	s3 =	sadd.s32 s3, s9;
	s6 =	sadd.s32 @!p0 $0x88, s6;
	s7 =	simm.s32 @p2 $0x1082  }
0x22: {  	[simem:s7], [sflag:s8] =	dma.local @!p0 [hbm:s6], $0xF7A  }
0x23: {  	s9 =	sor.u32 $0xD0000000, s2;
	s6 =	simm.s32 $0x108;
	_ =	swait.ge @!p0 [sflag:s8], $0x0  }
0x24: {  	s3 =	sadd.s32 $0x88, s3;
	s6 =	simm.s32 @!p1 $0x1082;
	[sflag:s4] =	ssyncset.s32 $0xFFFFF086  }
0x25: {  	[simem:s6], [sflag:s4] =	dma.local [hbm:s3], $0xF7A  }
0x26: {  	[smem:$0x3F9E] =	sst s1;
	(tag) =	ssettag s2;
	_ =	strace s9  }
0x27: {  	s1 =	sld [smem:$0x3FAE]  }
0x28: {  	s2 =	sld [smem:$0x3FAF]  }
0x29: {  	s4 =	sld [smem:$0x3FB1]  }
0x2a: {  	p0 =	seq.s32 s5, $0x0;
	s5 =	sld [smem:$0x3FB2]  }
0x2b: {  	s6 =	sld [smem:$0x3FB3]  }
0x2c: {  	s7 =	sld [smem:$0x3FB4]  }
0x2d: {  	s3 =	simm.s32 $0x108;
	s8 =	sld [smem:$0x3FB5]  }
0x2e: {  	s3 =	simm.s32 @!p0 $0x1082;
	s9 =	sld [smem:$0x3FB6]  }
0x2f: {  	lr =	sadd.s32 s0, s3;
	s0 =	sld [smem:$0x3FAD]  }
0x30: {  	s3 =	sld [smem:$0x3FB0]  }
0x31: {  	[smem:$0x3FB9] =	sst s10  }
0x32: {  	s10 =	sld [smem:$0x3FB7];
	_ =	sdelay $0x3  }
0x33: {  	p0 =	seq.s32 s10, $0x1;
	s10 =	sld [smem:$0x3FB9];
	_ =	sdelay $0x3  }
0x34: {  	[smem:$0x3FB9] =	sst s10  }
0x35: {  	s10 =	sld [smem:$0x3FB8];
	_ =	sdelay $0x3  }
0x36: {  	p1 =	seq.s32 s10, $0x1;
	s10 =	sld [smem:$0x3FB9];
	_ =	sdelay $0x3  }
0x37: {  	[smem:$0x3FB9] =	sst s10  }
0x38: {  	s10 =	sld [smem:$0x3FBA]  }
0x39: {  	_ = 	snop;
	(pc) =	sbr.ind lr, $3  }
0x3a: {  	_ = 	snop  }
0x3b: {  	_ = 	snop  }
0x3c: {  	p2 =	seq.s32 s10, $0x1;
	s10 =	sld [smem:$0x3FB9]  }
0x3d: {  	_ =	shalt  }
0x3e: {  	_ =	shalt  }
0x3f: {  	_ =	shalt  }
0x40: {  	_ =	shalt  }
0x41: {  	_ =	shalt  }
0x42: {  	_ =	shalt  }
0x43: {  	_ =	shalt  }
0x44: {  	_ =	shalt  }
0x45: {  	_ =	shalt  }
0x46: {  	_ =	shalt  }
0x47: {  	_ =	shalt  }
0x48: {  	_ =	shalt  }
0x49: {  	_ =	shalt  }
0x4a: {  	_ =	shalt  }
0x4b: {  	_ =	shalt  }
0x4c: {  	_ =	shalt  }
0x4d: {  	_ =	shalt  }
0x4e: {  	_ =	shalt  }
0x4f: {  	_ =	shalt  }
0x50: {  	_ =	shalt  }
0x51: {  	_ =	shalt  }
0x52: {  	_ =	shalt  }
0x53: {  	_ =	shalt  }
0x54: {  	_ =	shalt  }
0x55: {  	_ =	shalt  }
0x56: {  	_ =	shalt  }
0x57: {  	_ =	shalt  }
0x58: {  	_ =	shalt  }
0x59: {  	_ =	shalt  }
0x5a: {  	_ =	shalt  }
0x5b: {  	_ =	shalt  }
0x5c: {  	_ =	shalt  }
0x5d: {  	_ =	shalt  }
0x5e: {  	_ =	shalt  }
0x5f: {  	_ =	shalt  }
0x60: {  	_ =	shalt  }
0x61: {  	_ =	shalt  }
0x62: {  	_ =	shalt  }
0x63: {  	_ =	shalt  }
0x64: {  	_ =	shalt  }
0x65: {  	_ =	shalt  }
0x66: {  	_ =	shalt  }
0x67: {  	_ =	shalt  }
0x68: {  	_ =	shalt  }
0x69: {  	_ =	shalt  }
0x6a: {  	_ =	shalt  }
0x6b: {  	_ =	shalt  }
0x6c: {  	_ =	shalt  }
0x6d: {  	_ =	shalt  }
0x6e: {  	_ =	shalt  }
0x6f: {  	_ =	shalt  }
0x70: {  	_ =	shalt  }
0x71: {  	_ =	shalt  }
0x72: {  	_ =	shalt  }
0x73: {  	_ =	shalt  }
0x74: {  	_ =	shalt  }
0x75: {  	_ =	shalt  }
0x76: {  	_ =	shalt  }
0x77: {  	_ =	shalt  }
0x78: {  	_ =	shalt  }
0x79: {  	_ =	shalt  }
0x7a: {  	_ =	shalt  }
0x7b: {  	_ =	shalt  }
0x7c: {  	_ =	shalt  }
0x7d: {  	_ =	shalt  }
0x7e: {  	_ =	shalt  }
0x7f: {  	_ =	shalt  }
0x80: {  	_ =	shalt  }
0x81: {  	_ =	shalt  }
0x82: {  	_ =	shalt  }
0x83: {  	_ =	shalt  }
0x84: {  	_ =	shalt  }
0x85: {  	_ =	shalt  }
0x86: {  	_ =	shalt  }
0x87: {  	_ =	shalt  }
.Lfunc_end0:
.L_simem_size_0:
called_computation_lowered:
.L_overlay_start_0:
0x88: {  	s2 =	sld [smem:$0x3FD9]  }
0x89: {  	s3 =	sld [smem:$0x3FFE];
	_ =	sdelay $0x1  }
0x8a: {  	s1 =	srdreg.scid  }
0x8b: {  	s0 =	sand.u32 $0x1, s1  }
0x8c: {  	s17 =	sshll.u32 s0, $0xA;
	s2 =	sadd.s32 s3, s2  }
0x8d: {  	s2 =	sadd.s32 s2, s17  }
0x8e: {  	[smem:$0x3FC5] =	sst s2  }
0x8f: {  	_ = 	snop  }
0x90: {  	s2 =	sld [smem:$0x3FC9]  }
0x91: {  	s18 =	sld [smem:$0x3FD0];
	(tm) =	ssettm $0x1  }
0x92: {  	s4 =	sld [smem:$0x3FFB];
	_ =	sdelay $0x3  }
0x93: {  	_ =	strace s4  }
0x94: {  	s4 =	sld [smem:$0x3FFC];
	_ =	sdelay $0x3  }
0x95: {  	_ =	strace s4  }
0x96: {  	s4 =	sld [smem:$0x3FFD];
	_ =	sdelay $0x3  }
0x97: {  	_ =	strace s4  }
0x98: {  	_ =	strace $0x8FFFFFFF  }
0x99: {  	s19 =	sld [smem:$0x3FDB];
	_ =	sdelay $0x1  }
0x9a: {  	s5 =	simm.s32 $_scs_section_size  }
0x9b: {  	s6 =	simm.s32 $_size__tile_overlayer_lowered;
	s7 =	simm.s32 $_tile_overlayer_lowered  }
0x9c: {  	s22 =	simm.s32 $0x1BFF;
	s21 =	sshll.u32 s7, $0x1;
	s4 =	sadd.s32 s5, s19  }
0x9d: {  	s8 =	simm.s32 $0x0;
	s20 =	sshll.u32 s6, $0x1;
	s6 =	sadd.s32 s21, s4  }
0x9e: {  	[timem:s8], [sflag:s22] =	dma.local [hbm:s6], s20  }
0x9f: {  	_ =	swait.ge [sflag:s22], s20  }
0xa0: {  	s5 =	ssub.s32 $0x0, s20;
	[sflag:s22] =	ssyncset.done $0x0  }
0xa1: {  	[sflag:s22] =	ssyncadd.s32 s5;
	_ =	sdelay $0x1  }
0xa2: {  	s23 =	simm.s32 $0x1B8B  }
0xa3: {  	_ =	swait.ge [sflag:s23], $0x1  }
0xa4: {  	[sflag:s23] =	ssyncset.done $0x0  }
0xa5: {  	s25 =	simm.s32 $0x1B8E;
	s24 =	sld [smem:$0x3FFE];
	[sflag:s23] =	ssyncadd.s32 $0xFFFFFFFF  }
0xa6: {  	s26 =	simm.s32 $execute0_lowered;
	[smem:$0x3FD2] =	sst s25  }
0xa7: {  	s6 =	sshll.u32 s26, $0x1;
	_ =	strace $0x80000046;
	[dreg:$0x1] =	wrdreg $0xFFFFFFFF  }
0xa8: {  	s28 =	simm.s32 $_size_execute0_lowered;
	s4 =	sadd.s32 s4, s6;
	[dreg:$0x0] =	wrdreg $0x0  }
0xa9: {  	s6 =	sshll.u32 s28, $0x1;
	[dreg:$0x2] =	wrdreg s4  }
0xaa: {  	[dreg:$0x3] =	wrdreg s6  }
0xab: {  	[dreg:$0x4] =	wrdreg $0xC0  }
0xac: {  	_ =	task [dreg:s8], $0x5FFFF  }
0xad: {  	[dreg:$0x1] =	wrdreg $0xFFFFFFFF  }
0xae: {  	[dreg:$0x0] =	wrdreg $0x60  }
0xaf: {  	[dreg:$0x2] =	wrdreg s2  }
0xb0: {  	[dreg:$0x3] =	wrdreg s24  }
0xb1: {  	[dreg:$0x4] =	wrdreg s18  }
0xb2: {  	[dreg:$0x5] =	wrdreg $0x9  }
0xb3: {  	_ =	task.clear_ibuf [dreg:s8], $0x6FFFF;
	_ =	strace $0x90000046  }
0xb4: {  	s29 =	simm.s32 $0x9;
	_ =	strace $0x80000048  }
0xb5: {  	_ =	swait.ge [sflag:s29], $0x1  }
0xb6: {  	[sflag:s29] =	ssyncadd.s32 $0xFFFFFFFF  }
0xb7: {  	_ =	strace $0x90000048  }
0xb8: {  	_ =	sfence  }
0xb9: {  	s30 =	sld [smem:$0x0];
	_ =	sdelay $0x2  }
0xba: {  	s31 =	sshll.u32 s1, $0xD;
	s1 =	sshrl.u32 s1, $0x2  }
0xbb: {  	s3 =	sand.u32 $0x4000, s31;
	s1 =	sadd.s32 s1, s30  }
0xbc: {  	s0 =	sor.u32 s3, s0;
	s1 =	sshll.u32 s1, $0x11  }
0xbd: {  	s0 =	sor.u32 s1, s0  }
0xbe: {  	s0 =	sadd.s32 $0x8F2B, s0  }
0xbf: {  	[sflag:s0] =	ssyncadd.remote.s32 $0x1  }
0xc0: {  	_ =	sfence.sel $0xFFFF  }
0xc1: {  	[dreg:$0x0] =	wrdreg $0xFFFFFFFF;
	(pc) =	sbr.abs _section_cstart, $3  }
0xc2: {  	[dreg:$0x1] =	wrdreg $0xFFFFFFFF  }
0xc3: {  	_ =	task.clear_ibuf [dreg:s8], $0x2FFFF;
	_ =	strace $0x9FFFFFFF  }
0xc4: {  	(tm) =	ssettm $0x7FFFFFFF  }
0xc5: {  	_ =	shalt  }
tec
execute0_lowered:
.L_overlay_start_1:
0x0: {  	(tag) =	ssettag $0x1  }
0x1: {  	s2 =	rddreg [dreg:$0x0]  }
0x2: {  	s0 =	rddreg [dreg:$0x1]  }
0x3: {  	s14 =	stileid.u32;
	s3 =	rddreg [dreg:$0x2]  }
0x4: {  	s1 =	srdreg.scid;
	s20 =	simm.s32 $0x1;
	s23 =	simm.s32 $0x17880  }
0x5: {  	s4 =	sshll.u32 s14, $0x1;
	s1 =	sand.u32 $0x1, s1;
	s7 =	sshrl.u32 s14, $0x1  }
0x6: {  	s13 =	sadd.s32 $0x300, s2;
	s28 =	sshll.u32 s14, $0x7;
	s14 =	simm.s32 $0xD880  }
0x7: {  	s5 =	sand.u32 $0x2, s4;
	s4 =	simm.s32 $0x0;
	s6 =	sshll.u32 s7, $0xC  }
0x8: {  	s9 =	ssub.s32 $0x2, s1;
	s11 =	sshll.u32 s7, $0x9;
	s15 =	sshll.u32 s7, $0xB  }
0x9: {  	s7 =	sand.u32 $0x80, s28;
	s8 =	sor.u32 s1, s5;
	[smem:$0x7FF] =	sst s4  }
0xa: {  	s12 =	sshrl.u32 s9, $0x1;
	s1 =	sshll.u32 s1, $0x6;
	s5 =	sshll.u32 s8, $0xA  }
0xb: {  	_ =	strace $0x80000047;
	s9 =	ssub.s32 s9, s12;
	s12 =	sadd.s32 $0x200, s2  }
0xc: {  	s30 =	sor.u32 s1, s7;
	[dreg:$0x4] =	wrdreg s15;
	s6 =	sor.u32 s6, s5  }
0xd: {  	s25 =	smax.u32 s5, $0x10;
	s31 =	smax.u32 s9, $0x1;
	s10 =	sshrl.u32 s6, $0x3  }
0xe: {  	[dreg:$0x7] =	wrdreg s25;
	s10 =	sadd.s32 s10, s0;
	s0 =	sadd.s32 s11, s0  }
0xf: {  	s26 =	sshll.u32 s6, $0x7;
	[dreg:$0xa] =	wrdreg s31;
	s0 =	sadd.s32 $0x1400, s0  }
0x10: {  	s24 =	sadd.s32 $0x400, s10;
	[dreg:$0x5] =	wrdreg s0;
	s0 =	sadd.s32 s26, s3  }
0x11: {  	p0 =	seq.s32 s8, $0x0;
	[dreg:$0x6] =	wrdreg s24;
	s29 =	sadd.s32 $0x1E000, s0  }
0x12: {  	v4 =	vlaneseq.u32;
	vm0 =	vmmov $0xffff;
	s1 =	simm.s32 $0x0;
	s0 =	sadd.s32 $0x1F000, s0;
	[dreg:$0x8] =	wrdreg s29  }
0x13: {  	v1 =	vimm.s32 $0x0;
	v3 =	vshrl.u32 v4, $0x3;
	v2 =	vand.u32 $0x7, v4;
	s25 =	simm.s32 $0x3880;
	[dreg:$0x9] =	wrdreg s0;
	s0 =	smax.u32 s30, $0x1  }
0x14: {  	v4 =	vor.u32 $0x8, v4;
	v3 =	vmul.u32 $0x8, v3;
	v0 =	vmov s15;
	s11 =	sadd.s32 $0x100, s2;
	s24 =	simm.s32 $0x2;
	[dreg:$0xb] =	wrdreg s0  }
.LBB2_1:
0x15: {  	[dreg:$0xc] =	wrdreg s1  }
0x16: {  	s0 =	rddreg [dreg:$0x5];
	s30 =	simm.s32 $0x3  }
0x17: {  	[tilespmem:s4], [sflag:$0x3] =	stream.linear.gather [hbm4b:s0+s4], $0x1000, $0x38;
	[tilespmem:$0x1F880] =	vst v63  }
0x18: {  	_ =	swait.ge [sflag:s30], $0x1000  }
0x19: {  	s7 =	simm.s32 $0x1400;
	[sflag:s30] =	ssyncset.done $0x0  }
.Ltmp0:
0x1a: {  	s31 =	rddreg [dreg:$0x6];
	[sflag:s30] =	ssyncadd.s32 $0xFFFFF000;
	(pc) =	sbr.rel @p0 .LBB2_5-.Ltmp0, $4  }
0x1b: {  	[tilespmem:s7], [sflag:$0x3] =	stream.linear.gather [hbm4b:s31+s4], $0x400, $0x38;
	[tilespmem:$0x1F880] =	vst v63  }
0x1c: {  	_ =	swait.ge [sflag:s30], $0x400  }
0x1d: {  	[sflag:s30] =	ssyncset.done $0x0  }
0x1e: {  	v5 =	vimm.s32 $0x0;
	[sflag:s30] =	ssyncadd.s32 $0xFFFFFC00  }
0x1f: {  	s0 =	rddreg [dreg:$0xb]  }
0x20: {  	v5 =	vld [tilespmem:s4+$0x0];
	p1 =	sne.s32 s0, $0x1  }
.Ltmp1:
0x21: {  	_ = 	snop;
	(pc) =	sbr.rel @!p1 .LBB2_4-.Ltmp1, $2  }
0x22: {  	_ =	sdelay $0x2  }
0x23: {  	s1 =	sadd.s32 $0x10, s4;
	s0 =	sadd.s32 $0xFFFFFFFF, s0;
	vm1 =	veq.s32 v5, $0x1;
	v5 =	vimm.s32 $0x0  }
.LBB2_3:
0x24: {  	v6 =	vld [tilespmem:s1+$0x0];
	p1 =	sne.s32 s0, $0x1;
	s0 =	sadd.s32 $0xFFFFFFFF, s0;
	v7 =	vsel vm1, $0x1, v1  }
.Ltmp2:
0x25: {  	v5 =	vadd.s32 v7, v5;
	(pc) =	sbr.rel @p1 .LBB2_3-.Ltmp2, $2  }
0x26: {  	_ =	sdelay $0x2  }
0x27: {  	s1 =	sadd.s32 $0x10, s1;
	vm1 =	veq.s32 v6, $0x1  }
.LBB2_4:
0x28: {  	v6 =	vsel vm1, $0x1, v1  }
0x29: {  	v5 =	vadd.s32 v6, v5  }
.LBB2_5:
0x2a: {  	v6 =	vld [tilespmem:s5+$0x0];
	_ =	sdelay $0x3  }
0x2b: {  	(xrf0) =	vadd.scan.msk.s32 $0xffff, v5  }
0x2c: {  	vm1 =	veq.s32 v6, $0x1  }
0x2d: {  	v5 =	vsel vm1, $0x1, v1  }
0x2e: {  	(xrf0) =	vadd.scan.msk.s32 $0xffff, v5;
	_ =	sdelay $0x2  }
0x2f: {  	v7 =	vsel vm1, $0xFFFFFFFF, v1;
	v5, _, _ =	vpop (xrf0)  }
0x30: {  	v6 =	vbroadcast v5, $0xF;
	_ =	sdelay $0x1  }
0x31: {  	v6 =	vadd.s32 v7, v6;
	v7, _, _ =	vpop (xrf0)  }
0x32: {  	(v2sf) =	vpush v5, $0xF;
	v5 =	vadd.s32 v7, v6  }
0x33: {  	(v2sf) =	vpush v7, $0xF;
	vm1 =	vlt.s32 v5, $0x7FF  }
0x34: {  	v5 =	vnsel vm1, $0x7FF, v5  }
0x35: {  	v5 =	vadd.s32 v0, v5  }
0x36: {  	[tilespmem:$0x1000] =	vst v5  }
0x37: {  	v5 =	vld [tilespmem:s5+$0x10];
	_ =	sdelay $0x4  }
0x38: {  	vm1 =	veq.s32 v5, $0x1  }
0x39: {  	v5 =	vsel vm1, $0x1, v1  }
0x3a: {  	(xrf0) =	vadd.scan.msk.s32 $0xffff, v5;
	_ =	sdelay $0x2  }
0x3b: {  	s0 =	spop (v2sf)  }
0x3c: {  	s1 =	spop (v2sf)  }
0x3d: {  	v5 =	vsel vm1, $0xFFFFFFFF, v1;
	s1 =	sadd.s32 s0, s1  }
0x3e: {  	v5 =	vadd.s32 s1, v5;
	v6, _, _ =	vpop (xrf0)  }
0x3f: {  	v5 =	vadd.s32 v6, v5  }
0x40: {  	(v2sf) =	vpush v6, $0xF;
	vm1 =	vlt.s32 v5, $0x7FF  }
0x41: {  	v5 =	vnsel vm1, $0x7FF, v5  }
0x42: {  	v5 =	vadd.s32 v0, v5  }
0x43: {  	[tilespmem:$0x1010] =	vst v5  }
0x44: {  	v5 =	vld [tilespmem:s5+$0x20];
	_ =	sdelay $0x4  }
0x45: {  	vm1 =	veq.s32 v5, $0x1  }
0x46: {  	v5 =	vsel vm1, $0x1, v1  }
0x47: {  	(xrf0) =	vadd.scan.msk.s32 $0xffff, v5;
	_ =	sdelay $0x3  }
0x48: {  	s7 =	spop (v2sf)  }
0x49: {  	v5 =	vsel vm1, $0xFFFFFFFF, v1;
	s1 =	sadd.s32 s1, s7  }
0x4a: {  	v5 =	vadd.s32 s1, v5;
	v6, _, _ =	vpop (xrf0)  }
0x4b: {  	v5 =	vadd.s32 v6, v5  }
0x4c: {  	(v2sf) =	vpush v6, $0xF;
	vm1 =	vlt.s32 v5, $0x7FF  }
0x4d: {  	v5 =	vnsel vm1, $0x7FF, v5  }
0x4e: {  	v5 =	vadd.s32 v0, v5  }
0x4f: {  	[tilespmem:$0x1020] =	vst v5  }
0x50: {  	v5 =	vld [tilespmem:s5+$0x30];
	_ =	sdelay $0x4  }
0x51: {  	vm1 =	veq.s32 v5, $0x1  }
0x52: {  	v5 =	vsel vm1, $0x1, v1  }
0x53: {  	(xrf0) =	vadd.scan.msk.s32 $0xffff, v5;
	_ =	sdelay $0x3  }
0x54: {  	s17 =	spop (v2sf)  }
0x55: {  	v5 =	vsel vm1, $0xFFFFFFFF, v1;
	s7 =	sadd.s32 s1, s17  }
0x56: {  	v5 =	vadd.s32 s7, v5;
	v6, _, _ =	vpop (xrf0)  }
0x57: {  	v5 =	vadd.s32 v6, v5  }
0x58: {  	vm1 =	vlt.s32 v5, $0x7FF  }
0x59: {  	v5 =	vnsel vm1, $0x7FF, v5  }
0x5a: {  	v5 =	vadd.s32 v0, v5  }
0x5b: {  	s18 =	rddreg [dreg:$0x7];
	[tilespmem:$0x1030] =	vst v5  }
0x5c: {  	v5 =	vld [tilespmem:s18+$0xFFFFFFF0];
	_ =	sdelay $0x3  }
0x5d: {  	(v2sf) =	vpush v6, $0xF  }
0x5e: {  	(v2sf) =	vpush v5, $0xF;
	_ =	sdelay $0xd  }
0x5f: {  	s8 =	spop (v2sf)  }
0x60: {  	s19 =	spop (v2sf)  }
0x61: {  	s1 =	simm.s32 $0x1;
	p1 =	seq.s32 s19, $0x1  }
0x62: {  	s1 =	simm.s32 @!p1 $0x0  }
0x63: {  	s0 =	ssub.s32 s0, s1  }
0x64: {  	p1 =	slt.s32 s0, $0x7FF  }
0x65: {  	s0 =	simm.s32 @!p1 $0x7FF  }
0x66: {  	s21 =	rddreg [dreg:$0x4];
	s0 =	simm.s32 @p0 $0x0  }
0x67: {  	s0 =	sadd.s32 s21, s0  }
0x68: {  	v5 =	vmov s0  }
0x69: {  	[tilespmem:$0x1800] =	vst v5  }
0x6a: {  	v5 =	vld.msk [tilespmem:$0x1800], $0xff;
	_ =	sdelay $0x4  }
0x6b: {  	v6 =	vshll.u32 v5, $0x3  }
0x6c: {  	v5 =	vand.u32 $0x7, v5;
	v6 =	vand.u32 $0xFFFFFFC0, v6  }
0x6d: {  	v5 =	vor.u32 v5, v6  }
0x6e: {  	v5 =	vperm.xlane v5, v2;
	_ =	sdelay $0x1  }
0x6f: {  	v5 =	vadd.s32 v3, v5;
	_ =	sdelay $0x3  }
0x70: {  	s22 =	simm.s32 $0x1880  }
0x71: {  	[tilespmem:s22], [sflag:$0x1] =	stream.indirect_vreg.gather [hbm4b:s2+s4], $0x80, v5, vm0, $0xb8;
	[tilespmem:$0x1F880] =	vst v63  }
0x72: {  	s26 =	simm.s32 $0x2080  }
0x73: {  	[tilespmem:s26], [sflag:$0x1] =	stream.indirect_vreg.gather [hbm4b:s11+s4], $0x80, v5, vm0, $0xb8;
	[tilespmem:$0x1F880] =	vst v63  }
0x74: {  	s28 =	simm.s32 $0x2880  }
0x75: {  	[tilespmem:s28], [sflag:$0x1] =	stream.indirect_vreg.gather [hbm4b:s12+s4], $0x80, v5, vm0, $0xb8;
	[tilespmem:$0x1F880] =	vst v63  }
0x76: {  	s29 =	simm.s32 $0x3080  }
0x77: {  	[tilespmem:s29], [sflag:$0x1] =	stream.indirect_vreg.gather [hbm4b:s13+s4], $0x80, v5, vm0, $0xb8;
	[tilespmem:$0x1F880] =	vst v63  }
0x78: {  	v5 =	vld [tilespmem:$0x1000];
	_ =	sdelay $0x4  }
0x79: {  	v6 =	vshll.u32 v5, $0x3  }
0x7a: {  	v5 =	vand.u32 $0x7, v5;
	v6 =	vand.u32 $0xFFFFFFC0, v6  }
0x7b: {  	v5 =	vor.u32 v5, v6  }
0x7c: {  	v6 =	vperm.xlane v5, v2;
	_ =	sdelay $0x1  }
0x7d: {  	v6 =	vadd.s32 v3, v6;
	_ =	sdelay $0x4  }
0x7e: {  	[tilespmem:s25], [sflag:$0x1] =	stream.indirect_vreg.gather [hbm4b:s2+s4], $0x80, v6, vm0, $0xb8;
	[tilespmem:$0x1F880] =	vst v63  }
0x7f: {  	s30 =	simm.s32 $0x4080;
	v5 =	vperm.xlane v5, v4  }
0x80: {  	[tilespmem:s30], [sflag:$0x1] =	stream.indirect_vreg.gather [hbm4b:s11+s4], $0x80, v6, vm0, $0xb8;
	[tilespmem:$0x1F880] =	vst v63  }
0x81: {  	s31 =	simm.s32 $0x4880;
	v5 =	vadd.s32 v3, v5  }
0x82: {  	[tilespmem:s31], [sflag:$0x1] =	stream.indirect_vreg.gather [hbm4b:s12+s4], $0x80, v6, vm0, $0xb8;
	[tilespmem:$0x1F880] =	vst v63  }
0x83: {  	s1 =	simm.s32 $0x5080  }
0x84: {  	[tilespmem:s1], [sflag:$0x1] =	stream.indirect_vreg.gather [hbm4b:s13+s4], $0x80, v6, vm0, $0xb8;
	[tilespmem:$0x1F880] =	vst v63  }
0x85: {  	s9 =	simm.s32 $0x5880  }
0x86: {  	[tilespmem:s9], [sflag:$0x1] =	stream.indirect_vreg.gather [hbm4b:s2+s4], $0x80, v5, vm0, $0xb8;
	[tilespmem:$0x1F880] =	vst v63  }
0x87: {  	s10 =	simm.s32 $0x6080  }
0x88: {  	[tilespmem:s10], [sflag:$0x1] =	stream.indirect_vreg.gather [hbm4b:s11+s4], $0x80, v5, vm0, $0xb8;
	[tilespmem:$0x1F880] =	vst v63  }
0x89: {  	s15 =	simm.s32 $0x6880  }
0x8a: {  	[tilespmem:s15], [sflag:$0x1] =	stream.indirect_vreg.gather [hbm4b:s12+s4], $0x80, v5, vm0, $0xb8;
	[tilespmem:$0x1F880] =	vst v63  }
0x8b: {  	s16 =	simm.s32 $0x7080  }
0x8c: {  	[tilespmem:s16], [sflag:$0x1] =	stream.indirect_vreg.gather [hbm4b:s13+s4], $0x80, v5, vm0, $0xb8;
	[tilespmem:$0x1F880] =	vst v63  }
0x8d: {  	v5 =	vld [tilespmem:$0x1010];
	_ =	sdelay $0x4  }
0x8e: {  	v6 =	vshll.u32 v5, $0x3  }
0x8f: {  	v5 =	vand.u32 $0x7, v5;
	v6 =	vand.u32 $0xFFFFFFC0, v6  }
0x90: {  	v5 =	vor.u32 v5, v6  }
0x91: {  	v6 =	vperm.xlane v5, v2;
	_ =	sdelay $0x1  }
0x92: {  	v6 =	vadd.s32 v3, v6;
	_ =	sdelay $0x3  }
0x93: {  	s17 =	simm.s32 $0x7880  }
0x94: {  	[tilespmem:s17], [sflag:$0x1] =	stream.indirect_vreg.gather [hbm4b:s2+s4], $0x80, v6, vm0, $0xb8;
	[tilespmem:$0x1F880] =	vst v63  }
0x95: {  	s18 =	simm.s32 $0x8080;
	v5 =	vperm.xlane v5, v4  }
0x96: {  	[tilespmem:s18], [sflag:$0x1] =	stream.indirect_vreg.gather [hbm4b:s11+s4], $0x80, v6, vm0, $0xb8;
	[tilespmem:$0x1F880] =	vst v63  }
0x97: {  	s19 =	simm.s32 $0x8880;
	v5 =	vadd.s32 v3, v5  }
0x98: {  	[tilespmem:s19], [sflag:$0x1] =	stream.indirect_vreg.gather [hbm4b:s12+s4], $0x80, v6, vm0, $0xb8;
	[tilespmem:$0x1F880] =	vst v63  }
0x99: {  	s21 =	simm.s32 $0x9080  }
0x9a: {  	[tilespmem:s21], [sflag:$0x1] =	stream.indirect_vreg.gather [hbm4b:s13+s4], $0x80, v6, vm0, $0xb8;
	[tilespmem:$0x1F880] =	vst v63  }
0x9b: {  	s22 =	simm.s32 $0x9880  }
0x9c: {  	[tilespmem:s22], [sflag:$0x1] =	stream.indirect_vreg.gather [hbm4b:s2+s4], $0x80, v5, vm0, $0xb8;
	[tilespmem:$0x1F880] =	vst v63  }
0x9d: {  	s26 =	simm.s32 $0xA080  }
0x9e: {  	[tilespmem:s26], [sflag:$0x1] =	stream.indirect_vreg.gather [hbm4b:s11+s4], $0x80, v5, vm0, $0xb8;
	[tilespmem:$0x1F880] =	vst v63  }
0x9f: {  	s28 =	simm.s32 $0xA880  }
0xa0: {  	[tilespmem:s28], [sflag:$0x1] =	stream.indirect_vreg.gather [hbm4b:s12+s4], $0x80, v5, vm0, $0xb8;
	[tilespmem:$0x1F880] =	vst v63  }
0xa1: {  	s29 =	simm.s32 $0xB080  }
0xa2: {  	[tilespmem:s29], [sflag:$0x1] =	stream.indirect_vreg.gather [hbm4b:s13+s4], $0x80, v5, vm0, $0xb8;
	[tilespmem:$0x1F880] =	vst v63  }
0xa3: {  	v5 =	vld [tilespmem:$0x1020];
	_ =	sdelay $0x4  }
0xa4: {  	v6 =	vshll.u32 v5, $0x3  }
0xa5: {  	v5 =	vand.u32 $0x7, v5;
	v6 =	vand.u32 $0xFFFFFFC0, v6  }
0xa6: {  	v5 =	vor.u32 v5, v6  }
0xa7: {  	v6 =	vperm.xlane v5, v2;
	_ =	sdelay $0x1  }
0xa8: {  	v6 =	vadd.s32 v3, v6;
	_ =	sdelay $0x4  }
0xa9: {  	[tilespmem:s14], [sflag:$0x1] =	stream.indirect_vreg.gather [hbm4b:s2+s4], $0x80, v6, vm0, $0xb8;
	[tilespmem:$0x1F880] =	vst v63  }
0xaa: {  	s30 =	simm.s32 $0xE080;
	v5 =	vperm.xlane v5, v4  }
0xab: {  	[tilespmem:s30], [sflag:$0x1] =	stream.indirect_vreg.gather [hbm4b:s11+s4], $0x80, v6, vm0, $0xb8;
	[tilespmem:$0x1F880] =	vst v63  }
0xac: {  	s31 =	simm.s32 $0xE880;
	v5 =	vadd.s32 v3, v5  }
0xad: {  	[tilespmem:s31], [sflag:$0x1] =	stream.indirect_vreg.gather [hbm4b:s12+s4], $0x80, v6, vm0, $0xb8;
	[tilespmem:$0x1F880] =	vst v63  }
0xae: {  	s1 =	simm.s32 $0xF080  }
0xaf: {  	[tilespmem:s1], [sflag:$0x1] =	stream.indirect_vreg.gather [hbm4b:s13+s4], $0x80, v6, vm0, $0xb8;
	[tilespmem:$0x1F880] =	vst v63  }
0xb0: {  	s9 =	simm.s32 $0xF880  }
0xb1: {  	[tilespmem:s9], [sflag:$0x1] =	stream.indirect_vreg.gather [hbm4b:s2+s4], $0x80, v5, vm0, $0xb8;
	[tilespmem:$0x1F880] =	vst v63  }
0xb2: {  	s10 =	simm.s32 $0x10080  }
0xb3: {  	[tilespmem:s10], [sflag:$0x1] =	stream.indirect_vreg.gather [hbm4b:s11+s4], $0x80, v5, vm0, $0xb8;
	[tilespmem:$0x1F880] =	vst v63  }
0xb4: {  	s15 =	simm.s32 $0x10880  }
0xb5: {  	[tilespmem:s15], [sflag:$0x1] =	stream.indirect_vreg.gather [hbm4b:s12+s4], $0x80, v5, vm0, $0xb8;
	[tilespmem:$0x1F880] =	vst v63  }
0xb6: {  	s16 =	simm.s32 $0x11080  }
0xb7: {  	[tilespmem:s16], [sflag:$0x1] =	stream.indirect_vreg.gather [hbm4b:s13+s4], $0x80, v5, vm0, $0xb8;
	[tilespmem:$0x1F880] =	vst v63  }
0xb8: {  	v5 =	vld [tilespmem:$0x1030];
	_ =	sdelay $0x4  }
0xb9: {  	v6 =	vshll.u32 v5, $0x3  }
0xba: {  	v5 =	vand.u32 $0x7, v5;
	v6 =	vand.u32 $0xFFFFFFC0, v6  }
0xbb: {  	v5 =	vor.u32 v5, v6  }
0xbc: {  	v6 =	vperm.xlane v5, v2;
	_ =	sdelay $0x1  }
0xbd: {  	v6 =	vadd.s32 v3, v6;
	_ =	sdelay $0x3  }
0xbe: {  	s17 =	simm.s32 $0x11880  }
0xbf: {  	[tilespmem:s17], [sflag:$0x1] =	stream.indirect_vreg.gather [hbm4b:s2+s4], $0x80, v6, vm0, $0xb8;
	[tilespmem:$0x1F880] =	vst v63  }
0xc0: {  	s18 =	simm.s32 $0x12080;
	v5 =	vperm.xlane v5, v4  }
0xc1: {  	[tilespmem:s18], [sflag:$0x1] =	stream.indirect_vreg.gather [hbm4b:s11+s4], $0x80, v6, vm0, $0xb8;
	[tilespmem:$0x1F880] =	vst v63  }
0xc2: {  	s19 =	simm.s32 $0x12880;
	v5 =	vadd.s32 v3, v5  }
0xc3: {  	[tilespmem:s19], [sflag:$0x1] =	stream.indirect_vreg.gather [hbm4b:s12+s4], $0x80, v6, vm0, $0xb8;
	[tilespmem:$0x1F880] =	vst v63  }
0xc4: {  	s21 =	simm.s32 $0x13080  }
0xc5: {  	[tilespmem:s21], [sflag:$0x1] =	stream.indirect_vreg.gather [hbm4b:s13+s4], $0x80, v6, vm0, $0xb8;
	[tilespmem:$0x1F880] =	vst v63  }
0xc6: {  	s22 =	simm.s32 $0x13880;
	s30 =	simm.s32 $0x40  }
0xc7: {  	[tilespmem:s22], [sflag:$0x1] =	stream.indirect_vreg.gather [hbm4b:s2+s4], $0x80, v5, vm0, $0xb8;
	[tilespmem:$0x1F880] =	vst v63  }
0xc8: {  	s26 =	simm.s32 $0x14080;
	s31 =	sand.u32 $0x380, s30  }
0xc9: {  	[tilespmem:s26], [sflag:$0x1] =	stream.indirect_vreg.gather [hbm4b:s11+s4], $0x80, v5, vm0, $0xb8;
	[tilespmem:$0x1F880] =	vst v63  }
0xca: {  	s28 =	simm.s32 $0x14880;
	s0 =	sand.u32 $0x70, s30;
	s1 =	sadd.s32 s31, s5  }
0xcb: {  	[tilespmem:s28], [sflag:$0x1] =	stream.indirect_vreg.gather [hbm4b:s12+s4], $0x80, v5, vm0, $0xb8;
	[tilespmem:$0x1F880] =	vst v63  }
0xcc: {  	s29 =	simm.s32 $0x15080;
	s0 =	sadd.s32 s0, s1  }
0xcd: {  	[tilespmem:s29], [sflag:$0x1] =	stream.indirect_vreg.gather [hbm4b:s13+s4], $0x80, v5, vm0, $0xb8;
	[tilespmem:$0x1F880] =	vst v63  }
0xce: {  	v5 =	vld [tilespmem:s0+$0x0];
	_ =	sdelay $0x4  }
0xcf: {  	vm1 =	veq.s32 v5, $0x1  }
0xd0: {  	v5 =	vsel vm1, $0x1, v1  }
0xd1: {  	(xrf0) =	vadd.scan.msk.s32 $0xffff, v5;
	_ =	sdelay $0x4  }
0xd2: {  	s0 =	sadd.s32 s7, s8;
	v5 =	vsel vm1, $0xFFFFFFFF, v1  }
0xd3: {  	v5 =	vadd.s32 s0, v5;
	v6, _, _ =	vpop (xrf0)  }
0xd4: {  	v5 =	vadd.s32 v6, v5;
	(v2sf) =	vpush v6, $0xF  }
0xd5: {  	s7 =	simm.s32 $0x50;
	vm1 =	vlt.s32 v5, $0x7FF  }
0xd6: {  	s1 =	simm.s32 $0x1040;
	s8 =	simm.s32 $0x60;
	s9 =	sand.u32 $0x380, s7;
	v5 =	vnsel vm1, $0x7FF, v5  }
.LBB2_6:
0xd7: {  	p1 =	sne.s32 s8, $0x3F0;
	s7 =	sand.u32 $0x70, s7;
	s9 =	sadd.s32 s9, s5;
	v5 =	vadd.s32 v0, v5  }
0xd8: {  	s9 =	sadd.s32 s7, s9;
	[tilespmem:s1+$0x0] =	vst v5;
	s7 =	smov.u32 s8  }
0xd9: {  	v5 =	vld [tilespmem:s9+$0x0];
	_ =	sdelay $0x4  }
0xda: {  	vm1 =	veq.s32 v5, $0x1  }
0xdb: {  	v5 =	vsel vm1, $0xFFFFFFFF, v1;
	v6 =	vsel vm1, $0x1, v1  }
0xdc: {  	(xrf0) =	vadd.scan.msk.s32 $0xffff, v6;
	_ =	sdelay $0x2  }
0xdd: {  	s9 =	spop (v2sf)  }
0xde: {  	s0 =	sadd.s32 s0, s9  }
.Ltmp3:
0xdf: {  	v5 =	vadd.s32 s0, v5;
	(pc) =	sbr.rel @p1 .LBB2_6-.Ltmp3, $4  }
0xe0: {  	v6, _, _ =	vpop (xrf0)  }
0xe1: {  	v5 =	vadd.s32 v6, v5;
	(v2sf) =	vpush v6, $0xF  }
0xe2: {  	vm1 =	vlt.s32 v5, $0x7FF  }
0xe3: {  	s8 =	sadd.s32 $0x10, s8;
	s1 =	sadd.s32 $0x10, s1;
	s9 =	sand.u32 $0x380, s7;
	v5 =	vnsel vm1, $0x7FF, v5  }
0xe4: {  	s7 =	sand.u32 $0x70, s7;
	s8 =	sadd.s32 s9, s5;
	v5 =	vadd.s32 v0, v5  }
0xe5: {  	s7 =	sadd.s32 s7, s8;
	[tilespmem:s1+$0x0] =	vst v5  }
0xe6: {  	v5 =	vld [tilespmem:s7+$0x0];
	_ =	sdelay $0x4  }
0xe7: {  	vm1 =	veq.s32 v5, $0x1  }
0xe8: {  	v5 =	vsel vm1, $0x1, v1  }
0xe9: {  	(xrf0) =	vadd.scan.msk.s32 $0xffff, v5;
	_ =	sdelay $0x3  }
0xea: {  	s26 =	spop (v2sf)  }
0xeb: {  	v5 =	vsel vm1, $0xFFFFFFFF, v1;
	s0 =	sadd.s32 s0, s26  }
0xec: {  	v5 =	vadd.s32 s0, v5;
	v6, _, _ =	vpop (xrf0)  }
0xed: {  	v5 =	vadd.s32 v6, v5  }
0xee: {  	vm1 =	vlt.s32 v5, $0x7FF  }
0xef: {  	v5 =	vnsel vm1, $0x7FF, v5  }
0xf0: {  	s28 =	sadd.s32 $0x10, s1;
	v5 =	vadd.s32 v0, v5  }
0xf1: {  	s29 =	simm.s32 $0x0;
	[tilespmem:s28+$0x0] =	vst v5  }
0xf2: {  	v7 =	vld [tilespmem:s29+$0x1400];
	_ =	sdelay $0x3  }
0xf3: {  	(v2sf) =	vpush v6, $0xF  }
0xf4: {  	(v2sf) =	vpush v7, $0x0  }
0xf5: {  	(v2sf) =	vpush v7, $0x1  }
0xf6: {  	(v2sf) =	vpush v7, $0x2  }
0xf7: {  	(v2sf) =	vpush v7, $0x3  }
0xf8: {  	(v2sf) =	vpush v7, $0x4  }
0xf9: {  	(v2sf) =	vpush v7, $0x5  }
0xfa: {  	(v2sf) =	vpush v7, $0x6  }
0xfb: {  	(v2sf) =	vpush v7, $0x7  }
0xfc: {  	(v2sf) =	vpush v7, $0x8  }
0xfd: {  	(v2sf) =	vpush v7, $0x9  }
0xfe: {  	(v2sf) =	vpush v7, $0xA  }
0xff: {  	s7 =	simm.s32 $0x10;
	(v2sf) =	vpush v7, $0xB  }
0x100: {  	v5 =	vld [tilespmem:s7+$0x1400];
	(v2sf) =	vpush v7, $0xC  }
0x101: {  	(v2sf) =	vpush v7, $0xD  }
0x102: {  	s30 =	spop (v2sf);
	(v2sf) =	vpush v7, $0xE  }
0x103: {  	s9 =	simm.s32 $0x1;
	s15 =	simm.s32 $0x2;
	s31 =	spop (v2sf);
	(v2sf) =	vpush v7, $0xF  }
0x104: {  	s17 =	simm.s32 $0x3;
	[smem:s29] =	sst s31;
	s10 =	spop (v2sf)  }
0x105: {  	s19 =	simm.s32 $0x4;
	(v2sf) =	vpush v5, $0x0;
	[smem:s9] =	sst s10;
	s16 =	spop (v2sf)  }
0x106: {  	s22 =	simm.s32 $0x5;
	(v2sf) =	vpush v5, $0x1;
	[smem:s15] =	sst s16;
	s18 =	spop (v2sf)  }
0x107: {  	s8 =	simm.s32 $0xC0;
	(v2sf) =	vpush v5, $0x2;
	[smem:s17] =	sst s18;
	s21 =	spop (v2sf)  }
0x108: {  	s1 =	simm.s32 $0xD;
	(v2sf) =	vpush v5, $0x3;
	[smem:s19] =	sst s21;
	s26 =	spop (v2sf)  }
0x109: {  	s28 =	simm.s32 $0x6;
	(v2sf) =	vpush v5, $0x4;
	[smem:s22] =	sst s26;
	s29 =	spop (v2sf)  }
0x10a: {  	s30 =	simm.s32 $0x7;
	(v2sf) =	vpush v5, $0x5;
	[smem:s28] =	sst s29;
	s31 =	spop (v2sf)  }
0x10b: {  	s10 =	simm.s32 $0x8;
	(v2sf) =	vpush v5, $0x6;
	[smem:s30] =	sst s31;
	s15 =	spop (v2sf)  }
0x10c: {  	s16 =	simm.s32 $0x9;
	(v2sf) =	vpush v5, $0x7;
	[smem:s10] =	sst s15;
	s17 =	spop (v2sf)  }
0x10d: {  	s18 =	simm.s32 $0xA;
	(v2sf) =	vpush v5, $0x8;
	[smem:s16] =	sst s17;
	s19 =	spop (v2sf)  }
0x10e: {  	s21 =	simm.s32 $0xB;
	(v2sf) =	vpush v5, $0x9;
	[smem:s18] =	sst s19;
	s22 =	spop (v2sf)  }
0x10f: {  	s26 =	simm.s32 $0xC;
	(v2sf) =	vpush v5, $0xA;
	[smem:s21] =	sst s22;
	s28 =	spop (v2sf)  }
0x110: {  	s9 =	simm.s32 $0x20;
	(v2sf) =	vpush v5, $0xB;
	[smem:s26] =	sst s28;
	s29 =	spop (v2sf)  }
0x111: {  	s30 =	simm.s32 $0xE;
	(v2sf) =	vpush v5, $0xC;
	[smem:s1] =	sst s29;
	s31 =	spop (v2sf)  }
0x112: {  	s0 =	simm.s32 $0xF;
	v6 =	vld [tilespmem:s9+$0x1400];
	(v2sf) =	vpush v5, $0xD;
	[smem:s30] =	sst s31;
	s1 =	spop (v2sf)  }
.LBB2_8:
0x113: {  	p1 =	sne.s32 s8, $0xFC0;
	[smem:s0] =	sst s1;
	s1 =	smov.u32 s8  }
0x114: {  	(v2sf) =	vpush v5, $0xE;
	s8 =	sadd.s32 $0x40, s8;
	s10 =	smov.u32 s7;
	s7 =	smov.u32 s9  }
0x115: {  	s15 =	sadd.s32 $0xD, s10;
	s0 =	spop (v2sf);
	(v2sf) =	vpush v5, $0xF  }
0x116: {  	[smem:s10] =	sst s0;
	s0 =	sadd.s32 $0x1, s10;
	s9 =	spop (v2sf)  }
0x117: {  	(v2sf) =	vpush v6, $0x0;
	[smem:s0] =	sst s9;
	s0 =	sadd.s32 $0x2, s10;
	s9 =	spop (v2sf);
	v5 =	vmov v6  }
0x118: {  	(v2sf) =	vpush v5, $0x1;
	[smem:s0] =	sst s9;
	s0 =	sadd.s32 $0x3, s10;
	s9 =	spop (v2sf)  }
0x119: {  	(v2sf) =	vpush v5, $0x2;
	[smem:s0] =	sst s9;
	s0 =	sadd.s32 $0x4, s10;
	s9 =	spop (v2sf)  }
0x11a: {  	(v2sf) =	vpush v5, $0x3;
	[smem:s0] =	sst s9;
	s0 =	sadd.s32 $0x5, s10;
	s9 =	spop (v2sf)  }
0x11b: {  	(v2sf) =	vpush v5, $0x4;
	[smem:s0] =	sst s9;
	s0 =	sadd.s32 $0x6, s10;
	s9 =	spop (v2sf)  }
0x11c: {  	(v2sf) =	vpush v5, $0x5;
	[smem:s0] =	sst s9;
	s0 =	sadd.s32 $0x7, s10;
	s9 =	spop (v2sf)  }
0x11d: {  	s16 =	sadd.s32 $0x8, s10;
	(v2sf) =	vpush v5, $0x6;
	[smem:s0] =	sst s9;
	s0 =	spop (v2sf)  }
0x11e: {  	(v2sf) =	vpush v5, $0x7;
	[smem:s16] =	sst s0;
	s0 =	sadd.s32 $0x9, s10;
	s9 =	spop (v2sf)  }
0x11f: {  	(v2sf) =	vpush v5, $0x8;
	[smem:s0] =	sst s9;
	s0 =	sadd.s32 $0xA, s10;
	s9 =	spop (v2sf)  }
0x120: {  	[smem:s0] =	sst s9  }
.Ltmp4:
0x121: {  	(v2sf) =	vpush v5, $0x9;
	s0 =	sadd.s32 $0xB, s10;
	s9 =	spop (v2sf);
	(pc) =	sbr.rel @p1 .LBB2_8-.Ltmp4, $4  }
0x122: {  	(v2sf) =	vpush v5, $0xA;
	[smem:s0] =	sst s9;
	s0 =	sadd.s32 $0xC, s10;
	s16 =	spop (v2sf)  }
0x123: {  	s9 =	sshra.s32 s1, $0x2;
	(v2sf) =	vpush v5, $0xB;
	[smem:s0] =	sst s16;
	s0 =	spop (v2sf)  }
0x124: {  	v6 =	vld [tilespmem:s9+$0x1400];
	(v2sf) =	vpush v5, $0xC;
	[smem:s15] =	sst s0;
	s0 =	sadd.s32 $0xE, s10;
	s1 =	spop (v2sf)  }
0x125: {  	(v2sf) =	vpush v5, $0xD;
	[smem:s0] =	sst s1;
	s0 =	sadd.s32 $0xF, s10;
	s1 =	spop (v2sf)  }
0x126: {  	_ = 	snop  }
0x127: {  	(v2sf) =	vpush v5, $0xE  }
0x128: {  	[smem:s0] =	sst s1;
	s1 =	spop (v2sf);
	(v2sf) =	vpush v5, $0xF  }
0x129: {  	s8 =	sadd.s32 $0x1, s7;
	[smem:s7] =	sst s1;
	s10 =	spop (v2sf);
	(v2sf) =	vpush v6, $0x0  }
0x12a: {  	s15 =	sadd.s32 $0x2, s7;
	[smem:s8] =	sst s10;
	s16 =	spop (v2sf);
	(v2sf) =	vpush v6, $0x1  }
0x12b: {  	s17 =	sadd.s32 $0x3, s7;
	[smem:s15] =	sst s16;
	s18 =	spop (v2sf);
	(v2sf) =	vpush v6, $0x2  }
0x12c: {  	s19 =	sadd.s32 $0x4, s7;
	[smem:s17] =	sst s18;
	s21 =	spop (v2sf);
	(v2sf) =	vpush v6, $0x3  }
0x12d: {  	s22 =	sadd.s32 $0x5, s7;
	[smem:s19] =	sst s21;
	s26 =	spop (v2sf);
	(v2sf) =	vpush v6, $0x4  }
0x12e: {  	s28 =	sadd.s32 $0x6, s7;
	[smem:s22] =	sst s26;
	s29 =	spop (v2sf);
	(v2sf) =	vpush v6, $0x5  }
0x12f: {  	s30 =	sadd.s32 $0x7, s7;
	[smem:s28] =	sst s29;
	s31 =	spop (v2sf);
	(v2sf) =	vpush v6, $0x6  }
0x130: {  	s8 =	sadd.s32 $0x8, s7;
	[smem:s30] =	sst s31;
	s1 =	spop (v2sf);
	(v2sf) =	vpush v6, $0x7  }
0x131: {  	[smem:s8] =	sst s1;
	s8 =	sadd.s32 $0x9, s7;
	s10 =	spop (v2sf);
	(v2sf) =	vpush v6, $0x8  }
0x132: {  	s15 =	sadd.s32 $0xA, s7;
	[smem:s8] =	sst s10;
	s16 =	spop (v2sf);
	(v2sf) =	vpush v6, $0x9  }
0x133: {  	s17 =	sadd.s32 $0xB, s7;
	[smem:s15] =	sst s16;
	s18 =	spop (v2sf);
	(v2sf) =	vpush v6, $0xA  }
0x134: {  	s19 =	sadd.s32 $0xC, s7;
	[smem:s17] =	sst s18;
	s21 =	spop (v2sf);
	(v2sf) =	vpush v6, $0xB  }
0x135: {  	s22 =	sadd.s32 $0xD, s7;
	[smem:s19] =	sst s21;
	s26 =	spop (v2sf);
	(v2sf) =	vpush v6, $0xC  }
0x136: {  	s28 =	sadd.s32 $0xE, s7;
	[smem:s22] =	sst s26;
	s29 =	spop (v2sf);
	(v2sf) =	vpush v6, $0xD  }
0x137: {  	s30 =	sadd.s32 $0xF, s7;
	[smem:s28] =	sst s29;
	s31 =	spop (v2sf);
	(v2sf) =	vpush v6, $0xE  }
0x138: {  	[smem:s30] =	sst s31;
	s1 =	spop (v2sf);
	(v2sf) =	vpush v6, $0xF  }
0x139: {  	s7 =	sadd.s32 $0x1, s9;
	[smem:s9] =	sst s1;
	s8 =	spop (v2sf)  }
0x13a: {  	s10 =	sadd.s32 $0x2, s9;
	[smem:s7] =	sst s8;
	s15 =	spop (v2sf)  }
0x13b: {  	s16 =	sadd.s32 $0x3, s9;
	[smem:s10] =	sst s15;
	s17 =	spop (v2sf)  }
0x13c: {  	s18 =	sadd.s32 $0x4, s9;
	[smem:s16] =	sst s17;
	s19 =	spop (v2sf)  }
0x13d: {  	s21 =	sadd.s32 $0x5, s9;
	[smem:s18] =	sst s19;
	s22 =	spop (v2sf)  }
0x13e: {  	s26 =	sadd.s32 $0x6, s9;
	[smem:s21] =	sst s22;
	s28 =	spop (v2sf)  }
0x13f: {  	s29 =	sadd.s32 $0x7, s9;
	[smem:s26] =	sst s28;
	s30 =	spop (v2sf)  }
0x140: {  	s31 =	sadd.s32 $0x8, s9;
	[smem:s29] =	sst s30;
	s1 =	spop (v2sf)  }
0x141: {  	s8 =	sadd.s32 $0x9, s9;
	[smem:s31] =	sst s1;
	s10 =	spop (v2sf)  }
0x142: {  	s15 =	sadd.s32 $0xA, s9;
	[smem:s8] =	sst s10;
	s16 =	spop (v2sf)  }
0x143: {  	s17 =	sadd.s32 $0xB, s9;
	[smem:s15] =	sst s16;
	s18 =	spop (v2sf)  }
0x144: {  	s19 =	sadd.s32 $0xC, s9;
	[smem:s17] =	sst s18;
	s21 =	spop (v2sf)  }
0x145: {  	s22 =	sadd.s32 $0xD, s9;
	[smem:s19] =	sst s21;
	s26 =	spop (v2sf)  }
0x146: {  	s28 =	sadd.s32 $0xE, s9;
	[smem:s22] =	sst s26;
	s29 =	spop (v2sf)  }
0x147: {  	s30 =	sadd.s32 $0xF, s9;
	[smem:s28] =	sst s29;
	s31 =	spop (v2sf)  }
0x148: {  	[smem:s30] =	sst s31  }
0x149: {  	s9 =	simm.s32 $0x20;
	_ =	swait.ge [sflag:s20], $0x2000  }
0x14a: {  	s8 =	simm.s32 $0x0;
	s10 =	simm.s32 $0x40;
	[sflag:s20] =	ssyncset.done $0x0  }
0x14b: {  	s15 =	simm.s32 $0x0;
	s16 =	simm.s32 $0x0;
	[sflag:s20] =	ssyncadd.s32 $0xFFFFE000  }
.LBB2_10:
0x14c: {  	_ =	swait.ge [sflag:s20], $0x8000  }
0x14d: {  	s1 =	sand.u32 $0x70, s8;
	s7 =	sand.u32 $0x1C00, s8;
	[sflag:s20] =	ssyncset.done $0x0  }
0x14e: {  	s1 =	sor.u32 s1, s7;
	[sflag:s20] =	ssyncadd.s32 $0xFFFF8000  }
0x14f: {  	s0 =	simm.s32 $0x10;
	v5 =	vld [tilespmem:s1+$0x9C00]  }
0x150: {  	s17 =	simm.s32 $0x0;
	s7 =	simm.s32 $0x0;
	s1 =	simm.s32 $0x80  }
.LBB2_11:
0x151: {  	s18 =	sand.u32 $0x70, s0;
	s19 =	sand.u32 $0x1C00, s1;
	s21 =	sor.u32 s17, s7  }
0x152: {  	s7 =	smov.u32 s0;
	s17 =	smov.u32 s1;
	p1 =	seq.s32 s0, $0x3F0  }
.Ltmp5:
0x153: {  	s0 =	sadd.s32 $0x10, s0;
	s21 =	sor.u32 $0x380, s21;
	(pc) =	sbr.rel @!p1 .LBB2_11-.Ltmp5, $3  }
0x154: {  	s18 =	sor.u32 s18, s19;
	[tilespmem:s21+$0xB880] =	vst v5  }
0x155: {  	v5 =	vld [tilespmem:s18+$0x9C00];
	_ =	sdelay $0x1  }
0x156: {  	s1 =	sadd.s32 $0x80, s1  }
0x157: {  	s0 =	sor.u32 s17, s7  }
0x158: {  	s17 =	smul.u32 $0x60, s16;
	s0 =	sor.u32 $0x380, s0  }
0x159: {  	s7 =	simm.s32 $0x0;
	s18 =	simm.s32 $0x0;
	s26 =	simm.s32 $0x0;
	[tilespmem:s0+$0xB880] =	vst v5  }
.LBB2_13:
0x15a: {  	s0 =	sshll.u32 s18, $0x2;
	s1 =	sand.u32 $0x7, s7;
	s19 =	sshll.u32 s26, $0x4  }
0x15b: {  	s21 =	sshll.u32 s26, $0x7;
	s0 =	sand.u32 $0xFFFFF000, s0;
	s1 =	sshll.u32 s1, $0x6  }
0x15c: {  	s19 =	sor.u32 s21, s19;
	s0 =	sor.u32 s1, s0  }
0x15d: {  	s1 =	sor.u32 $0x380, s19;
	s0 =	sshrl.u32 s0, $0x2  }
0x15e: {  	v11 =	vld [tilespmem:s1+$0x1880];
	s28 =	sadd.s32 $0x3C00, s0  }
0x15f: {  	v6 =	vld [tilespmem:s28+$0xFFFFFC80];
	_ =	sdelay $0x2  }
0x160: {  	s21 =	simm.s32 $0x0;
	v10 =	vld [tilespmem:s28+$0xFFFFFD00]  }
0x161: {  	s22 =	sld [smem:s15+s21];
	v9 =	vld [tilespmem:s28+$0xFFFFFD80]  }
0x162: {  	s29 =	sadd.s32 $0x0, s15;
	v8 =	vld [tilespmem:s28+$0xFFFFFE00];
	v7 =	vsub.f32 v6, v11  }
0x163: {  	s19 =	sld [smem:s29+$0x1];
	v5 =	vld [tilespmem:s28+$0xFFFFFE80]  }
0x164: {  	s21 =	sld [smem:s29+$0x4];
	v12 =	vmul.f32 s22, v7  }
0x165: {  	v13 =	vsub.f32 v10, v6;
	s22 =	sld [smem:s29+$0x2];
	v7 =	vld [tilespmem:s28+$0xFFFFFF00]  }
0x166: {  	s0 =	sld [smem:s29+$0x3];
	v16 =	vsub.f32 v9, v10;
	v15 =	vadd.f32 v12, v11;
	v11 =	vld [tilespmem:s28+$0xFFFFFF80]  }
0x167: {  	s1 =	sld [smem:s29+$0x5];
	v14 =	vsub.f32 v8, v9;
	v13 =	vmul.f32 s19, v13;
	v12 =	vld [tilespmem:s28+$0x0]  }
0x168: {  	s30 =	simm.s32 $0x20;
	s31 =	sadd.s32 $0x2000, s28;
	s19 =	sld [smem:s29+$0x6];
	[tilespmem:s28+$0xFFFFFC80] =	vst v15;
	v15 =	vmul.f32 s22, v16;
	v16 =	vsub.f32 v5, v8  }
.LBB2_14:
0x169: {  	p1 =	sne.s32 s30, $0x60;
	v13 =	vadd.f32 v13, v6;
	v6 =	vld [tilespmem:s31+$0xFFFFFC80];
	v14 =	vmul.f32 s0, v14;
	s0 =	smov.u32 s30;
	s30 =	sadd.s32 $0x20, s30  }
0x16a: {  	v15 =	vadd.f32 v15, v10;
	v16 =	vmul.f32 s21, v16;
	v17 =	vsub.f32 v7, v5;
	s21 =	sld [smem:s29+$0x7]  }
0x16b: {  	[tilespmem:s28+$0xFFFFFD00] =	vst v13;
	v13 =	vadd.f32 v14, v9;
	v14 =	vsub.f32 v11, v7  }
0x16c: {  	s0 =	sshra.s32 s0, $0x2;
	v10 =	vld [tilespmem:s31+$0xFFFFFD00];
	[tilespmem:s28+$0xFFFFFD80] =	vst v15;
	v15 =	vadd.f32 v16, v8;
	v16 =	vmul.f32 s1, v17;
	v17 =	vsub.f32 v12, v11  }
0x16d: {  	s29 =	sadd.s32 s0, s15;
	s1 =	sld [smem:s15+s0];
	v9 =	vld [tilespmem:s31+$0xFFFFFD80];
	[tilespmem:s28+$0xFFFFFE00] =	vst v13;
	v13 =	vmul.f32 s19, v14  }
0x16e: {  	v14 =	vsub.f32 v6, v12;
	s0 =	sld [smem:s29+$0x3];
	v8 =	vld [tilespmem:s31+$0xFFFFFE00];
	[tilespmem:s28+$0xFFFFFE80] =	vst v15;
	v15 =	vadd.f32 v16, v5;
	v16 =	vmul.f32 s21, v17  }
0x16f: {  	s22 =	sld [smem:s29+$0x2];
	v5 =	vld [tilespmem:s31+$0xFFFFFE80];
	v13 =	vadd.f32 v13, v7  }
.Ltmp6:
0x170: {  	v14 =	vmul.f32 s1, v14;
	s19 =	sld [smem:s29+$0x1];
	[tilespmem:s28+$0xFFFFFF00] =	vst v15;
	v15 =	vadd.f32 v16, v11;
	(pc) =	sbr.rel @p1 .LBB2_14-.Ltmp6, $4  }
0x171: {  	v16 =	vsub.f32 v10, v6;
	s1 =	sld [smem:s29+$0x5];
	v7 =	vld [tilespmem:s31+$0xFFFFFF00];
	[tilespmem:s28+$0xFFFFFF80] =	vst v13  }
0x172: {  	v17 =	vadd.f32 v14, v12;
	v18 =	vsub.f32 v9, v10;
	s21 =	sld [smem:s29+$0x4];
	v11 =	vld [tilespmem:s31+$0xFFFFFF80];
	[tilespmem:s28+$0x0] =	vst v15;
	s28 =	smov.u32 s31  }
0x173: {  	v13 =	vmul.f32 s19, v16;
	v14 =	vsub.f32 v8, v9;
	s19 =	sld [smem:s29+$0x6];
	v12 =	vld [tilespmem:s31+$0x0]  }
0x174: {  	s31 =	sadd.s32 $0x2000, s31;
	[tilespmem:s28+$0xFFFFFC80] =	vst v17;
	v15 =	vmul.f32 s22, v18;
	v16 =	vsub.f32 v5, v8  }
0x175: {  	_ = 	snop  }
0x176: {  	v6 =	vadd.f32 v13, v6;
	v58 =	vmul.f32 s0, v14;
	v59 =	vsub.f32 v7, v5  }
0x177: {  	s31 =	sld [smem:s29+$0x7];
	v10 =	vadd.f32 v15, v10;
	v60 =	vmul.f32 s21, v16;
	v61 =	vsub.f32 v11, v7  }
0x178: {  	s26 =	sadd.s32 $0x1, s26;
	[tilespmem:s28+$0xFFFFFD00] =	vst v6;
	v6 =	vadd.f32 v58, v9;
	v62 =	vmul.f32 s1, v59;
	v12 =	vsub.f32 v12, v11  }
0x179: {  	p1 =	sne.s32 s26, $0x40;
	[tilespmem:s28+$0xFFFFFD80] =	vst v10;
	v8 =	vadd.f32 v60, v8;
	v63 =	vmul.f32 s19, v61  }
.Ltmp7:
0x17a: {  	[tilespmem:s28+$0xFFFFFE00] =	vst v6;
	v5 =	vadd.f32 v62, v5;
	v6 =	vmul.f32 s31, v12;
	(pc) =	sbr.rel @p1 .LBB2_13-.Ltmp7, $4  }
0x17b: {  	[tilespmem:s28+$0xFFFFFE80] =	vst v8;
	v7 =	vadd.f32 v63, v7  }
0x17c: {  	[tilespmem:s28+$0xFFFFFF00] =	vst v5;
	v5 =	vadd.f32 v6, v11  }
0x17d: {  	[tilespmem:s28+$0xFFFFFF80] =	vst v7  }
0x17e: {  	s18 =	sadd.s32 $0x80, s18;
	s7 =	sadd.s32 $0x1, s7;
	[tilespmem:s28+$0x0] =	vst v5  }
0x17f: {  	s0 =	sadd.s32 s6, s17  }
0x180: {  	p1 =	seq.s32 s16, $0x0;
	s0 =	sshll.u32 s0, $0x7  }
0x181: {  	s21 =	smul.u32 $0x3, s16;
	s1 =	simm.s32 @!p1 $0x2;
	s0 =	sadd.s32 s3, s0  }
0x182: {  	[hbm4b:s0+s4] =	stream.linear.scatter [tilespmem:s25], [sflag:$0x2], $0x8000, $0x38;
	[tilespmem:$0x1F880] =	vst v63  }
0x183: {  	s0 =	sadd.s32 $0x2, s21;
	_ =	swait.ge @!p1 [sflag:s1], $0x8000  }
0x184: {  	s7 =	sshll.u32 s0, $0x5;
	[sflag:s1] =	ssyncset.done @!p1 $0x0  }
0x185: {  	s22 =	sand.u32 $0x3FFFFFE0, s7;
	[sflag:s1] =	ssyncadd.s32 @!p1 $0xFFFF8000  }
0x186: {  	v5 =	vld [tilespmem:s22+$0x1000];
	_ =	sdelay $0x4  }
0x187: {  	v6 =	vshll.u32 v5, $0x3  }
0x188: {  	v5 =	vand.u32 $0x7, v5;
	v6 =	vand.u32 $0xFFFFFFC0, v6  }
0x189: {  	v5 =	vor.u32 v5, v6  }
0x18a: {  	v6 =	vperm.xlane v5, v2;
	_ =	sdelay $0x1  }
0x18b: {  	v6 =	vadd.s32 v3, v6;
	_ =	sdelay $0x3  }
0x18c: {  	s0 =	simm.s32 $0x0  }
0x18d: {  	[tilespmem:s23], [sflag:$0x1] =	stream.indirect_vreg.gather [hbm4b:s2+s0], $0x80, v6, vm0, $0xb8;
	[tilespmem:$0x1F880] =	vst v63  }
0x18e: {  	s18 =	simm.s32 $0x18080;
	v5 =	vperm.xlane v5, v4  }
0x18f: {  	[tilespmem:s18], [sflag:$0x1] =	stream.indirect_vreg.gather [hbm4b:s11+s0], $0x80, v6, vm0, $0xb8;
	[tilespmem:$0x1F880] =	vst v63  }
0x190: {  	v5 =	vadd.s32 v3, v5;
	s23 =	simm.s32 $0x18880  }
0x191: {  	[tilespmem:s23], [sflag:$0x1] =	stream.indirect_vreg.gather [hbm4b:s12+s0], $0x80, v6, vm0, $0xb8;
	[tilespmem:$0x1F880] =	vst v63  }
0x192: {  	s26 =	simm.s32 $0x19080  }
0x193: {  	[tilespmem:s26], [sflag:$0x1] =	stream.indirect_vreg.gather [hbm4b:s13+s0], $0x80, v6, vm0, $0xb8;
	[tilespmem:$0x1F880] =	vst v63  }
0x194: {  	s28 =	simm.s32 $0x19880  }
0x195: {  	[tilespmem:s28], [sflag:$0x1] =	stream.indirect_vreg.gather [hbm4b:s2+s0], $0x80, v5, vm0, $0xb8;
	[tilespmem:$0x1F880] =	vst v63  }
0x196: {  	s29 =	simm.s32 $0x1A080  }
0x197: {  	[tilespmem:s29], [sflag:$0x1] =	stream.indirect_vreg.gather [hbm4b:s11+s0], $0x80, v5, vm0, $0xb8;
	[tilespmem:$0x1F880] =	vst v63  }
0x198: {  	s30 =	simm.s32 $0x1A880  }
0x199: {  	[tilespmem:s30], [sflag:$0x1] =	stream.indirect_vreg.gather [hbm4b:s12+s0], $0x80, v5, vm0, $0xb8;
	[tilespmem:$0x1F880] =	vst v63  }
0x19a: {  	s31 =	simm.s32 $0x1B080  }
0x19b: {  	[tilespmem:s31], [sflag:$0x1] =	stream.indirect_vreg.gather [hbm4b:s13+s0], $0x80, v5, vm0, $0xb8;
	[tilespmem:$0x1F880] =	vst v63  }
0x19c: {  	v5 =	vld [tilespmem:s22+$0x1010];
	_ =	sdelay $0x4  }
0x19d: {  	v6 =	vshll.u32 v5, $0x3  }
0x19e: {  	v5 =	vand.u32 $0x7, v5;
	v6 =	vand.u32 $0xFFFFFFC0, v6  }
0x19f: {  	v5 =	vor.u32 v5, v6  }
0x1a0: {  	v6 =	vperm.xlane v5, v2;
	_ =	sdelay $0x1  }
0x1a1: {  	v6 =	vadd.s32 v3, v6;
	_ =	sdelay $0x3  }
0x1a2: {  	s18 =	simm.s32 $0x1B880  }
0x1a3: {  	[tilespmem:s18], [sflag:$0x1] =	stream.indirect_vreg.gather [hbm4b:s2+s0], $0x80, v6, vm0, $0xb8;
	[tilespmem:$0x1F880] =	vst v63  }
0x1a4: {  	s19 =	simm.s32 $0x1C080;
	v5 =	vperm.xlane v5, v4  }
0x1a5: {  	[tilespmem:s19], [sflag:$0x1] =	stream.indirect_vreg.gather [hbm4b:s11+s0], $0x80, v6, vm0, $0xb8;
	[tilespmem:$0x1F880] =	vst v63  }
0x1a6: {  	s21 =	simm.s32 $0x1C880;
	v5 =	vadd.s32 v3, v5  }
0x1a7: {  	[tilespmem:s21], [sflag:$0x1] =	stream.indirect_vreg.gather [hbm4b:s12+s0], $0x80, v6, vm0, $0xb8;
	[tilespmem:$0x1F880] =	vst v63  }
0x1a8: {  	s22 =	simm.s32 $0x1D080  }
0x1a9: {  	[tilespmem:s22], [sflag:$0x1] =	stream.indirect_vreg.gather [hbm4b:s13+s0], $0x80, v6, vm0, $0xb8;
	[tilespmem:$0x1F880] =	vst v63  }
0x1aa: {  	s23 =	simm.s32 $0x1D880  }
0x1ab: {  	[tilespmem:s23], [sflag:$0x1] =	stream.indirect_vreg.gather [hbm4b:s2+s0], $0x80, v5, vm0, $0xb8;
	[tilespmem:$0x1F880] =	vst v63  }
0x1ac: {  	s26 =	simm.s32 $0x1E080  }
0x1ad: {  	[tilespmem:s26], [sflag:$0x1] =	stream.indirect_vreg.gather [hbm4b:s11+s0], $0x80, v5, vm0, $0xb8;
	[tilespmem:$0x1F880] =	vst v63  }
0x1ae: {  	s28 =	simm.s32 $0x1E880  }
0x1af: {  	[tilespmem:s28], [sflag:$0x1] =	stream.indirect_vreg.gather [hbm4b:s12+s0], $0x80, v5, vm0, $0xb8;
	[tilespmem:$0x1F880] =	vst v63  }
0x1b0: {  	s29 =	simm.s32 $0x1F080  }
0x1b1: {  	[tilespmem:s29], [sflag:$0x1] =	stream.indirect_vreg.gather [hbm4b:s13+s0], $0x80, v5, vm0, $0xb8;
	[tilespmem:$0x1F880] =	vst v63  }
0x1b2: {  	_ =	swait.ge [sflag:s20], $0x8000  }
0x1b3: {  	s30 =	sand.u32 $0x70, s0;
	s31 =	sand.u32 $0x1C00, s0;
	[sflag:s20] =	ssyncset.done $0x0  }
0x1b4: {  	s18 =	sor.u32 s30, s31;
	[sflag:s20] =	ssyncadd.s32 $0xFFFF8000  }
0x1b5: {  	v5 =	vld [tilespmem:s18+$0x13C00]  }
0x1b6: {  	s1 =	simm.s32 $0x10;
	s19 =	simm.s32 $0x0;
	s18 =	simm.s32 $0x80  }
.LBB2_17:
0x1b7: {  	s21 =	sand.u32 $0x70, s1;
	s22 =	sand.u32 $0x1C00, s18;
	s26 =	sor.u32 s19, s0  }
0x1b8: {  	s0 =	smov.u32 s1;
	s19 =	smov.u32 s18;
	p1 =	seq.s32 s1, $0x3F0  }
.Ltmp8:
0x1b9: {  	s1 =	sadd.s32 $0x10, s1;
	s26 =	sor.u32 $0x380, s26;
	(pc) =	sbr.rel @!p1 .LBB2_17-.Ltmp8, $3  }
0x1ba: {  	s21 =	sor.u32 s21, s22;
	[tilespmem:s26+$0x15880] =	vst v5  }
0x1bb: {  	v5 =	vld [tilespmem:s21+$0x13C00];
	_ =	sdelay $0x1  }
0x1bc: {  	s18 =	sadd.s32 $0x80, s18  }
0x1bd: {  	s0 =	sor.u32 s19, s0  }
0x1be: {  	s17 =	sadd.s32 $0x20, s17;
	s0 =	sor.u32 $0x380, s0  }
0x1bf: {  	s18 =	simm.s32 $0x0;
	s26 =	simm.s32 $0x0;
	s28 =	simm.s32 $0x0;
	[tilespmem:s0+$0x15880] =	vst v5  }
.LBB2_19:
0x1c0: {  	s0 =	sshll.u32 s26, $0x2;
	s1 =	sand.u32 $0x7, s18;
	s19 =	sshll.u32 s28, $0x4  }
0x1c1: {  	s21 =	sshll.u32 s28, $0x7;
	s0 =	sand.u32 $0xFFFFF000, s0;
	s1 =	sshll.u32 s1, $0x6  }
0x1c2: {  	s23 =	sor.u32 s21, s19;
	s0 =	sor.u32 s1, s0  }
0x1c3: {  	s1 =	sor.u32 $0x380, s23;
	s0 =	sshrl.u32 s0, $0x2  }
0x1c4: {  	v11 =	vld [tilespmem:s1+$0xB880];
	s29 =	sadd.s32 $0xDC00, s0  }
0x1c5: {  	v6 =	vld [tilespmem:s29+$0xFFFFFC80];
	_ =	sdelay $0x2  }
0x1c6: {  	s19 =	simm.s32 $0x0;
	v10 =	vld [tilespmem:s29+$0xFFFFFD00]  }
0x1c7: {  	s0 =	sld [smem:s9+s19];
	v9 =	vld [tilespmem:s29+$0xFFFFFD80]  }
0x1c8: {  	s30 =	sadd.s32 $0x0, s9;
	v8 =	vld [tilespmem:s29+$0xFFFFFE00];
	v7 =	vsub.f32 v6, v11  }
0x1c9: {  	s21 =	sld [smem:s30+$0x1];
	v5 =	vld [tilespmem:s29+$0xFFFFFE80]  }
0x1ca: {  	s22 =	sld [smem:s30+$0x4];
	v12 =	vmul.f32 s0, v7  }
0x1cb: {  	s23 =	sld [smem:s30+$0x2];
	v13 =	vsub.f32 v10, v6;
	v7 =	vld [tilespmem:s29+$0xFFFFFF00]  }
0x1cc: {  	s19 =	sld [smem:s30+$0x3];
	v16 =	vsub.f32 v9, v10;
	v15 =	vadd.f32 v12, v11;
	v11 =	vld [tilespmem:s29+$0xFFFFFF80]  }
0x1cd: {  	v14 =	vsub.f32 v8, v9;
	s0 =	sld [smem:s30+$0x5];
	v13 =	vmul.f32 s21, v13;
	v12 =	vld [tilespmem:s29+$0x0]  }
0x1ce: {  	s31 =	simm.s32 $0x20;
	s1 =	sadd.s32 $0x2000, s29;
	s21 =	sld [smem:s30+$0x6];
	[tilespmem:s29+$0xFFFFFC80] =	vst v15;
	v15 =	vmul.f32 s23, v16;
	v16 =	vsub.f32 v5, v8  }
.LBB2_20:
0x1cf: {  	p1 =	sne.s32 s31, $0x60;
	v13 =	vadd.f32 v13, v6;
	v6 =	vld [tilespmem:s1+$0xFFFFFC80];
	v14 =	vmul.f32 s19, v14;
	s19 =	smov.u32 s31;
	s31 =	sadd.s32 $0x20, s31  }
0x1d0: {  	v15 =	vadd.f32 v15, v10;
	v16 =	vmul.f32 s22, v16;
	v17 =	vsub.f32 v7, v5;
	s22 =	sld [smem:s30+$0x7]  }
0x1d1: {  	[tilespmem:s29+$0xFFFFFD00] =	vst v13;
	v13 =	vadd.f32 v14, v9;
	v14 =	vsub.f32 v11, v7  }
0x1d2: {  	s19 =	sshra.s32 s19, $0x2;
	v10 =	vld [tilespmem:s1+$0xFFFFFD00];
	[tilespmem:s29+$0xFFFFFD80] =	vst v15;
	v15 =	vadd.f32 v16, v8;
	v16 =	vmul.f32 s0, v17;
	v17 =	vsub.f32 v12, v11  }
0x1d3: {  	s30 =	sadd.s32 s19, s9;
	s0 =	sld [smem:s9+s19];
	v9 =	vld [tilespmem:s1+$0xFFFFFD80];
	[tilespmem:s29+$0xFFFFFE00] =	vst v13;
	v13 =	vmul.f32 s21, v14  }
0x1d4: {  	v14 =	vsub.f32 v6, v12;
	s19 =	sld [smem:s30+$0x3];
	v8 =	vld [tilespmem:s1+$0xFFFFFE00];
	[tilespmem:s29+$0xFFFFFE80] =	vst v15;
	v15 =	vadd.f32 v16, v5;
	v16 =	vmul.f32 s22, v17  }
0x1d5: {  	s23 =	sld [smem:s30+$0x2];
	v5 =	vld [tilespmem:s1+$0xFFFFFE80];
	v13 =	vadd.f32 v13, v7  }
.Ltmp9:
0x1d6: {  	v14 =	vmul.f32 s0, v14;
	s21 =	sld [smem:s30+$0x1];
	[tilespmem:s29+$0xFFFFFF00] =	vst v15;
	v15 =	vadd.f32 v16, v11;
	(pc) =	sbr.rel @p1 .LBB2_20-.Ltmp9, $4  }
0x1d7: {  	v16 =	vsub.f32 v10, v6;
	s0 =	sld [smem:s30+$0x5];
	v7 =	vld [tilespmem:s1+$0xFFFFFF00];
	[tilespmem:s29+$0xFFFFFF80] =	vst v13  }
0x1d8: {  	v17 =	vadd.f32 v14, v12;
	v18 =	vsub.f32 v9, v10;
	s22 =	sld [smem:s30+$0x4];
	v11 =	vld [tilespmem:s1+$0xFFFFFF80];
	[tilespmem:s29+$0x0] =	vst v15;
	s29 =	smov.u32 s1  }
0x1d9: {  	v13 =	vmul.f32 s21, v16;
	v14 =	vsub.f32 v8, v9;
	s21 =	sld [smem:s30+$0x6];
	v12 =	vld [tilespmem:s1+$0x0]  }
0x1da: {  	s1 =	sadd.s32 $0x2000, s1;
	[tilespmem:s29+$0xFFFFFC80] =	vst v17;
	v15 =	vmul.f32 s23, v18;
	v16 =	vsub.f32 v5, v8  }
0x1db: {  	_ = 	snop  }
0x1dc: {  	v6 =	vadd.f32 v13, v6;
	v58 =	vmul.f32 s19, v14;
	v59 =	vsub.f32 v7, v5  }
0x1dd: {  	s1 =	sld [smem:s30+$0x7];
	v10 =	vadd.f32 v15, v10;
	v60 =	vmul.f32 s22, v16;
	v61 =	vsub.f32 v11, v7  }
0x1de: {  	s28 =	sadd.s32 $0x1, s28;
	[tilespmem:s29+$0xFFFFFD00] =	vst v6;
	v6 =	vadd.f32 v58, v9;
	v62 =	vmul.f32 s0, v59;
	v12 =	vsub.f32 v12, v11  }
0x1df: {  	p1 =	sne.s32 s28, $0x40;
	[tilespmem:s29+$0xFFFFFD80] =	vst v10;
	v8 =	vadd.f32 v60, v8;
	v63 =	vmul.f32 s21, v61  }
.Ltmp10:
0x1e0: {  	[tilespmem:s29+$0xFFFFFE00] =	vst v6;
	v5 =	vadd.f32 v62, v5;
	v6 =	vmul.f32 s1, v12;
	(pc) =	sbr.rel @p1 .LBB2_19-.Ltmp10, $4  }
0x1e1: {  	[tilespmem:s29+$0xFFFFFE80] =	vst v8;
	v7 =	vadd.f32 v63, v7  }
0x1e2: {  	[tilespmem:s29+$0xFFFFFF00] =	vst v5;
	v5 =	vadd.f32 v6, v11  }
0x1e3: {  	[tilespmem:s29+$0xFFFFFF80] =	vst v7  }
0x1e4: {  	s26 =	sadd.s32 $0x80, s26;
	s18 =	sadd.s32 $0x1, s18;
	[tilespmem:s29+$0x0] =	vst v5  }
0x1e5: {  	s0 =	sadd.s32 s6, s17  }
0x1e6: {  	s0 =	sshll.u32 s0, $0x7  }
0x1e7: {  	s18 =	simm.s32 $0x0;
	s0 =	sadd.s32 s3, s0  }
0x1e8: {  	[hbm4b:s0+s18] =	stream.linear.scatter [tilespmem:s14], [sflag:$0x2], $0x8000, $0x38;
	[tilespmem:$0x1F880] =	vst v63  }
0x1e9: {  	s22 =	smul.u32 $0x180, s16;
	_ =	swait.ge [sflag:s24], $0x8000  }
0x1ea: {  	[sflag:s24] =	ssyncset.done $0x0  }
0x1eb: {  	s17 =	sshra.s32 s22, $0x2;
	[sflag:s24] =	ssyncadd.s32 $0xFFFF8000  }
0x1ec: {  	v5 =	vld [tilespmem:s17+$0x1060];
	_ =	sdelay $0x4  }
0x1ed: {  	v6 =	vshll.u32 v5, $0x3  }
0x1ee: {  	v5 =	vand.u32 $0x7, v5;
	v6 =	vand.u32 $0xFFFFFFC0, v6  }
0x1ef: {  	v5 =	vor.u32 v5, v6  }
0x1f0: {  	v6 =	vperm.xlane v5, v2;
	_ =	sdelay $0x1  }
0x1f1: {  	v6 =	vadd.s32 v3, v6;
	_ =	sdelay $0x4  }
0x1f2: {  	[tilespmem:s25], [sflag:$0x1] =	stream.indirect_vreg.gather [hbm4b:s2+s18], $0x80, v6, vm0, $0xb8;
	[tilespmem:$0x1F880] =	vst v63  }
0x1f3: {  	s23 =	simm.s32 $0x4080;
	v5 =	vperm.xlane v5, v4  }
0x1f4: {  	[tilespmem:s23], [sflag:$0x1] =	stream.indirect_vreg.gather [hbm4b:s11+s18], $0x80, v6, vm0, $0xb8;
	[tilespmem:$0x1F880] =	vst v63  }
0x1f5: {  	s26 =	simm.s32 $0x4880;
	v5 =	vadd.s32 v3, v5  }
0x1f6: {  	[tilespmem:s26], [sflag:$0x1] =	stream.indirect_vreg.gather [hbm4b:s12+s18], $0x80, v6, vm0, $0xb8;
	[tilespmem:$0x1F880] =	vst v63  }
0x1f7: {  	s28 =	simm.s32 $0x5080  }
0x1f8: {  	[tilespmem:s28], [sflag:$0x1] =	stream.indirect_vreg.gather [hbm4b:s13+s18], $0x80, v6, vm0, $0xb8;
	[tilespmem:$0x1F880] =	vst v63  }
0x1f9: {  	s29 =	simm.s32 $0x5880  }
0x1fa: {  	[tilespmem:s29], [sflag:$0x1] =	stream.indirect_vreg.gather [hbm4b:s2+s18], $0x80, v5, vm0, $0xb8;
	[tilespmem:$0x1F880] =	vst v63  }
0x1fb: {  	s30 =	simm.s32 $0x6080  }
0x1fc: {  	[tilespmem:s30], [sflag:$0x1] =	stream.indirect_vreg.gather [hbm4b:s11+s18], $0x80, v5, vm0, $0xb8;
	[tilespmem:$0x1F880] =	vst v63  }
0x1fd: {  	s31 =	simm.s32 $0x6880  }
0x1fe: {  	[tilespmem:s31], [sflag:$0x1] =	stream.indirect_vreg.gather [hbm4b:s12+s18], $0x80, v5, vm0, $0xb8;
	[tilespmem:$0x1F880] =	vst v63  }
0x1ff: {  	s1 =	simm.s32 $0x7080  }
0x200: {  	[tilespmem:s1], [sflag:$0x1] =	stream.indirect_vreg.gather [hbm4b:s13+s18], $0x80, v5, vm0, $0xb8;
	[tilespmem:$0x1F880] =	vst v63  }
0x201: {  	v5 =	vld [tilespmem:s17+$0x1070];
	_ =	sdelay $0x4  }
0x202: {  	v6 =	vshll.u32 v5, $0x3  }
0x203: {  	v5 =	vand.u32 $0x7, v5;
	v6 =	vand.u32 $0xFFFFFFC0, v6  }
0x204: {  	v5 =	vor.u32 v5, v6  }
0x205: {  	v6 =	vperm.xlane v5, v2;
	_ =	sdelay $0x1  }
0x206: {  	v6 =	vadd.s32 v3, v6;
	_ =	sdelay $0x3  }
0x207: {  	s19 =	simm.s32 $0x7880  }
0x208: {  	[tilespmem:s19], [sflag:$0x1] =	stream.indirect_vreg.gather [hbm4b:s2+s18], $0x80, v6, vm0, $0xb8;
	[tilespmem:$0x1F880] =	vst v63  }
0x209: {  	s21 =	simm.s32 $0x8080;
	v5 =	vperm.xlane v5, v4  }
0x20a: {  	[tilespmem:s21], [sflag:$0x1] =	stream.indirect_vreg.gather [hbm4b:s11+s18], $0x80, v6, vm0, $0xb8;
	[tilespmem:$0x1F880] =	vst v63  }
0x20b: {  	s22 =	simm.s32 $0x8880;
	v5 =	vadd.s32 v3, v5  }
0x20c: {  	[tilespmem:s22], [sflag:$0x1] =	stream.indirect_vreg.gather [hbm4b:s12+s18], $0x80, v6, vm0, $0xb8;
	[tilespmem:$0x1F880] =	vst v63  }
0x20d: {  	s23 =	simm.s32 $0x9080  }
0x20e: {  	[tilespmem:s23], [sflag:$0x1] =	stream.indirect_vreg.gather [hbm4b:s13+s18], $0x80, v6, vm0, $0xb8;
	[tilespmem:$0x1F880] =	vst v63  }
0x20f: {  	s26 =	simm.s32 $0x9880  }
0x210: {  	[tilespmem:s26], [sflag:$0x1] =	stream.indirect_vreg.gather [hbm4b:s2+s18], $0x80, v5, vm0, $0xb8;
	[tilespmem:$0x1F880] =	vst v63  }
0x211: {  	s28 =	simm.s32 $0xA080  }
0x212: {  	[tilespmem:s28], [sflag:$0x1] =	stream.indirect_vreg.gather [hbm4b:s11+s18], $0x80, v5, vm0, $0xb8;
	[tilespmem:$0x1F880] =	vst v63  }
0x213: {  	s29 =	simm.s32 $0xA880  }
0x214: {  	[tilespmem:s29], [sflag:$0x1] =	stream.indirect_vreg.gather [hbm4b:s12+s18], $0x80, v5, vm0, $0xb8;
	[tilespmem:$0x1F880] =	vst v63  }
0x215: {  	s30 =	simm.s32 $0xB080  }
0x216: {  	[tilespmem:s30], [sflag:$0x1] =	stream.indirect_vreg.gather [hbm4b:s13+s18], $0x80, v5, vm0, $0xb8;
	[tilespmem:$0x1F880] =	vst v63  }
0x217: {  	_ =	swait.ge [sflag:s20], $0x8000  }
0x218: {  	s31 =	sand.u32 $0x70, s18;
	s1 =	sand.u32 $0x1C00, s18;
	[sflag:s20] =	ssyncset.done $0x0  }
0x219: {  	s1 =	sor.u32 s31, s1;
	[sflag:s20] =	ssyncadd.s32 $0xFFFF8000  }
0x21a: {  	v5 =	vld [tilespmem:s1+$0x1DC00]  }
0x21b: {  	s0 =	simm.s32 $0x10;
	s19 =	simm.s32 $0x0;
	s1 =	simm.s32 $0x80  }
.LBB2_23:
0x21c: {  	s21 =	sand.u32 $0x70, s0;
	s22 =	sand.u32 $0x1C00, s1;
	s23 =	sor.u32 s19, s18  }
0x21d: {  	s18 =	smov.u32 s0;
	s19 =	smov.u32 s1;
	p1 =	seq.s32 s0, $0x3F0  }
.Ltmp11:
0x21e: {  	s0 =	sadd.s32 $0x10, s0;
	s23 =	sor.u32 $0x380, s23;
	(pc) =	sbr.rel @!p1 .LBB2_23-.Ltmp11, $3  }
0x21f: {  	s21 =	sor.u32 s21, s22;
	[tilespmem:s23+$0x1880] =	vst v5  }
0x220: {  	v5 =	vld [tilespmem:s21+$0x1DC00];
	_ =	sdelay $0x1  }
0x221: {  	s1 =	sadd.s32 $0x80, s1  }
0x222: {  	s0 =	sor.u32 s19, s18  }
0x223: {  	s0 =	sor.u32 $0x380, s0  }
0x224: {  	s18 =	simm.s32 $0x0;
	s26 =	simm.s32 $0x0;
	s28 =	simm.s32 $0x0;
	[tilespmem:s0+$0x1880] =	vst v5  }
.LBB2_25:
0x225: {  	s0 =	sshll.u32 s26, $0x2;
	s1 =	sand.u32 $0x7, s18;
	s19 =	sshll.u32 s28, $0x4  }
0x226: {  	s21 =	sshll.u32 s28, $0x7;
	s0 =	sand.u32 $0xFFFFF000, s0;
	s1 =	sshll.u32 s1, $0x6  }
0x227: {  	s23 =	sor.u32 s21, s19;
	s0 =	sor.u32 s1, s0  }
0x228: {  	s1 =	sor.u32 $0x380, s23;
	s0 =	sshrl.u32 s0, $0x2  }
0x229: {  	v11 =	vld [tilespmem:s1+$0x15880];
	s29 =	sadd.s32 $0x17C00, s0  }
0x22a: {  	v6 =	vld [tilespmem:s29+$0xFFFFFC80];
	_ =	sdelay $0x2  }
0x22b: {  	s19 =	simm.s32 $0x0;
	v10 =	vld [tilespmem:s29+$0xFFFFFD00]  }
0x22c: {  	s0 =	sld [smem:s10+s19];
	v9 =	vld [tilespmem:s29+$0xFFFFFD80]  }
0x22d: {  	s30 =	sadd.s32 $0x0, s10;
	v8 =	vld [tilespmem:s29+$0xFFFFFE00];
	v7 =	vsub.f32 v6, v11  }
0x22e: {  	s21 =	sld [smem:s30+$0x1];
	v5 =	vld [tilespmem:s29+$0xFFFFFE80]  }
0x22f: {  	s22 =	sld [smem:s30+$0x4];
	v12 =	vmul.f32 s0, v7  }
0x230: {  	s23 =	sld [smem:s30+$0x2];
	v13 =	vsub.f32 v10, v6;
	v7 =	vld [tilespmem:s29+$0xFFFFFF00]  }
0x231: {  	s19 =	sld [smem:s30+$0x3];
	v16 =	vsub.f32 v9, v10;
	v15 =	vadd.f32 v12, v11;
	v11 =	vld [tilespmem:s29+$0xFFFFFF80]  }
0x232: {  	v14 =	vsub.f32 v8, v9;
	s0 =	sld [smem:s30+$0x5];
	v13 =	vmul.f32 s21, v13;
	v12 =	vld [tilespmem:s29+$0x0]  }
0x233: {  	s31 =	simm.s32 $0x20;
	s1 =	sadd.s32 $0x2000, s29;
	s21 =	sld [smem:s30+$0x6];
	[tilespmem:s29+$0xFFFFFC80] =	vst v15;
	v15 =	vmul.f32 s23, v16;
	v16 =	vsub.f32 v5, v8  }
.LBB2_26:
0x234: {  	p1 =	sne.s32 s31, $0x60;
	v13 =	vadd.f32 v13, v6;
	v6 =	vld [tilespmem:s1+$0xFFFFFC80];
	v14 =	vmul.f32 s19, v14;
	s19 =	smov.u32 s31;
	s31 =	sadd.s32 $0x20, s31  }
0x235: {  	v15 =	vadd.f32 v15, v10;
	v16 =	vmul.f32 s22, v16;
	v17 =	vsub.f32 v7, v5;
	s22 =	sld [smem:s30+$0x7]  }
0x236: {  	[tilespmem:s29+$0xFFFFFD00] =	vst v13;
	v13 =	vadd.f32 v14, v9;
	v14 =	vsub.f32 v11, v7  }
0x237: {  	s19 =	sshra.s32 s19, $0x2;
	v10 =	vld [tilespmem:s1+$0xFFFFFD00];
	[tilespmem:s29+$0xFFFFFD80] =	vst v15;
	v15 =	vadd.f32 v16, v8;
	v16 =	vmul.f32 s0, v17;
	v17 =	vsub.f32 v12, v11  }
0x238: {  	s30 =	sadd.s32 s19, s10;
	s0 =	sld [smem:s10+s19];
	v9 =	vld [tilespmem:s1+$0xFFFFFD80];
	[tilespmem:s29+$0xFFFFFE00] =	vst v13;
	v13 =	vmul.f32 s21, v14  }
0x239: {  	v14 =	vsub.f32 v6, v12;
	s19 =	sld [smem:s30+$0x3];
	v8 =	vld [tilespmem:s1+$0xFFFFFE00];
	[tilespmem:s29+$0xFFFFFE80] =	vst v15;
	v15 =	vadd.f32 v16, v5;
	v16 =	vmul.f32 s22, v17  }
0x23a: {  	s23 =	sld [smem:s30+$0x2];
	v5 =	vld [tilespmem:s1+$0xFFFFFE80];
	v13 =	vadd.f32 v13, v7  }
.Ltmp12:
0x23b: {  	v14 =	vmul.f32 s0, v14;
	s21 =	sld [smem:s30+$0x1];
	[tilespmem:s29+$0xFFFFFF00] =	vst v15;
	v15 =	vadd.f32 v16, v11;
	(pc) =	sbr.rel @p1 .LBB2_26-.Ltmp12, $4  }
0x23c: {  	v16 =	vsub.f32 v10, v6;
	s0 =	sld [smem:s30+$0x5];
	v7 =	vld [tilespmem:s1+$0xFFFFFF00];
	[tilespmem:s29+$0xFFFFFF80] =	vst v13  }
0x23d: {  	v17 =	vadd.f32 v14, v12;
	v18 =	vsub.f32 v9, v10;
	s22 =	sld [smem:s30+$0x4];
	v11 =	vld [tilespmem:s1+$0xFFFFFF80];
	[tilespmem:s29+$0x0] =	vst v15;
	s29 =	smov.u32 s1  }
0x23e: {  	v13 =	vmul.f32 s21, v16;
	v14 =	vsub.f32 v8, v9;
	s21 =	sld [smem:s30+$0x6];
	v12 =	vld [tilespmem:s1+$0x0]  }
0x23f: {  	s1 =	sadd.s32 $0x2000, s1;
	[tilespmem:s29+$0xFFFFFC80] =	vst v17;
	v15 =	vmul.f32 s23, v18;
	v16 =	vsub.f32 v5, v8  }
0x240: {  	_ = 	snop  }
0x241: {  	v6 =	vadd.f32 v13, v6;
	v58 =	vmul.f32 s19, v14;
	v59 =	vsub.f32 v7, v5  }
0x242: {  	s1 =	sld [smem:s30+$0x7];
	v10 =	vadd.f32 v15, v10;
	v60 =	vmul.f32 s22, v16;
	v61 =	vsub.f32 v11, v7  }
0x243: {  	s28 =	sadd.s32 $0x1, s28;
	[tilespmem:s29+$0xFFFFFD00] =	vst v6;
	v6 =	vadd.f32 v58, v9;
	v62 =	vmul.f32 s0, v59;
	v12 =	vsub.f32 v12, v11  }
0x244: {  	p1 =	sne.s32 s28, $0x40;
	[tilespmem:s29+$0xFFFFFD80] =	vst v10;
	v8 =	vadd.f32 v60, v8;
	v63 =	vmul.f32 s21, v61  }
.Ltmp13:
0x245: {  	[tilespmem:s29+$0xFFFFFE00] =	vst v6;
	v5 =	vadd.f32 v62, v5;
	v6 =	vmul.f32 s1, v12;
	(pc) =	sbr.rel @p1 .LBB2_25-.Ltmp13, $4  }
0x246: {  	[tilespmem:s29+$0xFFFFFE80] =	vst v8;
	v7 =	vadd.f32 v63, v7  }
0x247: {  	[tilespmem:s29+$0xFFFFFF00] =	vst v5;
	v5 =	vadd.f32 v6, v11  }
0x248: {  	[tilespmem:s29+$0xFFFFFF80] =	vst v7  }
0x249: {  	s26 =	sadd.s32 $0x80, s26;
	s18 =	sadd.s32 $0x1, s18;
	[tilespmem:s29+$0x0] =	vst v5  }
0x24a: {  	s0 =	sadd.s32 s6, s7  }
0x24b: {  	s0 =	sshll.u32 s0, $0x7  }
0x24c: {  	s23 =	simm.s32 $0x17880;
	s0 =	sadd.s32 s3, s0  }
0x24d: {  	[hbm4b:s0+s4] =	stream.linear.scatter [tilespmem:s23], [sflag:$0x2], $0x8000, $0x38;
	[tilespmem:$0x1F880] =	vst v63  }
0x24e: {  	_ =	swait.ge [sflag:s24], $0x8000  }
0x24f: {  	[sflag:s24] =	ssyncset.done $0x0  }
0x250: {  	[sflag:s24] =	ssyncadd.s32 $0xFFFF8000  }
0x251: {  	v5 =	vld [tilespmem:s17+$0x1080];
	_ =	sdelay $0x4  }
0x252: {  	v6 =	vshll.u32 v5, $0x3  }
0x253: {  	v5 =	vand.u32 $0x7, v5;
	v6 =	vand.u32 $0xFFFFFFC0, v6  }
0x254: {  	v5 =	vor.u32 v5, v6  }
0x255: {  	v6 =	vperm.xlane v5, v2;
	_ =	sdelay $0x1  }
0x256: {  	v6 =	vadd.s32 v3, v6;
	_ =	sdelay $0x4  }
0x257: {  	[tilespmem:s14], [sflag:$0x1] =	stream.indirect_vreg.gather [hbm4b:s2+s4], $0x80, v6, vm0, $0xb8;
	[tilespmem:$0x1F880] =	vst v63  }
0x258: {  	s28 =	simm.s32 $0xE080;
	v5 =	vperm.xlane v5, v4  }
0x259: {  	[tilespmem:s28], [sflag:$0x1] =	stream.indirect_vreg.gather [hbm4b:s11+s4], $0x80, v6, vm0, $0xb8;
	[tilespmem:$0x1F880] =	vst v63  }
0x25a: {  	s29 =	simm.s32 $0xE880;
	v5 =	vadd.s32 v3, v5  }
0x25b: {  	[tilespmem:s29], [sflag:$0x1] =	stream.indirect_vreg.gather [hbm4b:s12+s4], $0x80, v6, vm0, $0xb8;
	[tilespmem:$0x1F880] =	vst v63  }
0x25c: {  	s30 =	simm.s32 $0xF080  }
0x25d: {  	[tilespmem:s30], [sflag:$0x1] =	stream.indirect_vreg.gather [hbm4b:s13+s4], $0x80, v6, vm0, $0xb8;
	[tilespmem:$0x1F880] =	vst v63  }
0x25e: {  	s31 =	simm.s32 $0xF880  }
0x25f: {  	[tilespmem:s31], [sflag:$0x1] =	stream.indirect_vreg.gather [hbm4b:s2+s4], $0x80, v5, vm0, $0xb8;
	[tilespmem:$0x1F880] =	vst v63  }
0x260: {  	s1 =	simm.s32 $0x10080  }
0x261: {  	[tilespmem:s1], [sflag:$0x1] =	stream.indirect_vreg.gather [hbm4b:s11+s4], $0x80, v5, vm0, $0xb8;
	[tilespmem:$0x1F880] =	vst v63  }
0x262: {  	s7 =	simm.s32 $0x10880  }
0x263: {  	[tilespmem:s7], [sflag:$0x1] =	stream.indirect_vreg.gather [hbm4b:s12+s4], $0x80, v5, vm0, $0xb8;
	[tilespmem:$0x1F880] =	vst v63  }
0x264: {  	s18 =	simm.s32 $0x11080  }
0x265: {  	[tilespmem:s18], [sflag:$0x1] =	stream.indirect_vreg.gather [hbm4b:s13+s4], $0x80, v5, vm0, $0xb8;
	[tilespmem:$0x1F880] =	vst v63  }
0x266: {  	v5 =	vld [tilespmem:s17+$0x1090];
	_ =	sdelay $0x4  }
0x267: {  	v6 =	vshll.u32 v5, $0x3  }
0x268: {  	v5 =	vand.u32 $0x7, v5;
	v6 =	vand.u32 $0xFFFFFFC0, v6  }
0x269: {  	v5 =	vor.u32 v5, v6  }
0x26a: {  	v6 =	vperm.xlane v5, v2;
	_ =	sdelay $0x1  }
0x26b: {  	v6 =	vadd.s32 v3, v6;
	_ =	sdelay $0x3  }
0x26c: {  	s19 =	simm.s32 $0x11880  }
0x26d: {  	[tilespmem:s19], [sflag:$0x1] =	stream.indirect_vreg.gather [hbm4b:s2+s4], $0x80, v6, vm0, $0xb8;
	[tilespmem:$0x1F880] =	vst v63  }
0x26e: {  	s21 =	simm.s32 $0x12080;
	v5 =	vperm.xlane v5, v4  }
0x26f: {  	[tilespmem:s21], [sflag:$0x1] =	stream.indirect_vreg.gather [hbm4b:s11+s4], $0x80, v6, vm0, $0xb8;
	[tilespmem:$0x1F880] =	vst v63  }
0x270: {  	s22 =	simm.s32 $0x12880;
	v5 =	vadd.s32 v3, v5  }
0x271: {  	[tilespmem:s22], [sflag:$0x1] =	stream.indirect_vreg.gather [hbm4b:s12+s4], $0x80, v6, vm0, $0xb8;
	[tilespmem:$0x1F880] =	vst v63  }
0x272: {  	s26 =	simm.s32 $0x13080  }
0x273: {  	[tilespmem:s26], [sflag:$0x1] =	stream.indirect_vreg.gather [hbm4b:s13+s4], $0x80, v6, vm0, $0xb8;
	[tilespmem:$0x1F880] =	vst v63  }
0x274: {  	s16 =	sadd.s32 $0x1, s16;
	s28 =	simm.s32 $0x13880  }
0x275: {  	[tilespmem:s28], [sflag:$0x1] =	stream.indirect_vreg.gather [hbm4b:s2+s4], $0x80, v5, vm0, $0xb8;
	[tilespmem:$0x1F880] =	vst v63  }
0x276: {  	p1 =	sne.s32 s16, $0xA;
	s29 =	simm.s32 $0x14080  }
0x277: {  	[tilespmem:s29], [sflag:$0x1] =	stream.indirect_vreg.gather [hbm4b:s11+s4], $0x80, v5, vm0, $0xb8;
	[tilespmem:$0x1F880] =	vst v63  }
.Ltmp14:
0x278: {  	_ = 	snop;
	(pc) =	sbr.rel @p1 .LBB2_10-.Ltmp14, $4  }
0x279: {  	s15 =	sadd.s32 $0x60, s15;
	s30 =	simm.s32 $0x14880  }
0x27a: {  	[tilespmem:s30], [sflag:$0x1] =	stream.indirect_vreg.gather [hbm4b:s12+s4], $0x80, v5, vm0, $0xb8;
	[tilespmem:$0x1F880] =	vst v63  }
0x27b: {  	s9 =	sadd.s32 $0x60, s9;
	s10 =	sadd.s32 $0x60, s10;
	s31 =	simm.s32 $0x15080  }
0x27c: {  	[tilespmem:s31], [sflag:$0x1] =	stream.indirect_vreg.gather [hbm4b:s13+s4], $0x80, v5, vm0, $0xb8;
	[tilespmem:$0x1F880] =	vst v63  }
0x27d: {  	_ =	swait.ge [sflag:s20], $0x8000;
	s7 =	simm.s32 $0x0  }
0x27e: {  	[sflag:s20] =	ssyncset.done $0x0;
	s1 =	sand.u32 $0x70, s7;
	s8 =	sand.u32 $0x1C00, s7  }
0x27f: {  	[sflag:s20] =	ssyncadd.s32 $0xFFFF8000;
	s1 =	sor.u32 s1, s8  }
0x280: {  	s0 =	simm.s32 $0x10;
	v5 =	vld [tilespmem:s1+$0x9C00]  }
0x281: {  	s9 =	simm.s32 $0x0;
	s8 =	simm.s32 $0x0;
	s1 =	simm.s32 $0x80  }
.LBB2_30:
0x282: {  	s10 =	sand.u32 $0x70, s0;
	s15 =	sand.u32 $0x1C00, s1;
	s16 =	sor.u32 s9, s8  }
0x283: {  	s8 =	smov.u32 s0;
	s9 =	smov.u32 s1;
	p1 =	sne.s32 s0, $0x3F0  }
.Ltmp15:
0x284: {  	s0 =	sadd.s32 $0x10, s0;
	s16 =	sor.u32 $0x380, s16;
	(pc) =	sbr.rel @p1 .LBB2_30-.Ltmp15, $3  }
0x285: {  	s10 =	sor.u32 s10, s15;
	[tilespmem:s16+$0xB880] =	vst v5  }
0x286: {  	v5 =	vld [tilespmem:s10+$0x9C00];
	_ =	sdelay $0x1  }
0x287: {  	s1 =	sadd.s32 $0x80, s1  }
0x288: {  	s0 =	sor.u32 s9, s8  }
0x289: {  	s0 =	sor.u32 $0x380, s0  }
0x28a: {  	s8 =	simm.s32 $0x0;
	s9 =	simm.s32 $0x0;
	[tilespmem:s0+$0xB880] =	vst v5  }
.LBB2_32:
0x28b: {  	s0 =	sshll.u32 s8, $0x2;
	s1 =	sand.u32 $0x7, s7;
	s10 =	sshll.u32 s9, $0x4  }
0x28c: {  	s15 =	sshll.u32 s9, $0x7;
	s0 =	sand.u32 $0xFFFFF000, s0;
	s1 =	sshll.u32 s1, $0x6  }
0x28d: {  	s29 =	sor.u32 s15, s10;
	s0 =	sor.u32 s1, s0  }
0x28e: {  	s1 =	sor.u32 $0x380, s29;
	s0 =	sshrl.u32 s0, $0x2  }
0x28f: {  	v12 =	vld [tilespmem:s1+$0x1880];
	s10 =	sadd.s32 $0x3C00, s0  }
0x290: {  	v9 =	vld [tilespmem:s10+$0xFFFFFC80];
	_ =	sdelay $0x1  }
0x291: {  	v11 =	vld [tilespmem:s10+$0xFFFFFD00]  }
0x292: {  	v8 =	vld [tilespmem:s10+$0xFFFFFD80];
	s18 =	sld [smem:$0x3C3]  }
0x293: {  	s30 =	sld [smem:$0x3C0];
	v7 =	vld [tilespmem:s10+$0xFFFFFE00]  }
0x294: {  	s31 =	sld [smem:$0x3C2];
	v5 =	vld [tilespmem:s10+$0xFFFFFE80];
	v10 =	vsub.f32 v9, v12  }
0x295: {  	s16 =	sld [smem:$0x3C1]  }
0x296: {  	v6 =	vld [tilespmem:s10+$0xFFFFFF00];
	s15 =	sld [smem:$0x3C6];
	v14 =	vsub.f32 v11, v9;
	v13 =	vmul.f32 s30, v10  }
0x297: {  	s19 =	sld [smem:$0x3C4];
	v15 =	vsub.f32 v8, v11;
	v10 =	vld [tilespmem:s10+$0xFFFFFF80]  }
0x298: {  	v17 =	vsub.f32 v7, v8;
	v14 =	vmul.f32 s16, v14;
	s0 =	sld [smem:$0x3C5];
	v13 =	vadd.f32 v13, v12;
	v12 =	vld [tilespmem:s10+$0x0]  }
0x299: {  	s17 =	simm.s32 $0x20;
	s1 =	sadd.s32 $0x2000, s10;
	s16 =	simm.s32 $0x0;
	v15 =	vmul.f32 s31, v15;
	v16 =	vsub.f32 v5, v7  }
.LBB2_33:
0x29a: {  	p1 =	sne.s32 s17, $0x60;
	[tilespmem:s10+$0xFFFFFC80] =	vst v13;
	v13 =	vadd.f32 v14, v9;
	v14 =	vmul.f32 s18, v17;
	s18 =	smov.u32 s17;
	s17 =	sadd.s32 $0x20, s17  }
0x29b: {  	v9 =	vld [tilespmem:s1+$0xFFFFFC80];
	v15 =	vadd.f32 v15, v11;
	v16 =	vmul.f32 s19, v16;
	v17 =	vsub.f32 v6, v5;
	s19 =	sld [smem:s16+$0x3C7]  }
0x29c: {  	[tilespmem:s10+$0xFFFFFD00] =	vst v13;
	v13 =	vadd.f32 v14, v8;
	v14 =	vsub.f32 v10, v6  }
0x29d: {  	s16 =	sshra.s32 s18, $0x2;
	v11 =	vld [tilespmem:s1+$0xFFFFFD00];
	[tilespmem:s10+$0xFFFFFD80] =	vst v15;
	v15 =	vadd.f32 v16, v7;
	v16 =	vmul.f32 s0, v17;
	v17 =	vsub.f32 v12, v10  }
0x29e: {  	v8 =	vld [tilespmem:s1+$0xFFFFFD80];
	s18 =	sld [smem:s16+$0x3C3];
	[tilespmem:s10+$0xFFFFFE00] =	vst v13;
	v13 =	vmul.f32 s15, v14  }
0x29f: {  	s0 =	sld [smem:s16+$0x3C0];
	v7 =	vld [tilespmem:s1+$0xFFFFFE00];
	[tilespmem:s10+$0xFFFFFE80] =	vst v15;
	v14 =	vadd.f32 v16, v5;
	v15 =	vmul.f32 s19, v17  }
0x2a0: {  	v16 =	vsub.f32 v9, v12;
	s21 =	sld [smem:s16+$0x3C2];
	v5 =	vld [tilespmem:s1+$0xFFFFFE80];
	v13 =	vadd.f32 v13, v6  }
.Ltmp16:
0x2a1: {  	s22 =	sld [smem:s16+$0x3C1];
	[tilespmem:s10+$0xFFFFFF00] =	vst v14;
	v14 =	vadd.f32 v15, v10;
	(pc) =	sbr.rel @p1 .LBB2_33-.Ltmp16, $4  }
0x2a2: {  	v15 =	vmul.f32 s0, v16;
	v16 =	vsub.f32 v11, v9;
	v6 =	vld [tilespmem:s1+$0xFFFFFF00];
	s15 =	sld [smem:s16+$0x3C6];
	[tilespmem:s10+$0xFFFFFF80] =	vst v13  }
0x2a3: {  	v18 =	vsub.f32 v8, v11;
	s19 =	sld [smem:s16+$0x3C4];
	v10 =	vld [tilespmem:s1+$0xFFFFFF80];
	[tilespmem:s10+$0x0] =	vst v14;
	s10 =	smov.u32 s1  }
0x2a4: {  	v13 =	vadd.f32 v15, v12;
	v14 =	vmul.f32 s22, v16;
	v17 =	vsub.f32 v7, v8;
	s0 =	sld [smem:s16+$0x3C5];
	v12 =	vld [tilespmem:s1+$0x0]  }
0x2a5: {  	s1 =	sadd.s32 $0x2000, s1;
	v15 =	vmul.f32 s21, v18;
	v16 =	vsub.f32 v5, v7  }
0x2a6: {  	_ = 	snop  }
0x2a7: {  	v9 =	vadd.f32 v14, v9;
	v57 =	vmul.f32 s18, v17;
	v58 =	vsub.f32 v6, v5  }
0x2a8: {  	[tilespmem:s10+$0xFFFFFC80] =	vst v13;
	s1 =	sld [smem:s16+$0x3C7];
	v11 =	vadd.f32 v15, v11;
	v59 =	vmul.f32 s19, v16;
	v60 =	vsub.f32 v10, v6  }
0x2a9: {  	s9 =	sadd.s32 $0x1, s9;
	[tilespmem:s10+$0xFFFFFD00] =	vst v9;
	v8 =	vadd.f32 v57, v8;
	v61 =	vmul.f32 s0, v58;
	v12 =	vsub.f32 v12, v10  }
0x2aa: {  	p1 =	sne.s32 s9, $0x40;
	[tilespmem:s10+$0xFFFFFD80] =	vst v11;
	v7 =	vadd.f32 v59, v7;
	v62 =	vmul.f32 s15, v60  }
.Ltmp17:
0x2ab: {  	[tilespmem:s10+$0xFFFFFE00] =	vst v8;
	v5 =	vadd.f32 v61, v5;
	v63 =	vmul.f32 s1, v12;
	(pc) =	sbr.rel @p1 .LBB2_32-.Ltmp17, $4  }
0x2ac: {  	[tilespmem:s10+$0xFFFFFE80] =	vst v7;
	v6 =	vadd.f32 v62, v6  }
0x2ad: {  	[tilespmem:s10+$0xFFFFFF00] =	vst v5;
	v5 =	vadd.f32 v63, v10  }
0x2ae: {  	[tilespmem:s10+$0xFFFFFF80] =	vst v6  }
0x2af: {  	s8 =	sadd.s32 $0x80, s8;
	s7 =	sadd.s32 $0x1, s7;
	[tilespmem:s10+$0x0] =	vst v5  }
0x2b0: {  	s7 =	simm.s32 $0x0;
	s0 =	rddreg [dreg:$0x8]  }
0x2b1: {  	[hbm4b:s0+s7] =	stream.linear.scatter [tilespmem:s25], [sflag:$0x2], $0x8000, $0x38;
	[tilespmem:$0x1F880] =	vst v63  }
0x2b2: {  	_ =	swait.ge [sflag:s24], $0x8000  }
0x2b3: {  	[sflag:s24] =	ssyncset.done $0x0  }
0x2b4: {  	[sflag:s24] =	ssyncadd.s32 $0xFFFF8000  }
0x2b5: {  	_ =	swait.ge [sflag:s20], $0x8000  }
0x2b6: {  	s1 =	sand.u32 $0x70, s7;
	s8 =	sand.u32 $0x1C00, s7;
	[sflag:s20] =	ssyncset.done $0x0  }
0x2b7: {  	s1 =	sor.u32 s1, s8;
	[sflag:s20] =	ssyncadd.s32 $0xFFFF8000  }
0x2b8: {  	s9 =	simm.s32 $0x0;
	v5 =	vld [tilespmem:s1+$0x13C00]  }
0x2b9: {  	s0 =	simm.s32 $0x10;
	s8 =	simm.s32 $0x0;
	s1 =	simm.s32 $0x80  }
.LBB2_36:
0x2ba: {  	s10 =	sand.u32 $0x70, s0;
	s15 =	sand.u32 $0x1C00, s1;
	s16 =	sor.u32 s9, s8  }
0x2bb: {  	s8 =	smov.u32 s0;
	s9 =	smov.u32 s1;
	p1 =	sne.s32 s0, $0x3F0  }
.Ltmp18:
0x2bc: {  	s0 =	sadd.s32 $0x10, s0;
	s16 =	sor.u32 $0x380, s16;
	(pc) =	sbr.rel @p1 .LBB2_36-.Ltmp18, $3  }
0x2bd: {  	s10 =	sor.u32 s10, s15;
	[tilespmem:s16+$0x15880] =	vst v5  }
0x2be: {  	v5 =	vld [tilespmem:s10+$0x13C00];
	_ =	sdelay $0x1  }
0x2bf: {  	s1 =	sadd.s32 $0x80, s1  }
0x2c0: {  	s0 =	sor.u32 s9, s8  }
0x2c1: {  	s0 =	sor.u32 $0x380, s0  }
0x2c2: {  	s8 =	simm.s32 $0x0;
	s9 =	simm.s32 $0x0;
	[tilespmem:s0+$0x15880] =	vst v5  }
.LBB2_38:
0x2c3: {  	s0 =	sshll.u32 s8, $0x2;
	s1 =	sand.u32 $0x7, s7;
	s10 =	sshll.u32 s9, $0x4  }
0x2c4: {  	s15 =	sshll.u32 s9, $0x7;
	s0 =	sand.u32 $0xFFFFF000, s0;
	s1 =	sshll.u32 s1, $0x6  }
0x2c5: {  	s29 =	sor.u32 s15, s10;
	s0 =	sor.u32 s1, s0  }
0x2c6: {  	s1 =	sor.u32 $0x380, s29;
	s0 =	sshrl.u32 s0, $0x2  }
0x2c7: {  	v12 =	vld [tilespmem:s1+$0xB880];
	s10 =	sadd.s32 $0xDC00, s0  }
0x2c8: {  	v9 =	vld [tilespmem:s10+$0xFFFFFC80];
	_ =	sdelay $0x1  }
0x2c9: {  	v11 =	vld [tilespmem:s10+$0xFFFFFD00]  }
0x2ca: {  	v8 =	vld [tilespmem:s10+$0xFFFFFD80];
	s18 =	sld [smem:$0x3E3]  }
0x2cb: {  	s30 =	sld [smem:$0x3E0];
	v7 =	vld [tilespmem:s10+$0xFFFFFE00]  }
0x2cc: {  	s31 =	sld [smem:$0x3E2];
	v5 =	vld [tilespmem:s10+$0xFFFFFE80];
	v10 =	vsub.f32 v9, v12  }
0x2cd: {  	s16 =	sld [smem:$0x3E1]  }
0x2ce: {  	v6 =	vld [tilespmem:s10+$0xFFFFFF00];
	s15 =	sld [smem:$0x3E6];
	v14 =	vsub.f32 v11, v9;
	v13 =	vmul.f32 s30, v10  }
0x2cf: {  	s19 =	sld [smem:$0x3E4];
	v15 =	vsub.f32 v8, v11;
	v10 =	vld [tilespmem:s10+$0xFFFFFF80]  }
0x2d0: {  	v17 =	vsub.f32 v7, v8;
	v14 =	vmul.f32 s16, v14;
	s0 =	sld [smem:$0x3E5];
	v13 =	vadd.f32 v13, v12;
	v12 =	vld [tilespmem:s10+$0x0]  }
0x2d1: {  	s17 =	simm.s32 $0x20;
	s1 =	sadd.s32 $0x2000, s10;
	s16 =	simm.s32 $0x0;
	v15 =	vmul.f32 s31, v15;
	v16 =	vsub.f32 v5, v7  }
.LBB2_39:
0x2d2: {  	p1 =	sne.s32 s17, $0x60;
	[tilespmem:s10+$0xFFFFFC80] =	vst v13;
	v13 =	vadd.f32 v14, v9;
	v14 =	vmul.f32 s18, v17;
	s18 =	smov.u32 s17;
	s17 =	sadd.s32 $0x20, s17  }
0x2d3: {  	v9 =	vld [tilespmem:s1+$0xFFFFFC80];
	v15 =	vadd.f32 v15, v11;
	v16 =	vmul.f32 s19, v16;
	v17 =	vsub.f32 v6, v5;
	s19 =	sld [smem:s16+$0x3E7]  }
0x2d4: {  	[tilespmem:s10+$0xFFFFFD00] =	vst v13;
	v13 =	vadd.f32 v14, v8;
	v14 =	vsub.f32 v10, v6  }
0x2d5: {  	s16 =	sshra.s32 s18, $0x2;
	v11 =	vld [tilespmem:s1+$0xFFFFFD00];
	[tilespmem:s10+$0xFFFFFD80] =	vst v15;
	v15 =	vadd.f32 v16, v7;
	v16 =	vmul.f32 s0, v17;
	v17 =	vsub.f32 v12, v10  }
0x2d6: {  	v8 =	vld [tilespmem:s1+$0xFFFFFD80];
	s18 =	sld [smem:s16+$0x3E3];
	[tilespmem:s10+$0xFFFFFE00] =	vst v13;
	v13 =	vmul.f32 s15, v14  }
0x2d7: {  	s0 =	sld [smem:s16+$0x3E0];
	v7 =	vld [tilespmem:s1+$0xFFFFFE00];
	[tilespmem:s10+$0xFFFFFE80] =	vst v15;
	v14 =	vadd.f32 v16, v5;
	v15 =	vmul.f32 s19, v17  }
0x2d8: {  	v16 =	vsub.f32 v9, v12;
	s21 =	sld [smem:s16+$0x3E2];
	v5 =	vld [tilespmem:s1+$0xFFFFFE80];
	v13 =	vadd.f32 v13, v6  }
.Ltmp19:
0x2d9: {  	s22 =	sld [smem:s16+$0x3E1];
	[tilespmem:s10+$0xFFFFFF00] =	vst v14;
	v14 =	vadd.f32 v15, v10;
	(pc) =	sbr.rel @p1 .LBB2_39-.Ltmp19, $4  }
0x2da: {  	v15 =	vmul.f32 s0, v16;
	v16 =	vsub.f32 v11, v9;
	v6 =	vld [tilespmem:s1+$0xFFFFFF00];
	s15 =	sld [smem:s16+$0x3E6];
	[tilespmem:s10+$0xFFFFFF80] =	vst v13  }
0x2db: {  	v18 =	vsub.f32 v8, v11;
	s19 =	sld [smem:s16+$0x3E4];
	v10 =	vld [tilespmem:s1+$0xFFFFFF80];
	[tilespmem:s10+$0x0] =	vst v14;
	s10 =	smov.u32 s1  }
0x2dc: {  	v13 =	vadd.f32 v15, v12;
	v14 =	vmul.f32 s22, v16;
	v17 =	vsub.f32 v7, v8;
	s0 =	sld [smem:s16+$0x3E5];
	v12 =	vld [tilespmem:s1+$0x0]  }
0x2dd: {  	s1 =	sadd.s32 $0x2000, s1;
	v15 =	vmul.f32 s21, v18;
	v16 =	vsub.f32 v5, v7  }
0x2de: {  	_ = 	snop  }
0x2df: {  	v9 =	vadd.f32 v14, v9;
	v57 =	vmul.f32 s18, v17;
	v58 =	vsub.f32 v6, v5  }
0x2e0: {  	[tilespmem:s10+$0xFFFFFC80] =	vst v13;
	s1 =	sld [smem:s16+$0x3E7];
	v11 =	vadd.f32 v15, v11;
	v59 =	vmul.f32 s19, v16;
	v60 =	vsub.f32 v10, v6  }
0x2e1: {  	s9 =	sadd.s32 $0x1, s9;
	[tilespmem:s10+$0xFFFFFD00] =	vst v9;
	v8 =	vadd.f32 v57, v8;
	v61 =	vmul.f32 s0, v58;
	v12 =	vsub.f32 v12, v10  }
0x2e2: {  	p1 =	sne.s32 s9, $0x40;
	[tilespmem:s10+$0xFFFFFD80] =	vst v11;
	v7 =	vadd.f32 v59, v7;
	v62 =	vmul.f32 s15, v60  }
.Ltmp20:
0x2e3: {  	[tilespmem:s10+$0xFFFFFE00] =	vst v8;
	v5 =	vadd.f32 v61, v5;
	v63 =	vmul.f32 s1, v12;
	(pc) =	sbr.rel @p1 .LBB2_38-.Ltmp20, $4  }
0x2e4: {  	[tilespmem:s10+$0xFFFFFE80] =	vst v7;
	v6 =	vadd.f32 v62, v6  }
0x2e5: {  	[tilespmem:s10+$0xFFFFFF00] =	vst v5;
	v5 =	vadd.f32 v63, v10  }
0x2e6: {  	[tilespmem:s10+$0xFFFFFF80] =	vst v6  }
0x2e7: {  	s8 =	sadd.s32 $0x80, s8;
	s7 =	sadd.s32 $0x1, s7;
	[tilespmem:s10+$0x0] =	vst v5  }
0x2e8: {  	s0 =	rddreg [dreg:$0x9]  }
0x2e9: {  	[hbm4b:s0+s4] =	stream.linear.scatter [tilespmem:s14], [sflag:$0x2], $0x8000, $0x38;
	[tilespmem:$0x1F880] =	vst v63  }
0x2ea: {  	_ =	swait.ge [sflag:s24], $0x8000  }
0x2eb: {  	[sflag:s24] =	ssyncset.done $0x0  }
0x2ec: {  	[sflag:s24] =	ssyncadd.s32 $0xFFFF8000  }
0x2ed: {  	_ =	swait.ge [sflag:s24], $0x8000  }
0x2ee: {  	s1 =	rddreg [dreg:$0xc]  }
0x2ef: {  	s31 =	rddreg [dreg:$0xa];
	s1 =	sadd.s32 $0x1, s1  }
0x2f0: {  	p1 =	sne.s32 s1, s31  }
.Ltmp21:
0x2f1: {  	_ = 	snop;
	(pc) =	sbr.rel @p1 .LBB2_1-.Ltmp21, $3  }
0x2f2: {  	_ =	sdelay $0x1  }
0x2f3: {  	[sflag:s24] =	ssyncset.done $0x0  }
0x2f4: {  	[sflag:s24] =	ssyncadd.s32 $0xFFFF8000  }
0x2f5: {  	_ =	sfence.sel $0x180000  }
0x2f6: {  	[bflag:$0x0] =	sbarrier.arrive $0xFFFF  }
0x2f7: {  	_ =	strace $0x90000047  }
0x2f8: {  	s0 =	stileid.u32;
	[bflag:$0x2] =	sbarrier.arrive $0xFFFF  }
0x2f9: {  	p0 =	sne.s32 s0, $0x0;
	s0 =	rddreg [dreg:$0x3]  }
0x2fa: {  	s0 =	sadd.s32 @!p0 $0x100000, s0  }
0x2fb: {  	[sflag:s0] =	ssyncadd.tile.s32 @!p0 $0x1;
	_ =	shalt  }
.Lfunc_end2:
_tile_overlayer_lowered:
.L_overlay_start_2:
0x2fc: {  	(tag) =	ssettag $0x2  }
0x2fd: {  	s0 =	rddreg [dreg:$0x0];
	s2 =	stileid.u32  }
0x2fe: {  	s1 =	rddreg [dreg:$0x1];
	p0 =	sne.s32 s2, $0x0  }
0x2ff: {  	s3 =	rddreg [dreg:$0x2];
	[bflag:$0x3] =	sbarrier.arrive $0xFFFF;
	s2 =	simm.s32 @!p0 $0x1C03  }
0x300: {  	[timem:s3], [sflag:s2] =	dma.local @!p0 [hbm:s0], s1  }
0x301: {  	s0 =	simm.s32 @!p0 $0x3  }
0x302: {  	_ =	swait.ge @!p0 [sflag:s0], s1  }
0x303: {  	s1 =	ssub.s32 @!p0 $0x0, s1;
	[sflag:s0] =	ssyncset.done @!p0 $0x0  }
0x304: {  	[sflag:s0] =	ssyncadd.s32 @!p0 s1  }
0x305: {  	[bflag:$0x3] =	sbarrier.arrive $0xFFFF  }
0x306: {  	_ =	shalt  }

</sc_bundles>
